<compile_context>
chip_gen: v7x
topology: tpu7x:2x2x1
jax: 0.10.2.dev20260603
libtpu: 0.0.44.dev20260713+nightly
codegen_flags: <defaults>
</compile_context>

<pallas_src>
import jax
import jax.numpy as jnp
from jax import lax
from jax.experimental import pallas as pl
from jax.experimental.pallas import tpu as pltpu
from jax.experimental.pallas import tpu_sc as plsc

_NW = 32
_K = 200
_G = 4
_NGRP = _K // _G


def _body(xt_hbm, w_hbm, out_hbm, idx0, idx1, r0, r1, r2, r3, tb0, tb1,
          si0, si1, sg0, sg1, sg2, sg3, so0, so1):
    idxb = (idx0, idx1)
    rows = (r0, r1, r2, r3)
    tb = (tb0, tb1)
    si = (si0, si1)
    sg = (sg0, sg1, sg2, sg3)
    so = (so0, so1)

    wid = lax.axis_index("s") * 2 + lax.axis_index("c")
    g0 = wid * _NGRP
    iot = lax.iota(jnp.int32, 16)

    def coords(i):
        b = (g0 + i) * _G
        return b // 128, b % 128

    def idx_cp(i, sb):
        j, it0 = coords(i)
        return pltpu.make_async_copy(
            xt_hbm.at[j, pl.ds(it0, _G), :], idxb[sb], si[sb])

    def gather_cp(sb, g):
        return pltpu.make_async_copy(w_hbm.at[idxb[sb].at[g]], rows[g], sg[g])

    def write_cps(i, sb):
        j, it0 = coords(i)
        cps = []
        for dt in range(8):
            off = (((j * 8 + dt) * 128) + it0) * 1024
            cps.append(pltpu.make_async_copy(
                tb[sb].at[pl.ds(dt * 4096, 4096)],
                out_hbm.at[pl.ds(off, 4096)], so[sb]))
        return cps

    def transpose_block(g, sb):
        @plsc.parallel_loop(0, 128, 1, unroll=2)
        def _(m):
            t0 = m & ~15
            k = m & 15
            tvec = iot + t0
            e2 = (iot + k) & 15
            ckv = ((e2 >> 3) << 12) + ((e2 & 7) << 7) + iot
            for dc in range(4):
                vals = plsc.load_gather(rows[g], [tvec, e2 + dc * 16])
                sidx = ckv + (dc * 8192 + g * 1024 + t0)
                plsc.store_scatter(tb[sb], [sidx], vals)

    cp = idx_cp(0, 0)
    cp.start()
    cp.wait()
    for g in range(_G):
        gather_cp(0, g).start()
    idx_cp(1, 1).start()

    def loop_body(io, carry):
        for ii in range(2):
            i = io * 2 + ii
            sb = ii

            @pl.when(i >= 2)
            def _():
                for cp in write_cps(i - 2, sb):
                    cp.wait()

            @pl.when(i + 1 < _NGRP)
            def _():
                idx_cp(i + 1, 1 - sb).wait()

            for g in range(_G):
                gather_cp(sb, g).wait()
                transpose_block(g, sb)

                @pl.when(i + 1 < _NGRP)
                def _():
                    gather_cp(1 - sb, g).start()

            for cp in write_cps(i, sb):
                cp.start()

            @pl.when(i + 2 < _NGRP)
            def _():
                idx_cp(i + 2, sb).start()
        return carry

    lax.fori_loop(0, _NGRP // 2, loop_body, 0)

    for cp in write_cps(_NGRP - 2, 0):
        cp.wait()
    for cp in write_cps(_NGRP - 1, 1):
        cp.wait()


def kernel(x, weight):
    xt3 = x.T.reshape(50, 128, 128)
    mesh = plsc.VectorSubcoreMesh(core_axis_name="c", subcore_axis_name="s")
    run = pl.kernel(
        _body,
        out_type=jax.ShapeDtypeStruct((52428800,), jnp.float32),
        mesh=mesh,
        scratch_types=(
            [pltpu.VMEM((_G, 128), jnp.int32)] * 2
            + [pltpu.VMEM((128, 64), jnp.float32)] * 4
            + [pltpu.VMEM((32768,), jnp.float32)] * 2
            + [pltpu.SemaphoreType.DMA] * 8
        ),
        compiler_params=pltpu.CompilerParams(
            use_tc_tiling_on_sc=False, needs_layout_passes=False),
    )
    out = run(xt3, weight)
    out5 = out.reshape(50, 8, 128, 8, 128)
    return out5.transpose(2, 4, 0, 1, 3).reshape(16384, 50, 64)

# --- scband reference (transcript-rebuilt; emitter-appended) ---
"""Pipeline reference for scband-parallel-embedding-25537875542554 (READ-ONLY COPY).

The authoritative reference and input builder live on the scoring server;
editing this copy changes nothing except your own understanding.
"""

import jax, jax.numpy as jnp
import numpy as np

VOCAB = 1000000
DIM = 64

def setup_inputs(seed: int = 0) -> dict:
    key = jax.random.key(seed)
    k1, k2 = jax.random.split(key)
    x = jax.random.randint(k1, (16384, 50), 0, VOCAB, dtype=jnp.int64 if jax.config.jax_enable_x64 else jnp.int32).astype(jnp.int32)
    weight = jax.random.normal(k2, (VOCAB, DIM), dtype=jnp.float32) * 0.02
    return {"x": x, "weight": weight}

def reference(x, weight):
    # world_size == 1: plain embedding lookup, y = weight[x]
    y = jnp.take(weight, x, axis=0)
    return y

if __name__ == "__main__":
    import jax
    _d = setup_inputs()
    print(jax.jit(kernel)(*tuple(_d.values())))

</pallas_src>

<mosaic_0001>
#map = affine_map<(d0, d1) -> (0, 0, 0)>
#map1 = affine_map<(d0, d1) -> (0, 0)>
#map2 = affine_map<(d0, d1) -> (0)>
module attributes {stable_mosaic.version = 14 : i64} {
  func.func @_body(%arg0: i32, %arg1: i32, %arg2: memref<50x128x128xi32, #tpu.memory_space<hbm>>, %arg3: memref<1000000x64xf32, #tpu.memory_space<hbm>>, %arg4: memref<52428800xf32, #tpu.memory_space<hbm>>, %arg5: memref<4x128xi32, #tpu.memory_space<vmem>>, %arg6: memref<4x128xi32, #tpu.memory_space<vmem>>, %arg7: memref<128x64xf32, #tpu.memory_space<vmem>>, %arg8: memref<128x64xf32, #tpu.memory_space<vmem>>, %arg9: memref<128x64xf32, #tpu.memory_space<vmem>>, %arg10: memref<128x64xf32, #tpu.memory_space<vmem>>, %arg11: memref<32768xf32, #tpu.memory_space<vmem>>, %arg12: memref<32768xf32, #tpu.memory_space<vmem>>, %arg13: memref<!tpu.dma_semaphore, #tpu.memory_space<semaphore_mem>>, %arg14: memref<!tpu.dma_semaphore, #tpu.memory_space<semaphore_mem>>, %arg15: memref<!tpu.dma_semaphore, #tpu.memory_space<semaphore_mem>>, %arg16: memref<!tpu.dma_semaphore, #tpu.memory_space<semaphore_mem>>, %arg17: memref<!tpu.dma_semaphore, #tpu.memory_space<semaphore_mem>>, %arg18: memref<!tpu.dma_semaphore, #tpu.memory_space<semaphore_mem>>, %arg19: memref<!tpu.dma_semaphore, #tpu.memory_space<semaphore_mem>>, %arg20: memref<!tpu.dma_semaphore, #tpu.memory_space<semaphore_mem>>) attributes {dimension_semantics = [#tpu.dimension_semantics<core_parallel>, #tpu.dimension_semantics<subcore_parallel>], iteration_bounds = array<i64: 2, 16>, scalar_prefetch = 0 : i64, scratch_operands = 16 : i64, tpu.core_type = #tpu.core_type<sc_vector_subcore>, window_params = [{transform_indices = #map}, {transform_indices = #map1}, {transform_indices = #map2}]} {
    %mul3A = arith.constant 2 : i32
    %mul3A_0 = arith.muli %arg1, %mul3A : i32
    %add3A = arith.addi %mul3A_0, %arg0 : i32
    %mul3A_1 = arith.constant 50 : i32
    %mul3A_2 = arith.muli %add3A, %mul3A_1 : i32
    %iota3A = tpu.iota {dimensions = array<i32: 0>} : vector<16xi32>
    %add3A_3 = arith.constant 0 : i32
    %add3A_4 = arith.addi %mul3A_2, %add3A_3 : i32
    %mul3A_5 = arith.constant 4 : i32
    %mul3A_6 = arith.muli %add3A_4, %mul3A_5 : i32
    %jit3A = arith.constant 128 : i32
    %div3A = arith.divsi %mul3A_6, %jit3A : i32
    %sign3A = arith.constant 0 : i32
    %sign3A_7 = arith.cmpi sgt, %mul3A_6, %sign3A : i32
    %sign3A_8 = arith.extui %sign3A_7 : i1 to i32
    %sign3A_9 = arith.constant 0 : i32
    %sign3A_10 = arith.cmpi slt, %mul3A_6, %sign3A_9 : i32
    %sign3A_11 = arith.extui %sign3A_10 : i1 to i32
    %sign3A_12 = arith.subi %sign3A_8, %sign3A_11 : i32
    %sign3A_13 = arith.constant 0 : i32
    %sign3A_14 = arith.cmpi sgt, %jit3A, %sign3A_13 : i32
    %sign3A_15 = arith.extui %sign3A_14 : i1 to i32
    %sign3A_16 = arith.constant 0 : i32
    %sign3A_17 = arith.cmpi slt, %jit3A, %sign3A_16 : i32
    %sign3A_18 = arith.extui %sign3A_17 : i1 to i32
    %sign3A_19 = arith.subi %sign3A_15, %sign3A_18 : i32
    %ne3A = arith.cmpi ne, %sign3A_12, %sign3A_19 : i32
    %rem3A = arith.remsi %mul3A_6, %jit3A : i32
    %ne3A_20 = arith.constant 0 : i32
    %ne3A_21 = arith.cmpi ne, %rem3A, %ne3A_20 : i32
    %and3A = arith.andi %ne3A, %ne3A_21 : i1
    %sub3A = arith.constant 1 : i32
    %sub3A_22 = arith.subi %div3A, %sub3A : i32
    %select_n3A = arith.select %and3A, %sub3A_22, %div3A : i32
    %jit3A_23 = arith.constant 128 : i32
    %eq3A = arith.constant 0 : i32
    %eq3A_24 = arith.cmpi eq, %jit3A_23, %eq3A : i32
    %jit3A_25 = arith.constant 1 : i32
    %select_n3A_26 = arith.select %eq3A_24, %jit3A_25, %jit3A_23 : i32
    %rem3A_27 = arith.remsi %mul3A_6, %select_n3A_26 : i32
    %ne3A_28 = arith.constant 0 : i32
    %ne3A_29 = arith.cmpi ne, %rem3A_27, %ne3A_28 : i32
    %lt3A = arith.constant 0 : i32
    %lt3A_30 = arith.cmpi slt, %rem3A_27, %lt3A : i32
    %lt3A_31 = arith.constant 0 : i32
    %lt3A_32 = arith.cmpi slt, %select_n3A_26, %lt3A_31 : i32
    %ne3A_33 = arith.xori %lt3A_30, %lt3A_32 : i1
    %and3A_34 = arith.andi %ne3A_33, %ne3A_29 : i1
    %add3A_35 = arith.addi %rem3A_27, %select_n3A_26 : i32
    %select_n3A_36 = arith.select %and3A_34, %add3A_35, %rem3A_27 : i32
    %dma_start3A = arith.constant 0 : i32
    %dma_start3A_37 = tpu.memref_slice %arg2[%select_n3A, %select_n3A_36, %dma_start3A] : memref<50x128x128xi32, #tpu.memory_space<hbm>> -> memref<1x4x128xi32, #tpu.memory_space<hbm>>
    %dma_start3A_38 = tpu.memref_squeeze %dma_start3A_37 : memref<1x4x128xi32, #tpu.memory_space<hbm>> -> memref<4x128xi32, #tpu.memory_space<hbm>>
    %dma_start3A_39 = arith.constant 0 : i32
    %dma_start3A_40 = tpu.memref_slice %arg2[%select_n3A, %select_n3A_36, %dma_start3A_39] : memref<50x128x128xi32, #tpu.memory_space<hbm>> -> memref<1x4x128xi32, #tpu.memory_space<hbm>>
    %dma_start3A_41 = tpu.memref_squeeze %dma_start3A_40 : memref<1x4x128xi32, #tpu.memory_space<hbm>> -> memref<4x128xi32, #tpu.memory_space<hbm>>
    tpu.enqueue_dma source(%dma_start3A_41 : memref<4x128xi32, #tpu.memory_space<hbm>>) target(%arg5 : memref<4x128xi32, #tpu.memory_space<vmem>>) target_semaphore(%arg13 : memref<!tpu.dma_semaphore, #tpu.memory_space<semaphore_mem>>)
    %dma_wait3A = arith.constant 0 : i32
    %dma_wait3A_42 = tpu.memref_slice %arg2[%select_n3A, %select_n3A_36, %dma_wait3A] : memref<50x128x128xi32, #tpu.memory_space<hbm>> -> memref<1x4x128xi32, #tpu.memory_space<hbm>>
    %dma_wait3A_43 = tpu.memref_squeeze %dma_wait3A_42 : memref<1x4x128xi32, #tpu.memory_space<hbm>> -> memref<4x128xi32, #tpu.memory_space<hbm>>
    %dma_wait3A_44 = arith.constant 0 : i32
    %dma_wait3A_45 = tpu.memref_slice %arg2[%select_n3A, %select_n3A_36, %dma_wait3A_44] : memref<50x128x128xi32, #tpu.memory_space<hbm>> -> memref<1x4x128xi32, #tpu.memory_space<hbm>>
    %dma_wait3A_46 = tpu.memref_squeeze %dma_wait3A_45 : memref<1x4x128xi32, #tpu.memory_space<hbm>> -> memref<4x128xi32, #tpu.memory_space<hbm>>
    tpu.wait_dma2 semaphore(%arg13 : memref<!tpu.dma_semaphore, #tpu.memory_space<semaphore_mem>>) src(%dma_wait3A_46 : memref<4x128xi32, #tpu.memory_space<hbm>>) dst(%arg5 : memref<4x128xi32, #tpu.memory_space<vmem>>)
    %dma_start3A_47 = arith.constant 0 : i32
    %dma_start3A_48 = arith.constant 0 : i32
    %dma_start3A_49 = tpu.memref_slice %arg5[%dma_start3A_47, %dma_start3A_48] : memref<4x128xi32, #tpu.memory_space<vmem>> -> memref<1x128xi32, #tpu.memory_space<vmem>>
    %dma_start3A_50 = tpu.memref_squeeze %dma_start3A_49 : memref<1x128xi32, #tpu.memory_space<vmem>> -> memref<128xi32, #tpu.memory_space<vmem>>
    %dma_start3A_51 = arith.constant 0 : i32
    %dma_start3A_52 = arith.constant 0 : i32
    %dma_start3A_53 = tpu.memref_slice %arg3[%dma_start3A_51, %dma_start3A_52] : memref<1000000x64xf32, #tpu.memory_space<hbm>> -> memref<1000000x64xf32, #tpu.memory_space<hbm>>
    tpu.enqueue_indirect_dma source(%dma_start3A_53 : memref<1000000x64xf32, #tpu.memory_space<hbm>>) target(%arg7 : memref<128x64xf32, #tpu.memory_space<vmem>>) offsets(%dma_start3A_50 : memref<128xi32, #tpu.memory_space<vmem>>) semaphore(%arg15 : memref<!tpu.dma_semaphore, #tpu.memory_space<semaphore_mem>>)
    %dma_start3A_54 = arith.constant 1 : i32
    %dma_start3A_55 = arith.constant 0 : i32
    %dma_start3A_56 = tpu.memref_slice %arg5[%dma_start3A_54, %dma_start3A_55] : memref<4x128xi32, #tpu.memory_space<vmem>> -> memref<1x128xi32, #tpu.memory_space<vmem>>
    %dma_start3A_57 = tpu.memref_squeeze %dma_start3A_56 : memref<1x128xi32, #tpu.memory_space<vmem>> -> memref<128xi32, #tpu.memory_space<vmem>>
    %dma_start3A_58 = arith.constant 0 : i32
    %dma_start3A_59 = arith.constant 0 : i32
    %dma_start3A_60 = tpu.memref_slice %arg3[%dma_start3A_58, %dma_start3A_59] : memref<1000000x64xf32, #tpu.memory_space<hbm>> -> memref<1000000x64xf32, #tpu.memory_space<hbm>>
    tpu.enqueue_indirect_dma source(%dma_start3A_60 : memref<1000000x64xf32, #tpu.memory_space<hbm>>) target(%arg8 : memref<128x64xf32, #tpu.memory_space<vmem>>) offsets(%dma_start3A_57 : memref<128xi32, #tpu.memory_space<vmem>>) semaphore(%arg16 : memref<!tpu.dma_semaphore, #tpu.memory_space<semaphore_mem>>)
    %dma_start3A_61 = arith.constant 2 : i32
    %dma_start3A_62 = arith.constant 0 : i32
    %dma_start3A_63 = tpu.memref_slice %arg5[%dma_start3A_61, %dma_start3A_62] : memref<4x128xi32, #tpu.memory_space<vmem>> -> memref<1x128xi32, #tpu.memory_space<vmem>>
    %dma_start3A_64 = tpu.memref_squeeze %dma_start3A_63 : memref<1x128xi32, #tpu.memory_space<vmem>> -> memref<128xi32, #tpu.memory_space<vmem>>
    %dma_start3A_65 = arith.constant 0 : i32
    %dma_start3A_66 = arith.constant 0 : i32
    %dma_start3A_67 = tpu.memref_slice %arg3[%dma_start3A_65, %dma_start3A_66] : memref<1000000x64xf32, #tpu.memory_space<hbm>> -> memref<1000000x64xf32, #tpu.memory_space<hbm>>
    tpu.enqueue_indirect_dma source(%dma_start3A_67 : memref<1000000x64xf32, #tpu.memory_space<hbm>>) target(%arg9 : memref<128x64xf32, #tpu.memory_space<vmem>>) offsets(%dma_start3A_64 : memref<128xi32, #tpu.memory_space<vmem>>) semaphore(%arg17 : memref<!tpu.dma_semaphore, #tpu.memory_space<semaphore_mem>>)
    %dma_start3A_68 = arith.constant 3 : i32
    %dma_start3A_69 = arith.constant 0 : i32
    %dma_start3A_70 = tpu.memref_slice %arg5[%dma_start3A_68, %dma_start3A_69] : memref<4x128xi32, #tpu.memory_space<vmem>> -> memref<1x128xi32, #tpu.memory_space<vmem>>
    %dma_start3A_71 = tpu.memref_squeeze %dma_start3A_70 : memref<1x128xi32, #tpu.memory_space<vmem>> -> memref<128xi32, #tpu.memory_space<vmem>>
    %dma_start3A_72 = arith.constant 0 : i32
    %dma_start3A_73 = arith.constant 0 : i32
    %dma_start3A_74 = tpu.memref_slice %arg3[%dma_start3A_72, %dma_start3A_73] : memref<1000000x64xf32, #tpu.memory_space<hbm>> -> memref<1000000x64xf32, #tpu.memory_space<hbm>>
    tpu.enqueue_indirect_dma source(%dma_start3A_74 : memref<1000000x64xf32, #tpu.memory_space<hbm>>) target(%arg10 : memref<128x64xf32, #tpu.memory_space<vmem>>) offsets(%dma_start3A_71 : memref<128xi32, #tpu.memory_space<vmem>>) semaphore(%arg18 : memref<!tpu.dma_semaphore, #tpu.memory_space<semaphore_mem>>)
    %add3A_75 = arith.constant 1 : i32
    %add3A_76 = arith.addi %mul3A_2, %add3A_75 : i32
    %mul3A_77 = arith.constant 4 : i32
    %mul3A_78 = arith.muli %add3A_76, %mul3A_77 : i32
    %jit3A_79 = arith.constant 128 : i32
    %div3A_80 = arith.divsi %mul3A_78, %jit3A_79 : i32
    %sign3A_81 = arith.constant 0 : i32
    %sign3A_82 = arith.cmpi sgt, %mul3A_78, %sign3A_81 : i32
    %sign3A_83 = arith.extui %sign3A_82 : i1 to i32
    %sign3A_84 = arith.constant 0 : i32
    %sign3A_85 = arith.cmpi slt, %mul3A_78, %sign3A_84 : i32
    %sign3A_86 = arith.extui %sign3A_85 : i1 to i32
    %sign3A_87 = arith.subi %sign3A_83, %sign3A_86 : i32
    %sign3A_88 = arith.constant 0 : i32
    %sign3A_89 = arith.cmpi sgt, %jit3A_79, %sign3A_88 : i32
    %sign3A_90 = arith.extui %sign3A_89 : i1 to i32
    %sign3A_91 = arith.constant 0 : i32
    %sign3A_92 = arith.cmpi slt, %jit3A_79, %sign3A_91 : i32
    %sign3A_93 = arith.extui %sign3A_92 : i1 to i32
    %sign3A_94 = arith.subi %sign3A_90, %sign3A_93 : i32
    %ne3A_95 = arith.cmpi ne, %sign3A_87, %sign3A_94 : i32
    %rem3A_96 = arith.remsi %mul3A_78, %jit3A_79 : i32
    %ne3A_97 = arith.constant 0 : i32
    %ne3A_98 = arith.cmpi ne, %rem3A_96, %ne3A_97 : i32
    %and3A_99 = arith.andi %ne3A_95, %ne3A_98 : i1
    %sub3A_100 = arith.constant 1 : i32
    %sub3A_101 = arith.subi %div3A_80, %sub3A_100 : i32
    %select_n3A_102 = arith.select %and3A_99, %sub3A_101, %div3A_80 : i32
    %jit3A_103 = arith.constant 128 : i32
    %eq3A_104 = arith.constant 0 : i32
    %eq3A_105 = arith.cmpi eq, %jit3A_103, %eq3A_104 : i32
    %jit3A_106 = arith.constant 1 : i32
    %select_n3A_107 = arith.select %eq3A_105, %jit3A_106, %jit3A_103 : i32
    %rem3A_108 = arith.remsi %mul3A_78, %select_n3A_107 : i32
    %ne3A_109 = arith.constant 0 : i32
    %ne3A_110 = arith.cmpi ne, %rem3A_108, %ne3A_109 : i32
    %lt3A_111 = arith.constant 0 : i32
    %lt3A_112 = arith.cmpi slt, %rem3A_108, %lt3A_111 : i32
    %lt3A_113 = arith.constant 0 : i32
    %lt3A_114 = arith.cmpi slt, %select_n3A_107, %lt3A_113 : i32
    %ne3A_115 = arith.xori %lt3A_112, %lt3A_114 : i1
    %and3A_116 = arith.andi %ne3A_115, %ne3A_110 : i1
    %add3A_117 = arith.addi %rem3A_108, %select_n3A_107 : i32
    %select_n3A_118 = arith.select %and3A_116, %add3A_117, %rem3A_108 : i32
    %dma_start3A_119 = arith.constant 0 : i32
    %dma_start3A_120 = tpu.memref_slice %arg2[%select_n3A_102, %select_n3A_118, %dma_start3A_119] : memref<50x128x128xi32, #tpu.memory_space<hbm>> -> memref<1x4x128xi32, #tpu.memory_space<hbm>>
    %dma_start3A_121 = tpu.memref_squeeze %dma_start3A_120 : memref<1x4x128xi32, #tpu.memory_space<hbm>> -> memref<4x128xi32, #tpu.memory_space<hbm>>
    %dma_start3A_122 = arith.constant 0 : i32
    %dma_start3A_123 = tpu.memref_slice %arg2[%select_n3A_102, %select_n3A_118, %dma_start3A_122] : memref<50x128x128xi32, #tpu.memory_space<hbm>> -> memref<1x4x128xi32, #tpu.memory_space<hbm>>
    %dma_start3A_124 = tpu.memref_squeeze %dma_start3A_123 : memref<1x4x128xi32, #tpu.memory_space<hbm>> -> memref<4x128xi32, #tpu.memory_space<hbm>>
    tpu.enqueue_dma source(%dma_start3A_124 : memref<4x128xi32, #tpu.memory_space<hbm>>) target(%arg6 : memref<4x128xi32, #tpu.memory_space<vmem>>) target_semaphore(%arg14 : memref<!tpu.dma_semaphore, #tpu.memory_space<semaphore_mem>>)
    %scan3A = arith.constant 0 : i32
    %scan3A_125 = arith.constant 0 : i32
    %scan3A_126 = arith.constant 25 : i32
    %scan3A_127 = arith.addi %scan3A_125, %scan3A_126 : i32
    %scan3A_128 = arith.constant 1 : i32
    scf.for %scan3A_458 = %scan3A_125 to %scan3A_127 step %scan3A_128  : i32 {
      %mul3A_459 = arith.constant 2 : i32
      %mul3A_460 = arith.muli %scan3A_458, %mul3A_459 : i32
      %add3A_461 = arith.constant 0 : i32
      %add3A_462 = arith.addi %mul3A_460, %add3A_461 : i32
      %ge3A = arith.constant 2 : i32
      %ge3A_463 = arith.cmpi sge, %add3A_462, %ge3A : i32
      %convert_element_type3A = arith.extui %ge3A_463 : i1 to i32
      %cond3A = arith.constant 0 : i32
      %cond3A_464 = arith.cmpi ne, %convert_element_type3A, %cond3A : i32
      scf.if %cond3A_464 {
        %sub3A_963 = arith.constant 2 : i32
        %sub3A_964 = arith.subi %add3A_462, %sub3A_963 : i32
        %add3A_965 = arith.addi %mul3A_2, %sub3A_964 : i32
        %mul3A_966 = arith.constant 4 : i32
        %mul3A_967 = arith.muli %add3A_965, %mul3A_966 : i32
        %jit3A_968 = arith.constant 128 : i32
        %div3A_969 = arith.divsi %mul3A_967, %jit3A_968 : i32
        %sign3A_970 = arith.constant 0 : i32
        %sign3A_971 = arith.cmpi sgt, %mul3A_967, %sign3A_970 : i32
        %sign3A_972 = arith.extui %sign3A_971 : i1 to i32
        %sign3A_973 = arith.constant 0 : i32
        %sign3A_974 = arith.cmpi slt, %mul3A_967, %sign3A_973 : i32
        %sign3A_975 = arith.extui %sign3A_974 : i1 to i32
        %sign3A_976 = arith.subi %sign3A_972, %sign3A_975 : i32
        %sign3A_977 = arith.constant 0 : i32
        %sign3A_978 = arith.cmpi sgt, %jit3A_968, %sign3A_977 : i32
        %sign3A_979 = arith.extui %sign3A_978 : i1 to i32
        %sign3A_980 = arith.constant 0 : i32
        %sign3A_981 = arith.cmpi slt, %jit3A_968, %sign3A_980 : i32
        %sign3A_982 = arith.extui %sign3A_981 : i1 to i32
        %sign3A_983 = arith.subi %sign3A_979, %sign3A_982 : i32
        %ne3A_984 = arith.cmpi ne, %sign3A_976, %sign3A_983 : i32
        %rem3A_985 = arith.remsi %mul3A_967, %jit3A_968 : i32
        %ne3A_986 = arith.constant 0 : i32
        %ne3A_987 = arith.cmpi ne, %rem3A_985, %ne3A_986 : i32
        %and3A_988 = arith.andi %ne3A_984, %ne3A_987 : i1
        %sub3A_989 = arith.constant 1 : i32
        %sub3A_990 = arith.subi %div3A_969, %sub3A_989 : i32
        %select_n3A_991 = arith.select %and3A_988, %sub3A_990, %div3A_969 : i32
        %jit3A_992 = arith.constant 128 : i32
        %eq3A_993 = arith.constant 0 : i32
        %eq3A_994 = arith.cmpi eq, %jit3A_992, %eq3A_993 : i32
        %jit3A_995 = arith.constant 1 : i32
        %select_n3A_996 = arith.select %eq3A_994, %jit3A_995, %jit3A_992 : i32
        %rem3A_997 = arith.remsi %mul3A_967, %select_n3A_996 : i32
        %ne3A_998 = arith.constant 0 : i32
        %ne3A_999 = arith.cmpi ne, %rem3A_997, %ne3A_998 : i32
        %lt3A_1000 = arith.constant 0 : i32
        %lt3A_1001 = arith.cmpi slt, %rem3A_997, %lt3A_1000 : i32
        %lt3A_1002 = arith.constant 0 : i32
        %lt3A_1003 = arith.cmpi slt, %select_n3A_996, %lt3A_1002 : i32
        %ne3A_1004 = arith.xori %lt3A_1001, %lt3A_1003 : i1
        %and3A_1005 = arith.andi %ne3A_1004, %ne3A_999 : i1
        %add3A_1006 = arith.addi %rem3A_997, %select_n3A_996 : i32
        %select_n3A_1007 = arith.select %and3A_1005, %add3A_1006, %rem3A_997 : i32
        %mul3A_1008 = arith.constant 8 : i32
        %mul3A_1009 = arith.muli %select_n3A_991, %mul3A_1008 : i32
        %add3A_1010 = arith.constant 0 : i32
        %add3A_1011 = arith.addi %mul3A_1009, %add3A_1010 : i32
        %mul3A_1012 = arith.constant 128 : i32
        %mul3A_1013 = arith.muli %add3A_1011, %mul3A_1012 : i32
        %add3A_1014 = arith.addi %mul3A_1013, %select_n3A_1007 : i32
        %mul3A_1015 = arith.constant 1024 : i32
        %mul3A_1016 = arith.muli %add3A_1014, %mul3A_1015 : i32
        %mul3A_1017 = arith.constant 8 : i32
        %mul3A_1018 = arith.muli %select_n3A_991, %mul3A_1017 : i32
        %add3A_1019 = arith.constant 1 : i32
        %add3A_1020 = arith.addi %mul3A_1018, %add3A_1019 : i32
        %mul3A_1021 = arith.constant 128 : i32
        %mul3A_1022 = arith.muli %add3A_1020, %mul3A_1021 : i32
        %add3A_1023 = arith.addi %mul3A_1022, %select_n3A_1007 : i32
        %mul3A_1024 = arith.constant 1024 : i32
        %mul3A_1025 = arith.muli %add3A_1023, %mul3A_1024 : i32
        %mul3A_1026 = arith.constant 8 : i32
        %mul3A_1027 = arith.muli %select_n3A_991, %mul3A_1026 : i32
        %add3A_1028 = arith.constant 2 : i32
        %add3A_1029 = arith.addi %mul3A_1027, %add3A_1028 : i32
        %mul3A_1030 = arith.constant 128 : i32
        %mul3A_1031 = arith.muli %add3A_1029, %mul3A_1030 : i32
        %add3A_1032 = arith.addi %mul3A_1031, %select_n3A_1007 : i32
        %mul3A_1033 = arith.constant 1024 : i32
        %mul3A_1034 = arith.muli %add3A_1032, %mul3A_1033 : i32
        %mul3A_1035 = arith.constant 8 : i32
        %mul3A_1036 = arith.muli %select_n3A_991, %mul3A_1035 : i32
        %add3A_1037 = arith.constant 3 : i32
        %add3A_1038 = arith.addi %mul3A_1036, %add3A_1037 : i32
        %mul3A_1039 = arith.constant 128 : i32
        %mul3A_1040 = arith.muli %add3A_1038, %mul3A_1039 : i32
        %add3A_1041 = arith.addi %mul3A_1040, %select_n3A_1007 : i32
        %mul3A_1042 = arith.constant 1024 : i32
        %mul3A_1043 = arith.muli %add3A_1041, %mul3A_1042 : i32
        %mul3A_1044 = arith.constant 8 : i32
        %mul3A_1045 = arith.muli %select_n3A_991, %mul3A_1044 : i32
        %add3A_1046 = arith.constant 4 : i32
        %add3A_1047 = arith.addi %mul3A_1045, %add3A_1046 : i32
        %mul3A_1048 = arith.constant 128 : i32
        %mul3A_1049 = arith.muli %add3A_1047, %mul3A_1048 : i32
        %add3A_1050 = arith.addi %mul3A_1049, %select_n3A_1007 : i32
        %mul3A_1051 = arith.constant 1024 : i32
        %mul3A_1052 = arith.muli %add3A_1050, %mul3A_1051 : i32
        %mul3A_1053 = arith.constant 8 : i32
        %mul3A_1054 = arith.muli %select_n3A_991, %mul3A_1053 : i32
        %add3A_1055 = arith.constant 5 : i32
        %add3A_1056 = arith.addi %mul3A_1054, %add3A_1055 : i32
        %mul3A_1057 = arith.constant 128 : i32
        %mul3A_1058 = arith.muli %add3A_1056, %mul3A_1057 : i32
        %add3A_1059 = arith.addi %mul3A_1058, %select_n3A_1007 : i32
        %mul3A_1060 = arith.constant 1024 : i32
        %mul3A_1061 = arith.muli %add3A_1059, %mul3A_1060 : i32
        %mul3A_1062 = arith.constant 8 : i32
        %mul3A_1063 = arith.muli %select_n3A_991, %mul3A_1062 : i32
        %add3A_1064 = arith.constant 6 : i32
        %add3A_1065 = arith.addi %mul3A_1063, %add3A_1064 : i32
        %mul3A_1066 = arith.constant 128 : i32
        %mul3A_1067 = arith.muli %add3A_1065, %mul3A_1066 : i32
        %add3A_1068 = arith.addi %mul3A_1067, %select_n3A_1007 : i32
        %mul3A_1069 = arith.constant 1024 : i32
        %mul3A_1070 = arith.muli %add3A_1068, %mul3A_1069 : i32
        %mul3A_1071 = arith.constant 8 : i32
        %mul3A_1072 = arith.muli %select_n3A_991, %mul3A_1071 : i32
        %add3A_1073 = arith.constant 7 : i32
        %add3A_1074 = arith.addi %mul3A_1072, %add3A_1073 : i32
        %mul3A_1075 = arith.constant 128 : i32
        %mul3A_1076 = arith.muli %add3A_1074, %mul3A_1075 : i32
        %add3A_1077 = arith.addi %mul3A_1076, %select_n3A_1007 : i32
        %mul3A_1078 = arith.constant 1024 : i32
        %mul3A_1079 = arith.muli %add3A_1077, %mul3A_1078 : i32
        %dma_wait3A_1080 = arith.constant 0 : i32
        %dma_wait3A_1081 = tpu.memref_slice %arg11[%dma_wait3A_1080] : memref<32768xf32, #tpu.memory_space<vmem>> -> memref<4096xf32, #tpu.memory_space<vmem>>
        %dma_wait3A_1082 = tpu.memref_slice %arg4[%mul3A_1016] : memref<52428800xf32, #tpu.memory_space<hbm>> -> memref<4096xf32, #tpu.memory_space<hbm>>
        %dma_wait3A_1083 = tpu.memref_slice %arg4[%mul3A_1016] : memref<52428800xf32, #tpu.memory_space<hbm>> -> memref<4096xf32, #tpu.memory_space<hbm>>
        %dma_wait3A_1084 = arith.constant 0 : i32
        %dma_wait3A_1085 = tpu.memref_slice %arg11[%dma_wait3A_1084] : memref<32768xf32, #tpu.memory_space<vmem>> -> memref<4096xf32, #tpu.memory_space<vmem>>
        tpu.wait_dma2 semaphore(%arg19 : memref<!tpu.dma_semaphore, #tpu.memory_space<semaphore_mem>>) src(%dma_wait3A_1085 : memref<4096xf32, #tpu.memory_space<vmem>>) dst(%dma_wait3A_1083 : memref<4096xf32, #tpu.memory_space<hbm>>)
        %dma_wait3A_1086 = arith.constant 4096 : i32
        %dma_wait3A_1087 = tpu.memref_slice %arg11[%dma_wait3A_1086] : memref<32768xf32, #tpu.memory_space<vmem>> -> memref<4096xf32, #tpu.memory_space<vmem>>
        %dma_wait3A_1088 = tpu.memref_slice %arg4[%mul3A_1025] : memref<52428800xf32, #tpu.memory_space<hbm>> -> memref<4096xf32, #tpu.memory_space<hbm>>
        %dma_wait3A_1089 = tpu.memref_slice %arg4[%mul3A_1025] : memref<52428800xf32, #tpu.memory_space<hbm>> -> memref<4096xf32, #tpu.memory_space<hbm>>
        %dma_wait3A_1090 = arith.constant 4096 : i32
        %dma_wait3A_1091 = tpu.memref_slice %arg11[%dma_wait3A_1090] : memref<32768xf32, #tpu.memory_space<vmem>> -> memref<4096xf32, #tpu.memory_space<vmem>>
        tpu.wait_dma2 semaphore(%arg19 : memref<!tpu.dma_semaphore, #tpu.memory_space<semaphore_mem>>) src(%dma_wait3A_1091 : memref<4096xf32, #tpu.memory_space<vmem>>) dst(%dma_wait3A_1089 : memref<4096xf32, #tpu.memory_space<hbm>>)
        %dma_wait3A_1092 = arith.constant 8192 : i32
        %dma_wait3A_1093 = tpu.memref_slice %arg11[%dma_wait3A_1092] : memref<32768xf32, #tpu.memory_space<vmem>> -> memref<4096xf32, #tpu.memory_space<vmem>>
        %dma_wait3A_1094 = tpu.memref_slice %arg4[%mul3A_1034] : memref<52428800xf32, #tpu.memory_space<hbm>> -> memref<4096xf32, #tpu.memory_space<hbm>>
        %dma_wait3A_1095 = tpu.memref_slice %arg4[%mul3A_1034] : memref<52428800xf32, #tpu.memory_space<hbm>> -> memref<4096xf32, #tpu.memory_space<hbm>>
        %dma_wait3A_1096 = arith.constant 8192 : i32
        %dma_wait3A_1097 = tpu.memref_slice %arg11[%dma_wait3A_1096] : memref<32768xf32, #tpu.memory_space<vmem>> -> memref<4096xf32, #tpu.memory_space<vmem>>
        tpu.wait_dma2 semaphore(%arg19 : memref<!tpu.dma_semaphore, #tpu.memory_space<semaphore_mem>>) src(%dma_wait3A_1097 : memref<4096xf32, #tpu.memory_space<vmem>>) dst(%dma_wait3A_1095 : memref<4096xf32, #tpu.memory_space<hbm>>)
        %dma_wait3A_1098 = arith.constant 12288 : i32
        %dma_wait3A_1099 = tpu.memref_slice %arg11[%dma_wait3A_1098] : memref<32768xf32, #tpu.memory_space<vmem>> -> memref<4096xf32, #tpu.memory_space<vmem>>
        %dma_wait3A_1100 = tpu.memref_slice %arg4[%mul3A_1043] : memref<52428800xf32, #tpu.memory_space<hbm>> -> memref<4096xf32, #tpu.memory_space<hbm>>
        %dma_wait3A_1101 = tpu.memref_slice %arg4[%mul3A_1043] : memref<52428800xf32, #tpu.memory_space<hbm>> -> memref<4096xf32, #tpu.memory_space<hbm>>
        %dma_wait3A_1102 = arith.constant 12288 : i32
        %dma_wait3A_1103 = tpu.memref_slice %arg11[%dma_wait3A_1102] : memref<32768xf32, #tpu.memory_space<vmem>> -> memref<4096xf32, #tpu.memory_space<vmem>>
        tpu.wait_dma2 semaphore(%arg19 : memref<!tpu.dma_semaphore, #tpu.memory_space<semaphore_mem>>) src(%dma_wait3A_1103 : memref<4096xf32, #tpu.memory_space<vmem>>) dst(%dma_wait3A_1101 : memref<4096xf32, #tpu.memory_space<hbm>>)
        %dma_wait3A_1104 = arith.constant 16384 : i32
        %dma_wait3A_1105 = tpu.memref_slice %arg11[%dma_wait3A_1104] : memref<32768xf32, #tpu.memory_space<vmem>> -> memref<4096xf32, #tpu.memory_space<vmem>>
        %dma_wait3A_1106 = tpu.memref_slice %arg4[%mul3A_1052] : memref<52428800xf32, #tpu.memory_space<hbm>> -> memref<4096xf32, #tpu.memory_space<hbm>>
        %dma_wait3A_1107 = tpu.memref_slice %arg4[%mul3A_1052] : memref<52428800xf32, #tpu.memory_space<hbm>> -> memref<4096xf32, #tpu.memory_space<hbm>>
        %dma_wait3A_1108 = arith.constant 16384 : i32
        %dma_wait3A_1109 = tpu.memref_slice %arg11[%dma_wait3A_1108] : memref<32768xf32, #tpu.memory_space<vmem>> -> memref<4096xf32, #tpu.memory_space<vmem>>
        tpu.wait_dma2 semaphore(%arg19 : memref<!tpu.dma_semaphore, #tpu.memory_space<semaphore_mem>>) src(%dma_wait3A_1109 : memref<4096xf32, #tpu.memory_space<vmem>>) dst(%dma_wait3A_1107 : memref<4096xf32, #tpu.memory_space<hbm>>)
        %dma_wait3A_1110 = arith.constant 20480 : i32
        %dma_wait3A_1111 = tpu.memref_slice %arg11[%dma_wait3A_1110] : memref<32768xf32, #tpu.memory_space<vmem>> -> memref<4096xf32, #tpu.memory_space<vmem>>
        %dma_wait3A_1112 = tpu.memref_slice %arg4[%mul3A_1061] : memref<52428800xf32, #tpu.memory_space<hbm>> -> memref<4096xf32, #tpu.memory_space<hbm>>
        %dma_wait3A_1113 = tpu.memref_slice %arg4[%mul3A_1061] : memref<52428800xf32, #tpu.memory_space<hbm>> -> memref<4096xf32, #tpu.memory_space<hbm>>
        %dma_wait3A_1114 = arith.constant 20480 : i32
        %dma_wait3A_1115 = tpu.memref_slice %arg11[%dma_wait3A_1114] : memref<32768xf32, #tpu.memory_space<vmem>> -> memref<4096xf32, #tpu.memory_space<vmem>>
        tpu.wait_dma2 semaphore(%arg19 : memref<!tpu.dma_semaphore, #tpu.memory_space<semaphore_mem>>) src(%dma_wait3A_1115 : memref<4096xf32, #tpu.memory_space<vmem>>) dst(%dma_wait3A_1113 : memref<4096xf32, #tpu.memory_space<hbm>>)
        %dma_wait3A_1116 = arith.constant 24576 : i32
        %dma_wait3A_1117 = tpu.memref_slice %arg11[%dma_wait3A_1116] : memref<32768xf32, #tpu.memory_space<vmem>> -> memref<4096xf32, #tpu.memory_space<vmem>>
        %dma_wait3A_1118 = tpu.memref_slice %arg4[%mul3A_1070] : memref<52428800xf32, #tpu.memory_space<hbm>> -> memref<4096xf32, #tpu.memory_space<hbm>>
        %dma_wait3A_1119 = tpu.memref_slice %arg4[%mul3A_1070] : memref<52428800xf32, #tpu.memory_space<hbm>> -> memref<4096xf32, #tpu.memory_space<hbm>>
        %dma_wait3A_1120 = arith.constant 24576 : i32
        %dma_wait3A_1121 = tpu.memref_slice %arg11[%dma_wait3A_1120] : memref<32768xf32, #tpu.memory_space<vmem>> -> memref<4096xf32, #tpu.memory_space<vmem>>
        tpu.wait_dma2 semaphore(%arg19 : memref<!tpu.dma_semaphore, #tpu.memory_space<semaphore_mem>>) src(%dma_wait3A_1121 : memref<4096xf32, #tpu.memory_space<vmem>>) dst(%dma_wait3A_1119 : memref<4096xf32, #tpu.memory_space<hbm>>)
        %dma_wait3A_1122 = arith.constant 28672 : i32
        %dma_wait3A_1123 = tpu.memref_slice %arg11[%dma_wait3A_1122] : memref<32768xf32, #tpu.memory_space<vmem>> -> memref<4096xf32, #tpu.memory_space<vmem>>
        %dma_wait3A_1124 = tpu.memref_slice %arg4[%mul3A_1079] : memref<52428800xf32, #tpu.memory_space<hbm>> -> memref<4096xf32, #tpu.memory_space<hbm>>
        %dma_wait3A_1125 = tpu.memref_slice %arg4[%mul3A_1079] : memref<52428800xf32, #tpu.memory_space<hbm>> -> memref<4096xf32, #tpu.memory_space<hbm>>
        %dma_wait3A_1126 = arith.constant 28672 : i32
        %dma_wait3A_1127 = tpu.memref_slice %arg11[%dma_wait3A_1126] : memref<32768xf32, #tpu.memory_space<vmem>> -> memref<4096xf32, #tpu.memory_space<vmem>>
        tpu.wait_dma2 semaphore(%arg19 : memref<!tpu.dma_semaphore, #tpu.memory_space<semaphore_mem>>) src(%dma_wait3A_1127 : memref<4096xf32, #tpu.memory_space<vmem>>) dst(%dma_wait3A_1125 : memref<4096xf32, #tpu.memory_space<hbm>>)
      } else {
      }
      %add3A_465 = arith.constant 1 : i32
      %add3A_466 = arith.addi %add3A_462, %add3A_465 : i32
      %lt3A_467 = arith.constant 50 : i32
      %lt3A_468 = arith.cmpi slt, %add3A_466, %lt3A_467 : i32
      %convert_element_type3A_469 = arith.extui %lt3A_468 : i1 to i32
      %cond3A_470 = arith.constant 0 : i32
      %cond3A_471 = arith.cmpi ne, %convert_element_type3A_469, %cond3A_470 : i32
      scf.if %cond3A_471 {
        %add3A_963 = arith.constant 1 : i32
        %add3A_964 = arith.addi %add3A_462, %add3A_963 : i32
        %add3A_965 = arith.addi %mul3A_2, %add3A_964 : i32
        %mul3A_966 = arith.constant 4 : i32
        %mul3A_967 = arith.muli %add3A_965, %mul3A_966 : i32
        %jit3A_968 = arith.constant 128 : i32
        %div3A_969 = arith.divsi %mul3A_967, %jit3A_968 : i32
        %sign3A_970 = arith.constant 0 : i32
        %sign3A_971 = arith.cmpi sgt, %mul3A_967, %sign3A_970 : i32
        %sign3A_972 = arith.extui %sign3A_971 : i1 to i32
        %sign3A_973 = arith.constant 0 : i32
        %sign3A_974 = arith.cmpi slt, %mul3A_967, %sign3A_973 : i32
        %sign3A_975 = arith.extui %sign3A_974 : i1 to i32
        %sign3A_976 = arith.subi %sign3A_972, %sign3A_975 : i32
        %sign3A_977 = arith.constant 0 : i32
        %sign3A_978 = arith.cmpi sgt, %jit3A_968, %sign3A_977 : i32
        %sign3A_979 = arith.extui %sign3A_978 : i1 to i32
        %sign3A_980 = arith.constant 0 : i32
        %sign3A_981 = arith.cmpi slt, %jit3A_968, %sign3A_980 : i32
        %sign3A_982 = arith.extui %sign3A_981 : i1 to i32
        %sign3A_983 = arith.subi %sign3A_979, %sign3A_982 : i32
        %ne3A_984 = arith.cmpi ne, %sign3A_976, %sign3A_983 : i32
        %rem3A_985 = arith.remsi %mul3A_967, %jit3A_968 : i32
        %ne3A_986 = arith.constant 0 : i32
        %ne3A_987 = arith.cmpi ne, %rem3A_985, %ne3A_986 : i32
        %and3A_988 = arith.andi %ne3A_984, %ne3A_987 : i1
        %sub3A_989 = arith.constant 1 : i32
        %sub3A_990 = arith.subi %div3A_969, %sub3A_989 : i32
        %select_n3A_991 = arith.select %and3A_988, %sub3A_990, %div3A_969 : i32
        %jit3A_992 = arith.constant 128 : i32
        %eq3A_993 = arith.constant 0 : i32
        %eq3A_994 = arith.cmpi eq, %jit3A_992, %eq3A_993 : i32
        %jit3A_995 = arith.constant 1 : i32
        %select_n3A_996 = arith.select %eq3A_994, %jit3A_995, %jit3A_992 : i32
        %rem3A_997 = arith.remsi %mul3A_967, %select_n3A_996 : i32
        %ne3A_998 = arith.constant 0 : i32
        %ne3A_999 = arith.cmpi ne, %rem3A_997, %ne3A_998 : i32
        %lt3A_1000 = arith.constant 0 : i32
        %lt3A_1001 = arith.cmpi slt, %rem3A_997, %lt3A_1000 : i32
        %lt3A_1002 = arith.constant 0 : i32
        %lt3A_1003 = arith.cmpi slt, %select_n3A_996, %lt3A_1002 : i32
        %ne3A_1004 = arith.xori %lt3A_1001, %lt3A_1003 : i1
        %and3A_1005 = arith.andi %ne3A_1004, %ne3A_999 : i1
        %add3A_1006 = arith.addi %rem3A_997, %select_n3A_996 : i32
        %select_n3A_1007 = arith.select %and3A_1005, %add3A_1006, %rem3A_997 : i32
        %dma_wait3A_1008 = arith.constant 0 : i32
        %dma_wait3A_1009 = tpu.memref_slice %arg2[%select_n3A_991, %select_n3A_1007, %dma_wait3A_1008] : memref<50x128x128xi32, #tpu.memory_space<hbm>> -> memref<1x4x128xi32, #tpu.memory_space<hbm>>
        %dma_wait3A_1010 = tpu.memref_squeeze %dma_wait3A_1009 : memref<1x4x128xi32, #tpu.memory_space<hbm>> -> memref<4x128xi32, #tpu.memory_space<hbm>>
        %dma_wait3A_1011 = arith.constant 0 : i32
        %dma_wait3A_1012 = tpu.memref_slice %arg2[%select_n3A_991, %select_n3A_1007, %dma_wait3A_1011] : memref<50x128x128xi32, #tpu.memory_space<hbm>> -> memref<1x4x128xi32, #tpu.memory_space<hbm>>
        %dma_wait3A_1013 = tpu.memref_squeeze %dma_wait3A_1012 : memref<1x4x128xi32, #tpu.memory_space<hbm>> -> memref<4x128xi32, #tpu.memory_space<hbm>>
        tpu.wait_dma2 semaphore(%arg14 : memref<!tpu.dma_semaphore, #tpu.memory_space<semaphore_mem>>) src(%dma_wait3A_1013 : memref<4x128xi32, #tpu.memory_space<hbm>>) dst(%arg6 : memref<4x128xi32, #tpu.memory_space<vmem>>)
      } else {
      }
      %dma_wait3A_472 = arith.constant 0 : i32
      %dma_wait3A_473 = arith.constant 0 : i32
      %dma_wait3A_474 = tpu.memref_slice %arg5[%dma_wait3A_472, %dma_wait3A_473] : memref<4x128xi32, #tpu.memory_space<vmem>> -> memref<1x128xi32, #tpu.memory_space<vmem>>
      %dma_wait3A_475 = tpu.memref_squeeze %dma_wait3A_474 : memref<1x128xi32, #tpu.memory_space<vmem>> -> memref<128xi32, #tpu.memory_space<vmem>>
      %dma_wait3A_476 = arith.constant 0 : i32
      %dma_wait3A_477 = arith.constant 0 : i32
      %dma_wait3A_478 = tpu.memref_slice %arg3[%dma_wait3A_476, %dma_wait3A_477] : memref<1000000x64xf32, #tpu.memory_space<hbm>> -> memref<1000000x64xf32, #tpu.memory_space<hbm>>
      tpu.wait_indirect_dma semaphore(%arg15 : memref<!tpu.dma_semaphore, #tpu.memory_space<semaphore_mem>>) src(%dma_wait3A_478 : memref<1000000x64xf32, #tpu.memory_space<hbm>>) dst(%arg7 : memref<128x64xf32, #tpu.memory_space<vmem>>)
      %parallel_loop3A = arith.constant 0 : i32
      %parallel_loop3A_479 = arith.constant 128 : i32
      %parallel_loop3A_480 = arith.constant 1 : i32
      scf.for %parallel_loop3A_963 = %parallel_loop3A to %parallel_loop3A_479 step %parallel_loop3A_480  : i32 {
        %parallel_loop3A_964 = arith.constant -16 : i32
        %parallel_loop3A_965 = arith.andi %parallel_loop3A_963, %parallel_loop3A_964 : i32
        %parallel_loop3A_966 = arith.constant 15 : i32
        %parallel_loop3A_967 = arith.andi %parallel_loop3A_963, %parallel_loop3A_966 : i32
        %parallel_loop3A_968 = vector.broadcast %parallel_loop3A_965 : i32 to vector<16xi32>
        %parallel_loop3A_969 = arith.addi %iota3A, %parallel_loop3A_968 : vector<16xi32>
        %parallel_loop3A_970 = vector.broadcast %parallel_loop3A_967 : i32 to vector<16xi32>
        %parallel_loop3A_971 = arith.addi %iota3A, %parallel_loop3A_970 : vector<16xi32>
        %parallel_loop3A_972 = arith.constant 15 : i32
        %parallel_loop3A_973 = vector.broadcast %parallel_loop3A_972 : i32 to vector<16xi32>
        %parallel_loop3A_974 = arith.andi %parallel_loop3A_971, %parallel_loop3A_973 : vector<16xi32>
        %parallel_loop3A_975 = arith.constant 3 : i32
        %parallel_loop3A_976 = vector.broadcast %parallel_loop3A_975 : i32 to vector<16xi32>
        %parallel_loop3A_977 = arith.shrsi %parallel_loop3A_974, %parallel_loop3A_976 : vector<16xi32>
        %parallel_loop3A_978 = arith.constant 12 : i32
        %parallel_loop3A_979 = vector.broadcast %parallel_loop3A_978 : i32 to vector<16xi32>
        %parallel_loop3A_980 = arith.shli %parallel_loop3A_977, %parallel_loop3A_979 : vector<16xi32>
        %parallel_loop3A_981 = arith.constant 7 : i32
        %parallel_loop3A_982 = vector.broadcast %parallel_loop3A_981 : i32 to vector<16xi32>
        %parallel_loop3A_983 = arith.andi %parallel_loop3A_974, %parallel_loop3A_982 : vector<16xi32>
        %parallel_loop3A_984 = arith.constant 7 : i32
        %parallel_loop3A_985 = vector.broadcast %parallel_loop3A_984 : i32 to vector<16xi32>
        %parallel_loop3A_986 = arith.shli %parallel_loop3A_983, %parallel_loop3A_985 : vector<16xi32>
        %parallel_loop3A_987 = arith.addi %parallel_loop3A_980, %parallel_loop3A_986 : vector<16xi32>
        %parallel_loop3A_988 = arith.addi %parallel_loop3A_987, %iota3A : vector<16xi32>
        %parallel_loop3A_989 = arith.constant 0 : i32
        %parallel_loop3A_990 = vector.broadcast %parallel_loop3A_989 : i32 to vector<16xi32>
        %parallel_loop3A_991 = arith.addi %parallel_loop3A_974, %parallel_loop3A_990 : vector<16xi32>
        %parallel_loop3A_992 = tpu.vector_load_idx %arg7[%parallel_loop3A_969, %parallel_loop3A_991] : memref<128x64xf32, #tpu.memory_space<vmem>>[vector<16xi32>, vector<16xi32>], vector<16xf32>,
        %parallel_loop3A_993 = arith.constant 0 : i32
        %parallel_loop3A_994 = arith.addi %parallel_loop3A_993, %parallel_loop3A_965 : i32
        %parallel_loop3A_995 = vector.broadcast %parallel_loop3A_994 : i32 to vector<16xi32>
        %parallel_loop3A_996 = arith.addi %parallel_loop3A_988, %parallel_loop3A_995 : vector<16xi32>
        tpu.vector_store_idx %arg11[%parallel_loop3A_996], %parallel_loop3A_992 : memref<32768xf32, #tpu.memory_space<vmem>>[vector<16xi32>], vector<16xf32>,
        %parallel_loop3A_997 = arith.constant 16 : i32
        %parallel_loop3A_998 = vector.broadcast %parallel_loop3A_997 : i32 to vector<16xi32>
        %parallel_loop3A_999 = arith.addi %parallel_loop3A_974, %parallel_loop3A_998 : vector<16xi32>
        %parallel_loop3A_1000 = tpu.vector_load_idx %arg7[%parallel_loop3A_969, %parallel_loop3A_999] : memref<128x64xf32, #tpu.memory_space<vmem>>[vector<16xi32>, vector<16xi32>], vector<16xf32>,
        %parallel_loop3A_1001 = arith.constant 8192 : i32
        %parallel_loop3A_1002 = arith.addi %parallel_loop3A_1001, %parallel_loop3A_965 : i32
        %parallel_loop3A_1003 = vector.broadcast %parallel_loop3A_1002 : i32 to vector<16xi32>
        %parallel_loop3A_1004 = arith.addi %parallel_loop3A_988, %parallel_loop3A_1003 : vector<16xi32>
        tpu.vector_store_idx %arg11[%parallel_loop3A_1004], %parallel_loop3A_1000 : memref<32768xf32, #tpu.memory_space<vmem>>[vector<16xi32>], vector<16xf32>,
        %parallel_loop3A_1005 = arith.constant 32 : i32
        %parallel_loop3A_1006 = vector.broadcast %parallel_loop3A_1005 : i32 to vector<16xi32>
        %parallel_loop3A_1007 = arith.addi %parallel_loop3A_974, %parallel_loop3A_1006 : vector<16xi32>
        %parallel_loop3A_1008 = tpu.vector_load_idx %arg7[%parallel_loop3A_969, %parallel_loop3A_1007] : memref<128x64xf32, #tpu.memory_space<vmem>>[vector<16xi32>, vector<16xi32>], vector<16xf32>,
        %parallel_loop3A_1009 = arith.constant 16384 : i32
        %parallel_loop3A_1010 = arith.addi %parallel_loop3A_1009, %parallel_loop3A_965 : i32
        %parallel_loop3A_1011 = vector.broadcast %parallel_loop3A_1010 : i32 to vector<16xi32>
        %parallel_loop3A_1012 = arith.addi %parallel_loop3A_988, %parallel_loop3A_1011 : vector<16xi32>
        tpu.vector_store_idx %arg11[%parallel_loop3A_1012], %parallel_loop3A_1008 : memref<32768xf32, #tpu.memory_space<vmem>>[vector<16xi32>], vector<16xf32>,
        %parallel_loop3A_1013 = arith.constant 48 : i32
        %parallel_loop3A_1014 = vector.broadcast %parallel_loop3A_1013 : i32 to vector<16xi32>
        %parallel_loop3A_1015 = arith.addi %parallel_loop3A_974, %parallel_loop3A_1014 : vector<16xi32>
        %parallel_loop3A_1016 = tpu.vector_load_idx %arg7[%parallel_loop3A_969, %parallel_loop3A_1015] : memref<128x64xf32, #tpu.memory_space<vmem>>[vector<16xi32>, vector<16xi32>], vector<16xf32>,
        %parallel_loop3A_1017 = arith.constant 24576 : i32
        %parallel_loop3A_1018 = arith.addi %parallel_loop3A_1017, %parallel_loop3A_965 : i32
        %parallel_loop3A_1019 = vector.broadcast %parallel_loop3A_1018 : i32 to vector<16xi32>
        %parallel_loop3A_1020 = arith.addi %parallel_loop3A_988, %parallel_loop3A_1019 : vector<16xi32>
        tpu.vector_store_idx %arg11[%parallel_loop3A_1020], %parallel_loop3A_1016 : memref<32768xf32, #tpu.memory_space<vmem>>[vector<16xi32>], vector<16xf32>,
      } {sc.loop_unroll_factor = 2 : i64, sc.parallel_access}
      %add3A_481 = arith.constant 1 : i32
      %add3A_482 = arith.addi %add3A_462, %add3A_481 : i32
      %lt3A_483 = arith.constant 50 : i32
      %lt3A_484 = arith.cmpi slt, %add3A_482, %lt3A_483 : i32
      %convert_element_type3A_485 = arith.extui %lt3A_484 : i1 to i32
      %cond3A_486 = arith.constant 0 : i32
      %cond3A_487 = arith.cmpi ne, %convert_element_type3A_485, %cond3A_486 : i32
      scf.if %cond3A_487 {
        %dma_start3A_963 = arith.constant 0 : i32
        %dma_start3A_964 = arith.constant 0 : i32
        %dma_start3A_965 = tpu.memref_slice %arg6[%dma_start3A_963, %dma_start3A_964] : memref<4x128xi32, #tpu.memory_space<vmem>> -> memref<1x128xi32, #tpu.memory_space<vmem>>
        %dma_start3A_966 = tpu.memref_squeeze %dma_start3A_965 : memref<1x128xi32, #tpu.memory_space<vmem>> -> memref<128xi32, #tpu.memory_space<vmem>>
        %dma_start3A_967 = arith.constant 0 : i32
        %dma_start3A_968 = arith.constant 0 : i32
        %dma_start3A_969 = tpu.memref_slice %arg3[%dma_start3A_967, %dma_start3A_968] : memref<1000000x64xf32, #tpu.memory_space<hbm>> -> memref<1000000x64xf32, #tpu.memory_space<hbm>>
        tpu.enqueue_indirect_dma source(%dma_start3A_969 : memref<1000000x64xf32, #tpu.memory_space<hbm>>) target(%arg7 : memref<128x64xf32, #tpu.memory_space<vmem>>) offsets(%dma_start3A_966 : memref<128xi32, #tpu.memory_space<vmem>>) semaphore(%arg15 : memref<!tpu.dma_semaphore, #tpu.memory_space<semaphore_mem>>)
      } else {
      }
      %dma_wait3A_488 = arith.constant 1 : i32
      %dma_wait3A_489 = arith.constant 0 : i32
      %dma_wait3A_490 = tpu.memref_slice %arg5[%dma_wait3A_488, %dma_wait3A_489] : memref<4x128xi32, #tpu.memory_space<vmem>> -> memref<1x128xi32, #tpu.memory_space<vmem>>
      %dma_wait3A_491 = tpu.memref_squeeze %dma_wait3A_490 : memref<1x128xi32, #tpu.memory_space<vmem>> -> memref<128xi32, #tpu.memory_space<vmem>>
      %dma_wait3A_492 = arith.constant 0 : i32
      %dma_wait3A_493 = arith.constant 0 : i32
      %dma_wait3A_494 = tpu.memref_slice %arg3[%dma_wait3A_492, %dma_wait3A_493] : memref<1000000x64xf32, #tpu.memory_space<hbm>> -> memref<1000000x64xf32, #tpu.memory_space<hbm>>
      tpu.wait_indirect_dma semaphore(%arg16 : memref<!tpu.dma_semaphore, #tpu.memory_space<semaphore_mem>>) src(%dma_wait3A_494 : memref<1000000x64xf32, #tpu.memory_space<hbm>>) dst(%arg8 : memref<128x64xf32, #tpu.memory_space<vmem>>)
      %parallel_loop3A_495 = arith.constant 0 : i32
      %parallel_loop3A_496 = arith.constant 128 : i32
      %parallel_loop3A_497 = arith.constant 1 : i32
      scf.for %parallel_loop3A_963 = %parallel_loop3A_495 to %parallel_loop3A_496 step %parallel_loop3A_497  : i32 {
        %parallel_loop3A_964 = arith.constant -16 : i32
        %parallel_loop3A_965 = arith.andi %parallel_loop3A_963, %parallel_loop3A_964 : i32
        %parallel_loop3A_966 = arith.constant 15 : i32
        %parallel_loop3A_967 = arith.andi %parallel_loop3A_963, %parallel_loop3A_966 : i32
        %parallel_loop3A_968 = vector.broadcast %parallel_loop3A_965 : i32 to vector<16xi32>
        %parallel_loop3A_969 = arith.addi %iota3A, %parallel_loop3A_968 : vector<16xi32>
        %parallel_loop3A_970 = vector.broadcast %parallel_loop3A_967 : i32 to vector<16xi32>
        %parallel_loop3A_971 = arith.addi %iota3A, %parallel_loop3A_970 : vector<16xi32>
        %parallel_loop3A_972 = arith.constant 15 : i32
        %parallel_loop3A_973 = vector.broadcast %parallel_loop3A_972 : i32 to vector<16xi32>
        %parallel_loop3A_974 = arith.andi %parallel_loop3A_971, %parallel_loop3A_973 : vector<16xi32>
        %parallel_loop3A_975 = arith.constant 3 : i32
        %parallel_loop3A_976 = vector.broadcast %parallel_loop3A_975 : i32 to vector<16xi32>
        %parallel_loop3A_977 = arith.shrsi %parallel_loop3A_974, %parallel_loop3A_976 : vector<16xi32>
        %parallel_loop3A_978 = arith.constant 12 : i32
        %parallel_loop3A_979 = vector.broadcast %parallel_loop3A_978 : i32 to vector<16xi32>
        %parallel_loop3A_980 = arith.shli %parallel_loop3A_977, %parallel_loop3A_979 : vector<16xi32>
        %parallel_loop3A_981 = arith.constant 7 : i32
        %parallel_loop3A_982 = vector.broadcast %parallel_loop3A_981 : i32 to vector<16xi32>
        %parallel_loop3A_983 = arith.andi %parallel_loop3A_974, %parallel_loop3A_982 : vector<16xi32>
        %parallel_loop3A_984 = arith.constant 7 : i32
        %parallel_loop3A_985 = vector.broadcast %parallel_loop3A_984 : i32 to vector<16xi32>
        %parallel_loop3A_986 = arith.shli %parallel_loop3A_983, %parallel_loop3A_985 : vector<16xi32>
        %parallel_loop3A_987 = arith.addi %parallel_loop3A_980, %parallel_loop3A_986 : vector<16xi32>
        %parallel_loop3A_988 = arith.addi %parallel_loop3A_987, %iota3A : vector<16xi32>
        %parallel_loop3A_989 = arith.constant 0 : i32
        %parallel_loop3A_990 = vector.broadcast %parallel_loop3A_989 : i32 to vector<16xi32>
        %parallel_loop3A_991 = arith.addi %parallel_loop3A_974, %parallel_loop3A_990 : vector<16xi32>
        %parallel_loop3A_992 = tpu.vector_load_idx %arg8[%parallel_loop3A_969, %parallel_loop3A_991] : memref<128x64xf32, #tpu.memory_space<vmem>>[vector<16xi32>, vector<16xi32>], vector<16xf32>,
        %parallel_loop3A_993 = arith.constant 1024 : i32
        %parallel_loop3A_994 = arith.addi %parallel_loop3A_993, %parallel_loop3A_965 : i32
        %parallel_loop3A_995 = vector.broadcast %parallel_loop3A_994 : i32 to vector<16xi32>
        %parallel_loop3A_996 = arith.addi %parallel_loop3A_988, %parallel_loop3A_995 : vector<16xi32>
        tpu.vector_store_idx %arg11[%parallel_loop3A_996], %parallel_loop3A_992 : memref<32768xf32, #tpu.memory_space<vmem>>[vector<16xi32>], vector<16xf32>,
        %parallel_loop3A_997 = arith.constant 16 : i32
        %parallel_loop3A_998 = vector.broadcast %parallel_loop3A_997 : i32 to vector<16xi32>
        %parallel_loop3A_999 = arith.addi %parallel_loop3A_974, %parallel_loop3A_998 : vector<16xi32>
        %parallel_loop3A_1000 = tpu.vector_load_idx %arg8[%parallel_loop3A_969, %parallel_loop3A_999] : memref<128x64xf32, #tpu.memory_space<vmem>>[vector<16xi32>, vector<16xi32>], vector<16xf32>,
        %parallel_loop3A_1001 = arith.constant 9216 : i32
        %parallel_loop3A_1002 = arith.addi %parallel_loop3A_1001, %parallel_loop3A_965 : i32
        %parallel_loop3A_1003 = vector.broadcast %parallel_loop3A_1002 : i32 to vector<16xi32>
        %parallel_loop3A_1004 = arith.addi %parallel_loop3A_988, %parallel_loop3A_1003 : vector<16xi32>
        tpu.vector_store_idx %arg11[%parallel_loop3A_1004], %parallel_loop3A_1000 : memref<32768xf32, #tpu.memory_space<vmem>>[vector<16xi32>], vector<16xf32>,
        %parallel_loop3A_1005 = arith.constant 32 : i32
        %parallel_loop3A_1006 = vector.broadcast %parallel_loop3A_1005 : i32 to vector<16xi32>
        %parallel_loop3A_1007 = arith.addi %parallel_loop3A_974, %parallel_loop3A_1006 : vector<16xi32>
        %parallel_loop3A_1008 = tpu.vector_load_idx %arg8[%parallel_loop3A_969, %parallel_loop3A_1007] : memref<128x64xf32, #tpu.memory_space<vmem>>[vector<16xi32>, vector<16xi32>], vector<16xf32>,
        %parallel_loop3A_1009 = arith.constant 17408 : i32
        %parallel_loop3A_1010 = arith.addi %parallel_loop3A_1009, %parallel_loop3A_965 : i32
        %parallel_loop3A_1011 = vector.broadcast %parallel_loop3A_1010 : i32 to vector<16xi32>
        %parallel_loop3A_1012 = arith.addi %parallel_loop3A_988, %parallel_loop3A_1011 : vector<16xi32>
        tpu.vector_store_idx %arg11[%parallel_loop3A_1012], %parallel_loop3A_1008 : memref<32768xf32, #tpu.memory_space<vmem>>[vector<16xi32>], vector<16xf32>,
        %parallel_loop3A_1013 = arith.constant 48 : i32
        %parallel_loop3A_1014 = vector.broadcast %parallel_loop3A_1013 : i32 to vector<16xi32>
        %parallel_loop3A_1015 = arith.addi %parallel_loop3A_974, %parallel_loop3A_1014 : vector<16xi32>
        %parallel_loop3A_1016 = tpu.vector_load_idx %arg8[%parallel_loop3A_969, %parallel_loop3A_1015] : memref<128x64xf32, #tpu.memory_space<vmem>>[vector<16xi32>, vector<16xi32>], vector<16xf32>,
        %parallel_loop3A_1017 = arith.constant 25600 : i32
        %parallel_loop3A_1018 = arith.addi %parallel_loop3A_1017, %parallel_loop3A_965 : i32
        %parallel_loop3A_1019 = vector.broadcast %parallel_loop3A_1018 : i32 to vector<16xi32>
        %parallel_loop3A_1020 = arith.addi %parallel_loop3A_988, %parallel_loop3A_1019 : vector<16xi32>
        tpu.vector_store_idx %arg11[%parallel_loop3A_1020], %parallel_loop3A_1016 : memref<32768xf32, #tpu.memory_space<vmem>>[vector<16xi32>], vector<16xf32>,
      } {sc.loop_unroll_factor = 2 : i64, sc.parallel_access}
      %add3A_498 = arith.constant 1 : i32
      %add3A_499 = arith.addi %add3A_462, %add3A_498 : i32
      %lt3A_500 = arith.constant 50 : i32
      %lt3A_501 = arith.cmpi slt, %add3A_499, %lt3A_500 : i32
      %convert_element_type3A_502 = arith.extui %lt3A_501 : i1 to i32
      %cond3A_503 = arith.constant 0 : i32
      %cond3A_504 = arith.cmpi ne, %convert_element_type3A_502, %cond3A_503 : i32
      scf.if %cond3A_504 {
        %dma_start3A_963 = arith.constant 1 : i32
        %dma_start3A_964 = arith.constant 0 : i32
        %dma_start3A_965 = tpu.memref_slice %arg6[%dma_start3A_963, %dma_start3A_964] : memref<4x128xi32, #tpu.memory_space<vmem>> -> memref<1x128xi32, #tpu.memory_space<vmem>>
        %dma_start3A_966 = tpu.memref_squeeze %dma_start3A_965 : memref<1x128xi32, #tpu.memory_space<vmem>> -> memref<128xi32, #tpu.memory_space<vmem>>
        %dma_start3A_967 = arith.constant 0 : i32
        %dma_start3A_968 = arith.constant 0 : i32
        %dma_start3A_969 = tpu.memref_slice %arg3[%dma_start3A_967, %dma_start3A_968] : memref<1000000x64xf32, #tpu.memory_space<hbm>> -> memref<1000000x64xf32, #tpu.memory_space<hbm>>
        tpu.enqueue_indirect_dma source(%dma_start3A_969 : memref<1000000x64xf32, #tpu.memory_space<hbm>>) target(%arg8 : memref<128x64xf32, #tpu.memory_space<vmem>>) offsets(%dma_start3A_966 : memref<128xi32, #tpu.memory_space<vmem>>) semaphore(%arg16 : memref<!tpu.dma_semaphore, #tpu.memory_space<semaphore_mem>>)
      } else {
      }
      %dma_wait3A_505 = arith.constant 2 : i32
      %dma_wait3A_506 = arith.constant 0 : i32
      %dma_wait3A_507 = tpu.memref_slice %arg5[%dma_wait3A_505, %dma_wait3A_506] : memref<4x128xi32, #tpu.memory_space<vmem>> -> memref<1x128xi32, #tpu.memory_space<vmem>>
      %dma_wait3A_508 = tpu.memref_squeeze %dma_wait3A_507 : memref<1x128xi32, #tpu.memory_space<vmem>> -> memref<128xi32, #tpu.memory_space<vmem>>
      %dma_wait3A_509 = arith.constant 0 : i32
      %dma_wait3A_510 = arith.constant 0 : i32
      %dma_wait3A_511 = tpu.memref_slice %arg3[%dma_wait3A_509, %dma_wait3A_510] : memref<1000000x64xf32, #tpu.memory_space<hbm>> -> memref<1000000x64xf32, #tpu.memory_space<hbm>>
      tpu.wait_indirect_dma semaphore(%arg17 : memref<!tpu.dma_semaphore, #tpu.memory_space<semaphore_mem>>) src(%dma_wait3A_511 : memref<1000000x64xf32, #tpu.memory_space<hbm>>) dst(%arg9 : memref<128x64xf32, #tpu.memory_space<vmem>>)
      %parallel_loop3A_512 = arith.constant 0 : i32
      %parallel_loop3A_513 = arith.constant 128 : i32
      %parallel_loop3A_514 = arith.constant 1 : i32
      scf.for %parallel_loop3A_963 = %parallel_loop3A_512 to %parallel_loop3A_513 step %parallel_loop3A_514  : i32 {
        %parallel_loop3A_964 = arith.constant -16 : i32
        %parallel_loop3A_965 = arith.andi %parallel_loop3A_963, %parallel_loop3A_964 : i32
        %parallel_loop3A_966 = arith.constant 15 : i32
        %parallel_loop3A_967 = arith.andi %parallel_loop3A_963, %parallel_loop3A_966 : i32
        %parallel_loop3A_968 = vector.broadcast %parallel_loop3A_965 : i32 to vector<16xi32>
        %parallel_loop3A_969 = arith.addi %iota3A, %parallel_loop3A_968 : vector<16xi32>
        %parallel_loop3A_970 = vector.broadcast %parallel_loop3A_967 : i32 to vector<16xi32>
        %parallel_loop3A_971 = arith.addi %iota3A, %parallel_loop3A_970 : vector<16xi32>
        %parallel_loop3A_972 = arith.constant 15 : i32
        %parallel_loop3A_973 = vector.broadcast %parallel_loop3A_972 : i32 to vector<16xi32>
        %parallel_loop3A_974 = arith.andi %parallel_loop3A_971, %parallel_loop3A_973 : vector<16xi32>
        %parallel_loop3A_975 = arith.constant 3 : i32
        %parallel_loop3A_976 = vector.broadcast %parallel_loop3A_975 : i32 to vector<16xi32>
        %parallel_loop3A_977 = arith.shrsi %parallel_loop3A_974, %parallel_loop3A_976 : vector<16xi32>
        %parallel_loop3A_978 = arith.constant 12 : i32
        %parallel_loop3A_979 = vector.broadcast %parallel_loop3A_978 : i32 to vector<16xi32>
        %parallel_loop3A_980 = arith.shli %parallel_loop3A_977, %parallel_loop3A_979 : vector<16xi32>
        %parallel_loop3A_981 = arith.constant 7 : i32
        %parallel_loop3A_982 = vector.broadcast %parallel_loop3A_981 : i32 to vector<16xi32>
        %parallel_loop3A_983 = arith.andi %parallel_loop3A_974, %parallel_loop3A_982 : vector<16xi32>
        %parallel_loop3A_984 = arith.constant 7 : i32
        %parallel_loop3A_985 = vector.broadcast %parallel_loop3A_984 : i32 to vector<16xi32>
        %parallel_loop3A_986 = arith.shli %parallel_loop3A_983, %parallel_loop3A_985 : vector<16xi32>
        %parallel_loop3A_987 = arith.addi %parallel_loop3A_980, %parallel_loop3A_986 : vector<16xi32>
        %parallel_loop3A_988 = arith.addi %parallel_loop3A_987, %iota3A : vector<16xi32>
        %parallel_loop3A_989 = arith.constant 0 : i32
        %parallel_loop3A_990 = vector.broadcast %parallel_loop3A_989 : i32 to vector<16xi32>
        %parallel_loop3A_991 = arith.addi %parallel_loop3A_974, %parallel_loop3A_990 : vector<16xi32>
        %parallel_loop3A_992 = tpu.vector_load_idx %arg9[%parallel_loop3A_969, %parallel_loop3A_991] : memref<128x64xf32, #tpu.memory_space<vmem>>[vector<16xi32>, vector<16xi32>], vector<16xf32>,
        %parallel_loop3A_993 = arith.constant 2048 : i32
        %parallel_loop3A_994 = arith.addi %parallel_loop3A_993, %parallel_loop3A_965 : i32
        %parallel_loop3A_995 = vector.broadcast %parallel_loop3A_994 : i32 to vector<16xi32>
        %parallel_loop3A_996 = arith.addi %parallel_loop3A_988, %parallel_loop3A_995 : vector<16xi32>
        tpu.vector_store_idx %arg11[%parallel_loop3A_996], %parallel_loop3A_992 : memref<32768xf32, #tpu.memory_space<vmem>>[vector<16xi32>], vector<16xf32>,
        %parallel_loop3A_997 = arith.constant 16 : i32
        %parallel_loop3A_998 = vector.broadcast %parallel_loop3A_997 : i32 to vector<16xi32>
        %parallel_loop3A_999 = arith.addi %parallel_loop3A_974, %parallel_loop3A_998 : vector<16xi32>
        %parallel_loop3A_1000 = tpu.vector_load_idx %arg9[%parallel_loop3A_969, %parallel_loop3A_999] : memref<128x64xf32, #tpu.memory_space<vmem>>[vector<16xi32>, vector<16xi32>], vector<16xf32>,
        %parallel_loop3A_1001 = arith.constant 10240 : i32
        %parallel_loop3A_1002 = arith.addi %parallel_loop3A_1001, %parallel_loop3A_965 : i32
        %parallel_loop3A_1003 = vector.broadcast %parallel_loop3A_1002 : i32 to vector<16xi32>
        %parallel_loop3A_1004 = arith.addi %parallel_loop3A_988, %parallel_loop3A_1003 : vector<16xi32>
        tpu.vector_store_idx %arg11[%parallel_loop3A_1004], %parallel_loop3A_1000 : memref<32768xf32, #tpu.memory_space<vmem>>[vector<16xi32>], vector<16xf32>,
        %parallel_loop3A_1005 = arith.constant 32 : i32
        %parallel_loop3A_1006 = vector.broadcast %parallel_loop3A_1005 : i32 to vector<16xi32>
        %parallel_loop3A_1007 = arith.addi %parallel_loop3A_974, %parallel_loop3A_1006 : vector<16xi32>
        %parallel_loop3A_1008 = tpu.vector_load_idx %arg9[%parallel_loop3A_969, %parallel_loop3A_1007] : memref<128x64xf32, #tpu.memory_space<vmem>>[vector<16xi32>, vector<16xi32>], vector<16xf32>,
        %parallel_loop3A_1009 = arith.constant 18432 : i32
        %parallel_loop3A_1010 = arith.addi %parallel_loop3A_1009, %parallel_loop3A_965 : i32
        %parallel_loop3A_1011 = vector.broadcast %parallel_loop3A_1010 : i32 to vector<16xi32>
        %parallel_loop3A_1012 = arith.addi %parallel_loop3A_988, %parallel_loop3A_1011 : vector<16xi32>
        tpu.vector_store_idx %arg11[%parallel_loop3A_1012], %parallel_loop3A_1008 : memref<32768xf32, #tpu.memory_space<vmem>>[vector<16xi32>], vector<16xf32>,
        %parallel_loop3A_1013 = arith.constant 48 : i32
        %parallel_loop3A_1014 = vector.broadcast %parallel_loop3A_1013 : i32 to vector<16xi32>
        %parallel_loop3A_1015 = arith.addi %parallel_loop3A_974, %parallel_loop3A_1014 : vector<16xi32>
        %parallel_loop3A_1016 = tpu.vector_load_idx %arg9[%parallel_loop3A_969, %parallel_loop3A_1015] : memref<128x64xf32, #tpu.memory_space<vmem>>[vector<16xi32>, vector<16xi32>], vector<16xf32>,
        %parallel_loop3A_1017 = arith.constant 26624 : i32
        %parallel_loop3A_1018 = arith.addi %parallel_loop3A_1017, %parallel_loop3A_965 : i32
        %parallel_loop3A_1019 = vector.broadcast %parallel_loop3A_1018 : i32 to vector<16xi32>
        %parallel_loop3A_1020 = arith.addi %parallel_loop3A_988, %parallel_loop3A_1019 : vector<16xi32>
        tpu.vector_store_idx %arg11[%parallel_loop3A_1020], %parallel_loop3A_1016 : memref<32768xf32, #tpu.memory_space<vmem>>[vector<16xi32>], vector<16xf32>,
      } {sc.loop_unroll_factor = 2 : i64, sc.parallel_access}
      %add3A_515 = arith.constant 1 : i32
      %add3A_516 = arith.addi %add3A_462, %add3A_515 : i32
      %lt3A_517 = arith.constant 50 : i32
      %lt3A_518 = arith.cmpi slt, %add3A_516, %lt3A_517 : i32
      %convert_element_type3A_519 = arith.extui %lt3A_518 : i1 to i32
      %cond3A_520 = arith.constant 0 : i32
      %cond3A_521 = arith.cmpi ne, %convert_element_type3A_519, %cond3A_520 : i32
      scf.if %cond3A_521 {
        %dma_start3A_963 = arith.constant 2 : i32
        %dma_start3A_964 = arith.constant 0 : i32
        %dma_start3A_965 = tpu.memref_slice %arg6[%dma_start3A_963, %dma_start3A_964] : memref<4x128xi32, #tpu.memory_space<vmem>> -> memref<1x128xi32, #tpu.memory_space<vmem>>
        %dma_start3A_966 = tpu.memref_squeeze %dma_start3A_965 : memref<1x128xi32, #tpu.memory_space<vmem>> -> memref<128xi32, #tpu.memory_space<vmem>>
        %dma_start3A_967 = arith.constant 0 : i32
        %dma_start3A_968 = arith.constant 0 : i32
        %dma_start3A_969 = tpu.memref_slice %arg3[%dma_start3A_967, %dma_start3A_968] : memref<1000000x64xf32, #tpu.memory_space<hbm>> -> memref<1000000x64xf32, #tpu.memory_space<hbm>>
        tpu.enqueue_indirect_dma source(%dma_start3A_969 : memref<1000000x64xf32, #tpu.memory_space<hbm>>) target(%arg9 : memref<128x64xf32, #tpu.memory_space<vmem>>) offsets(%dma_start3A_966 : memref<128xi32, #tpu.memory_space<vmem>>) semaphore(%arg17 : memref<!tpu.dma_semaphore, #tpu.memory_space<semaphore_mem>>)
      } else {
      }
      %dma_wait3A_522 = arith.constant 3 : i32
      %dma_wait3A_523 = arith.constant 0 : i32
      %dma_wait3A_524 = tpu.memref_slice %arg5[%dma_wait3A_522, %dma_wait3A_523] : memref<4x128xi32, #tpu.memory_space<vmem>> -> memref<1x128xi32, #tpu.memory_space<vmem>>
      %dma_wait3A_525 = tpu.memref_squeeze %dma_wait3A_524 : memref<1x128xi32, #tpu.memory_space<vmem>> -> memref<128xi32, #tpu.memory_space<vmem>>
      %dma_wait3A_526 = arith.constant 0 : i32
      %dma_wait3A_527 = arith.constant 0 : i32
      %dma_wait3A_528 = tpu.memref_slice %arg3[%dma_wait3A_526, %dma_wait3A_527] : memref<1000000x64xf32, #tpu.memory_space<hbm>> -> memref<1000000x64xf32, #tpu.memory_space<hbm>>
      tpu.wait_indirect_dma semaphore(%arg18 : memref<!tpu.dma_semaphore, #tpu.memory_space<semaphore_mem>>) src(%dma_wait3A_528 : memref<1000000x64xf32, #tpu.memory_space<hbm>>) dst(%arg10 : memref<128x64xf32, #tpu.memory_space<vmem>>)
      %parallel_loop3A_529 = arith.constant 0 : i32
      %parallel_loop3A_530 = arith.constant 128 : i32
      %parallel_loop3A_531 = arith.constant 1 : i32
      scf.for %parallel_loop3A_963 = %parallel_loop3A_529 to %parallel_loop3A_530 step %parallel_loop3A_531  : i32 {
        %parallel_loop3A_964 = arith.constant -16 : i32
        %parallel_loop3A_965 = arith.andi %parallel_loop3A_963, %parallel_loop3A_964 : i32
        %parallel_loop3A_966 = arith.constant 15 : i32
        %parallel_loop3A_967 = arith.andi %parallel_loop3A_963, %parallel_loop3A_966 : i32
        %parallel_loop3A_968 = vector.broadcast %parallel_loop3A_965 : i32 to vector<16xi32>
        %parallel_loop3A_969 = arith.addi %iota3A, %parallel_loop3A_968 : vector<16xi32>
        %parallel_loop3A_970 = vector.broadcast %parallel_loop3A_967 : i32 to vector<16xi32>
        %parallel_loop3A_971 = arith.addi %iota3A, %parallel_loop3A_970 : vector<16xi32>
        %parallel_loop3A_972 = arith.constant 15 : i32
        %parallel_loop3A_973 = vector.broadcast %parallel_loop3A_972 : i32 to vector<16xi32>
        %parallel_loop3A_974 = arith.andi %parallel_loop3A_971, %parallel_loop3A_973 : vector<16xi32>
        %parallel_loop3A_975 = arith.constant 3 : i32
        %parallel_loop3A_976 = vector.broadcast %parallel_loop3A_975 : i32 to vector<16xi32>
        %parallel_loop3A_977 = arith.shrsi %parallel_loop3A_974, %parallel_loop3A_976 : vector<16xi32>
        %parallel_loop3A_978 = arith.constant 12 : i32
        %parallel_loop3A_979 = vector.broadcast %parallel_loop3A_978 : i32 to vector<16xi32>
        %parallel_loop3A_980 = arith.shli %parallel_loop3A_977, %parallel_loop3A_979 : vector<16xi32>
        %parallel_loop3A_981 = arith.constant 7 : i32
        %parallel_loop3A_982 = vector.broadcast %parallel_loop3A_981 : i32 to vector<16xi32>
        %parallel_loop3A_983 = arith.andi %parallel_loop3A_974, %parallel_loop3A_982 : vector<16xi32>
        %parallel_loop3A_984 = arith.constant 7 : i32
        %parallel_loop3A_985 = vector.broadcast %parallel_loop3A_984 : i32 to vector<16xi32>
        %parallel_loop3A_986 = arith.shli %parallel_loop3A_983, %parallel_loop3A_985 : vector<16xi32>
        %parallel_loop3A_987 = arith.addi %parallel_loop3A_980, %parallel_loop3A_986 : vector<16xi32>
        %parallel_loop3A_988 = arith.addi %parallel_loop3A_987, %iota3A : vector<16xi32>
        %parallel_loop3A_989 = arith.constant 0 : i32
        %parallel_loop3A_990 = vector.broadcast %parallel_loop3A_989 : i32 to vector<16xi32>
        %parallel_loop3A_991 = arith.addi %parallel_loop3A_974, %parallel_loop3A_990 : vector<16xi32>
        %parallel_loop3A_992 = tpu.vector_load_idx %arg10[%parallel_loop3A_969, %parallel_loop3A_991] : memref<128x64xf32, #tpu.memory_space<vmem>>[vector<16xi32>, vector<16xi32>], vector<16xf32>,
        %parallel_loop3A_993 = arith.constant 3072 : i32
        %parallel_loop3A_994 = arith.addi %parallel_loop3A_993, %parallel_loop3A_965 : i32
        %parallel_loop3A_995 = vector.broadcast %parallel_loop3A_994 : i32 to vector<16xi32>
        %parallel_loop3A_996 = arith.addi %parallel_loop3A_988, %parallel_loop3A_995 : vector<16xi32>
        tpu.vector_store_idx %arg11[%parallel_loop3A_996], %parallel_loop3A_992 : memref<32768xf32, #tpu.memory_space<vmem>>[vector<16xi32>], vector<16xf32>,
        %parallel_loop3A_997 = arith.constant 16 : i32
        %parallel_loop3A_998 = vector.broadcast %parallel_loop3A_997 : i32 to vector<16xi32>
        %parallel_loop3A_999 = arith.addi %parallel_loop3A_974, %parallel_loop3A_998 : vector<16xi32>
        %parallel_loop3A_1000 = tpu.vector_load_idx %arg10[%parallel_loop3A_969, %parallel_loop3A_999] : memref<128x64xf32, #tpu.memory_space<vmem>>[vector<16xi32>, vector<16xi32>], vector<16xf32>,
        %parallel_loop3A_1001 = arith.constant 11264 : i32
        %parallel_loop3A_1002 = arith.addi %parallel_loop3A_1001, %parallel_loop3A_965 : i32
        %parallel_loop3A_1003 = vector.broadcast %parallel_loop3A_1002 : i32 to vector<16xi32>
        %parallel_loop3A_1004 = arith.addi %parallel_loop3A_988, %parallel_loop3A_1003 : vector<16xi32>
        tpu.vector_store_idx %arg11[%parallel_loop3A_1004], %parallel_loop3A_1000 : memref<32768xf32, #tpu.memory_space<vmem>>[vector<16xi32>], vector<16xf32>,
        %parallel_loop3A_1005 = arith.constant 32 : i32
        %parallel_loop3A_1006 = vector.broadcast %parallel_loop3A_1005 : i32 to vector<16xi32>
        %parallel_loop3A_1007 = arith.addi %parallel_loop3A_974, %parallel_loop3A_1006 : vector<16xi32>
        %parallel_loop3A_1008 = tpu.vector_load_idx %arg10[%parallel_loop3A_969, %parallel_loop3A_1007] : memref<128x64xf32, #tpu.memory_space<vmem>>[vector<16xi32>, vector<16xi32>], vector<16xf32>,
        %parallel_loop3A_1009 = arith.constant 19456 : i32
        %parallel_loop3A_1010 = arith.addi %parallel_loop3A_1009, %parallel_loop3A_965 : i32
        %parallel_loop3A_1011 = vector.broadcast %parallel_loop3A_1010 : i32 to vector<16xi32>
        %parallel_loop3A_1012 = arith.addi %parallel_loop3A_988, %parallel_loop3A_1011 : vector<16xi32>
        tpu.vector_store_idx %arg11[%parallel_loop3A_1012], %parallel_loop3A_1008 : memref<32768xf32, #tpu.memory_space<vmem>>[vector<16xi32>], vector<16xf32>,
        %parallel_loop3A_1013 = arith.constant 48 : i32
        %parallel_loop3A_1014 = vector.broadcast %parallel_loop3A_1013 : i32 to vector<16xi32>
        %parallel_loop3A_1015 = arith.addi %parallel_loop3A_974, %parallel_loop3A_1014 : vector<16xi32>
        %parallel_loop3A_1016 = tpu.vector_load_idx %arg10[%parallel_loop3A_969, %parallel_loop3A_1015] : memref<128x64xf32, #tpu.memory_space<vmem>>[vector<16xi32>, vector<16xi32>], vector<16xf32>,
        %parallel_loop3A_1017 = arith.constant 27648 : i32
        %parallel_loop3A_1018 = arith.addi %parallel_loop3A_1017, %parallel_loop3A_965 : i32
        %parallel_loop3A_1019 = vector.broadcast %parallel_loop3A_1018 : i32 to vector<16xi32>
        %parallel_loop3A_1020 = arith.addi %parallel_loop3A_988, %parallel_loop3A_1019 : vector<16xi32>
        tpu.vector_store_idx %arg11[%parallel_loop3A_1020], %parallel_loop3A_1016 : memref<32768xf32, #tpu.memory_space<vmem>>[vector<16xi32>], vector<16xf32>,
      } {sc.loop_unroll_factor = 2 : i64, sc.parallel_access}
      %add3A_532 = arith.constant 1 : i32
      %add3A_533 = arith.addi %add3A_462, %add3A_532 : i32
      %lt3A_534 = arith.constant 50 : i32
      %lt3A_535 = arith.cmpi slt, %add3A_533, %lt3A_534 : i32
      %convert_element_type3A_536 = arith.extui %lt3A_535 : i1 to i32
      %cond3A_537 = arith.constant 0 : i32
      %cond3A_538 = arith.cmpi ne, %convert_element_type3A_536, %cond3A_537 : i32
      scf.if %cond3A_538 {
        %dma_start3A_963 = arith.constant 3 : i32
        %dma_start3A_964 = arith.constant 0 : i32
        %dma_start3A_965 = tpu.memref_slice %arg6[%dma_start3A_963, %dma_start3A_964] : memref<4x128xi32, #tpu.memory_space<vmem>> -> memref<1x128xi32, #tpu.memory_space<vmem>>
        %dma_start3A_966 = tpu.memref_squeeze %dma_start3A_965 : memref<1x128xi32, #tpu.memory_space<vmem>> -> memref<128xi32, #tpu.memory_space<vmem>>
        %dma_start3A_967 = arith.constant 0 : i32
        %dma_start3A_968 = arith.constant 0 : i32
        %dma_start3A_969 = tpu.memref_slice %arg3[%dma_start3A_967, %dma_start3A_968] : memref<1000000x64xf32, #tpu.memory_space<hbm>> -> memref<1000000x64xf32, #tpu.memory_space<hbm>>
        tpu.enqueue_indirect_dma source(%dma_start3A_969 : memref<1000000x64xf32, #tpu.memory_space<hbm>>) target(%arg10 : memref<128x64xf32, #tpu.memory_space<vmem>>) offsets(%dma_start3A_966 : memref<128xi32, #tpu.memory_space<vmem>>) semaphore(%arg18 : memref<!tpu.dma_semaphore, #tpu.memory_space<semaphore_mem>>)
      } else {
      }
      %add3A_539 = arith.addi %mul3A_2, %add3A_462 : i32
      %mul3A_540 = arith.constant 4 : i32
      %mul3A_541 = arith.muli %add3A_539, %mul3A_540 : i32
      %jit3A_542 = arith.constant 128 : i32
      %div3A_543 = arith.divsi %mul3A_541, %jit3A_542 : i32
      %sign3A_544 = arith.constant 0 : i32
      %sign3A_545 = arith.cmpi sgt, %mul3A_541, %sign3A_544 : i32
      %sign3A_546 = arith.extui %sign3A_545 : i1 to i32
      %sign3A_547 = arith.constant 0 : i32
      %sign3A_548 = arith.cmpi slt, %mul3A_541, %sign3A_547 : i32
      %sign3A_549 = arith.extui %sign3A_548 : i1 to i32
      %sign3A_550 = arith.subi %sign3A_546, %sign3A_549 : i32
      %sign3A_551 = arith.constant 0 : i32
      %sign3A_552 = arith.cmpi sgt, %jit3A_542, %sign3A_551 : i32
      %sign3A_553 = arith.extui %sign3A_552 : i1 to i32
      %sign3A_554 = arith.constant 0 : i32
      %sign3A_555 = arith.cmpi slt, %jit3A_542, %sign3A_554 : i32
      %sign3A_556 = arith.extui %sign3A_555 : i1 to i32
      %sign3A_557 = arith.subi %sign3A_553, %sign3A_556 : i32
      %ne3A_558 = arith.cmpi ne, %sign3A_550, %sign3A_557 : i32
      %rem3A_559 = arith.remsi %mul3A_541, %jit3A_542 : i32
      %ne3A_560 = arith.constant 0 : i32
      %ne3A_561 = arith.cmpi ne, %rem3A_559, %ne3A_560 : i32
      %and3A_562 = arith.andi %ne3A_558, %ne3A_561 : i1
      %sub3A_563 = arith.constant 1 : i32
      %sub3A_564 = arith.subi %div3A_543, %sub3A_563 : i32
      %select_n3A_565 = arith.select %and3A_562, %sub3A_564, %div3A_543 : i32
      %jit3A_566 = arith.constant 128 : i32
      %eq3A_567 = arith.constant 0 : i32
      %eq3A_568 = arith.cmpi eq, %jit3A_566, %eq3A_567 : i32
      %jit3A_569 = arith.constant 1 : i32
      %select_n3A_570 = arith.select %eq3A_568, %jit3A_569, %jit3A_566 : i32
      %rem3A_571 = arith.remsi %mul3A_541, %select_n3A_570 : i32
      %ne3A_572 = arith.constant 0 : i32
      %ne3A_573 = arith.cmpi ne, %rem3A_571, %ne3A_572 : i32
      %lt3A_574 = arith.constant 0 : i32
      %lt3A_575 = arith.cmpi slt, %rem3A_571, %lt3A_574 : i32
      %lt3A_576 = arith.constant 0 : i32
      %lt3A_577 = arith.cmpi slt, %select_n3A_570, %lt3A_576 : i32
      %ne3A_578 = arith.xori %lt3A_575, %lt3A_577 : i1
      %and3A_579 = arith.andi %ne3A_578, %ne3A_573 : i1
      %add3A_580 = arith.addi %rem3A_571, %select_n3A_570 : i32
      %select_n3A_581 = arith.select %and3A_579, %add3A_580, %rem3A_571 : i32
      %mul3A_582 = arith.constant 8 : i32
      %mul3A_583 = arith.muli %select_n3A_565, %mul3A_582 : i32
      %add3A_584 = arith.constant 0 : i32
      %add3A_585 = arith.addi %mul3A_583, %add3A_584 : i32
      %mul3A_586 = arith.constant 128 : i32
      %mul3A_587 = arith.muli %add3A_585, %mul3A_586 : i32
      %add3A_588 = arith.addi %mul3A_587, %select_n3A_581 : i32
      %mul3A_589 = arith.constant 1024 : i32
      %mul3A_590 = arith.muli %add3A_588, %mul3A_589 : i32
      %mul3A_591 = arith.constant 8 : i32
      %mul3A_592 = arith.muli %select_n3A_565, %mul3A_591 : i32
      %add3A_593 = arith.constant 1 : i32
      %add3A_594 = arith.addi %mul3A_592, %add3A_593 : i32
      %mul3A_595 = arith.constant 128 : i32
      %mul3A_596 = arith.muli %add3A_594, %mul3A_595 : i32
      %add3A_597 = arith.addi %mul3A_596, %select_n3A_581 : i32
      %mul3A_598 = arith.constant 1024 : i32
      %mul3A_599 = arith.muli %add3A_597, %mul3A_598 : i32
      %mul3A_600 = arith.constant 8 : i32
      %mul3A_601 = arith.muli %select_n3A_565, %mul3A_600 : i32
      %add3A_602 = arith.constant 2 : i32
      %add3A_603 = arith.addi %mul3A_601, %add3A_602 : i32
      %mul3A_604 = arith.constant 128 : i32
      %mul3A_605 = arith.muli %add3A_603, %mul3A_604 : i32
      %add3A_606 = arith.addi %mul3A_605, %select_n3A_581 : i32
      %mul3A_607 = arith.constant 1024 : i32
      %mul3A_608 = arith.muli %add3A_606, %mul3A_607 : i32
      %mul3A_609 = arith.constant 8 : i32
      %mul3A_610 = arith.muli %select_n3A_565, %mul3A_609 : i32
      %add3A_611 = arith.constant 3 : i32
      %add3A_612 = arith.addi %mul3A_610, %add3A_611 : i32
      %mul3A_613 = arith.constant 128 : i32
      %mul3A_614 = arith.muli %add3A_612, %mul3A_613 : i32
      %add3A_615 = arith.addi %mul3A_614, %select_n3A_581 : i32
      %mul3A_616 = arith.constant 1024 : i32
      %mul3A_617 = arith.muli %add3A_615, %mul3A_616 : i32
      %mul3A_618 = arith.constant 8 : i32
      %mul3A_619 = arith.muli %select_n3A_565, %mul3A_618 : i32
      %add3A_620 = arith.constant 4 : i32
      %add3A_621 = arith.addi %mul3A_619, %add3A_620 : i32
      %mul3A_622 = arith.constant 128 : i32
      %mul3A_623 = arith.muli %add3A_621, %mul3A_622 : i32
      %add3A_624 = arith.addi %mul3A_623, %select_n3A_581 : i32
      %mul3A_625 = arith.constant 1024 : i32
      %mul3A_626 = arith.muli %add3A_624, %mul3A_625 : i32
      %mul3A_627 = arith.constant 8 : i32
      %mul3A_628 = arith.muli %select_n3A_565, %mul3A_627 : i32
      %add3A_629 = arith.constant 5 : i32
      %add3A_630 = arith.addi %mul3A_628, %add3A_629 : i32
      %mul3A_631 = arith.constant 128 : i32
      %mul3A_632 = arith.muli %add3A_630, %mul3A_631 : i32
      %add3A_633 = arith.addi %mul3A_632, %select_n3A_581 : i32
      %mul3A_634 = arith.constant 1024 : i32
      %mul3A_635 = arith.muli %add3A_633, %mul3A_634 : i32
      %mul3A_636 = arith.constant 8 : i32
      %mul3A_637 = arith.muli %select_n3A_565, %mul3A_636 : i32
      %add3A_638 = arith.constant 6 : i32
      %add3A_639 = arith.addi %mul3A_637, %add3A_638 : i32
      %mul3A_640 = arith.constant 128 : i32
      %mul3A_641 = arith.muli %add3A_639, %mul3A_640 : i32
      %add3A_642 = arith.addi %mul3A_641, %select_n3A_581 : i32
      %mul3A_643 = arith.constant 1024 : i32
      %mul3A_644 = arith.muli %add3A_642, %mul3A_643 : i32
      %mul3A_645 = arith.constant 8 : i32
      %mul3A_646 = arith.muli %select_n3A_565, %mul3A_645 : i32
      %add3A_647 = arith.constant 7 : i32
      %add3A_648 = arith.addi %mul3A_646, %add3A_647 : i32
      %mul3A_649 = arith.constant 128 : i32
      %mul3A_650 = arith.muli %add3A_648, %mul3A_649 : i32
      %add3A_651 = arith.addi %mul3A_650, %select_n3A_581 : i32
      %mul3A_652 = arith.constant 1024 : i32
      %mul3A_653 = arith.muli %add3A_651, %mul3A_652 : i32
      %dma_start3A_654 = arith.constant 0 : i32
      %dma_start3A_655 = tpu.memref_slice %arg11[%dma_start3A_654] : memref<32768xf32, #tpu.memory_space<vmem>> -> memref<4096xf32, #tpu.memory_space<vmem>>
      %dma_start3A_656 = tpu.memref_slice %arg4[%mul3A_590] : memref<52428800xf32, #tpu.memory_space<hbm>> -> memref<4096xf32, #tpu.memory_space<hbm>>
      %dma_start3A_657 = tpu.memref_slice %arg4[%mul3A_590] : memref<52428800xf32, #tpu.memory_space<hbm>> -> memref<4096xf32, #tpu.memory_space<hbm>>
      %dma_start3A_658 = arith.constant 0 : i32
      %dma_start3A_659 = tpu.memref_slice %arg11[%dma_start3A_658] : memref<32768xf32, #tpu.memory_space<vmem>> -> memref<4096xf32, #tpu.memory_space<vmem>>
      tpu.enqueue_dma source(%dma_start3A_659 : memref<4096xf32, #tpu.memory_space<vmem>>) target(%dma_start3A_657 : memref<4096xf32, #tpu.memory_space<hbm>>) target_semaphore(%arg19 : memref<!tpu.dma_semaphore, #tpu.memory_space<semaphore_mem>>)
      %dma_start3A_660 = arith.constant 4096 : i32
      %dma_start3A_661 = tpu.memref_slice %arg11[%dma_start3A_660] : memref<32768xf32, #tpu.memory_space<vmem>> -> memref<4096xf32, #tpu.memory_space<vmem>>
      %dma_start3A_662 = tpu.memref_slice %arg4[%mul3A_599] : memref<52428800xf32, #tpu.memory_space<hbm>> -> memref<4096xf32, #tpu.memory_space<hbm>>
      %dma_start3A_663 = tpu.memref_slice %arg4[%mul3A_599] : memref<52428800xf32, #tpu.memory_space<hbm>> -> memref<4096xf32, #tpu.memory_space<hbm>>
      %dma_start3A_664 = arith.constant 4096 : i32
      %dma_start3A_665 = tpu.memref_slice %arg11[%dma_start3A_664] : memref<32768xf32, #tpu.memory_space<vmem>> -> memref<4096xf32, #tpu.memory_space<vmem>>
      tpu.enqueue_dma source(%dma_start3A_665 : memref<4096xf32, #tpu.memory_space<vmem>>) target(%dma_start3A_663 : memref<4096xf32, #tpu.memory_space<hbm>>) target_semaphore(%arg19 : memref<!tpu.dma_semaphore, #tpu.memory_space<semaphore_mem>>)
      %dma_start3A_666 = arith.constant 8192 : i32
      %dma_start3A_667 = tpu.memref_slice %arg11[%dma_start3A_666] : memref<32768xf32, #tpu.memory_space<vmem>> -> memref<4096xf32, #tpu.memory_space<vmem>>
      %dma_start3A_668 = tpu.memref_slice %arg4[%mul3A_608] : memref<52428800xf32, #tpu.memory_space<hbm>> -> memref<4096xf32, #tpu.memory_space<hbm>>
      %dma_start3A_669 = tpu.memref_slice %arg4[%mul3A_608] : memref<52428800xf32, #tpu.memory_space<hbm>> -> memref<4096xf32, #tpu.memory_space<hbm>>
      %dma_start3A_670 = arith.constant 8192 : i32
      %dma_start3A_671 = tpu.memref_slice %arg11[%dma_start3A_670] : memref<32768xf32, #tpu.memory_space<vmem>> -> memref<4096xf32, #tpu.memory_space<vmem>>
      tpu.enqueue_dma source(%dma_start3A_671 : memref<4096xf32, #tpu.memory_space<vmem>>) target(%dma_start3A_669 : memref<4096xf32, #tpu.memory_space<hbm>>) target_semaphore(%arg19 : memref<!tpu.dma_semaphore, #tpu.memory_space<semaphore_mem>>)
      %dma_start3A_672 = arith.constant 12288 : i32
      %dma_start3A_673 = tpu.memref_slice %arg11[%dma_start3A_672] : memref<32768xf32, #tpu.memory_space<vmem>> -> memref<4096xf32, #tpu.memory_space<vmem>>
      %dma_start3A_674 = tpu.memref_slice %arg4[%mul3A_617] : memref<52428800xf32, #tpu.memory_space<hbm>> -> memref<4096xf32, #tpu.memory_space<hbm>>
      %dma_start3A_675 = tpu.memref_slice %arg4[%mul3A_617] : memref<52428800xf32, #tpu.memory_space<hbm>> -> memref<4096xf32, #tpu.memory_space<hbm>>
      %dma_start3A_676 = arith.constant 12288 : i32
      %dma_start3A_677 = tpu.memref_slice %arg11[%dma_start3A_676] : memref<32768xf32, #tpu.memory_space<vmem>> -> memref<4096xf32, #tpu.memory_space<vmem>>
      tpu.enqueue_dma source(%dma_start3A_677 : memref<4096xf32, #tpu.memory_space<vmem>>) target(%dma_start3A_675 : memref<4096xf32, #tpu.memory_space<hbm>>) target_semaphore(%arg19 : memref<!tpu.dma_semaphore, #tpu.memory_space<semaphore_mem>>)
      %dma_start3A_678 = arith.constant 16384 : i32
      %dma_start3A_679 = tpu.memref_slice %arg11[%dma_start3A_678] : memref<32768xf32, #tpu.memory_space<vmem>> -> memref<4096xf32, #tpu.memory_space<vmem>>
      %dma_start3A_680 = tpu.memref_slice %arg4[%mul3A_626] : memref<52428800xf32, #tpu.memory_space<hbm>> -> memref<4096xf32, #tpu.memory_space<hbm>>
      %dma_start3A_681 = tpu.memref_slice %arg4[%mul3A_626] : memref<52428800xf32, #tpu.memory_space<hbm>> -> memref<4096xf32, #tpu.memory_space<hbm>>
      %dma_start3A_682 = arith.constant 16384 : i32
      %dma_start3A_683 = tpu.memref_slice %arg11[%dma_start3A_682] : memref<32768xf32, #tpu.memory_space<vmem>> -> memref<4096xf32, #tpu.memory_space<vmem>>
      tpu.enqueue_dma source(%dma_start3A_683 : memref<4096xf32, #tpu.memory_space<vmem>>) target(%dma_start3A_681 : memref<4096xf32, #tpu.memory_space<hbm>>) target_semaphore(%arg19 : memref<!tpu.dma_semaphore, #tpu.memory_space<semaphore_mem>>)
      %dma_start3A_684 = arith.constant 20480 : i32
      %dma_start3A_685 = tpu.memref_slice %arg11[%dma_start3A_684] : memref<32768xf32, #tpu.memory_space<vmem>> -> memref<4096xf32, #tpu.memory_space<vmem>>
      %dma_start3A_686 = tpu.memref_slice %arg4[%mul3A_635] : memref<52428800xf32, #tpu.memory_space<hbm>> -> memref<4096xf32, #tpu.memory_space<hbm>>
      %dma_start3A_687 = tpu.memref_slice %arg4[%mul3A_635] : memref<52428800xf32, #tpu.memory_space<hbm>> -> memref<4096xf32, #tpu.memory_space<hbm>>
      %dma_start3A_688 = arith.constant 20480 : i32
      %dma_start3A_689 = tpu.memref_slice %arg11[%dma_start3A_688] : memref<32768xf32, #tpu.memory_space<vmem>> -> memref<4096xf32, #tpu.memory_space<vmem>>
      tpu.enqueue_dma source(%dma_start3A_689 : memref<4096xf32, #tpu.memory_space<vmem>>) target(%dma_start3A_687 : memref<4096xf32, #tpu.memory_space<hbm>>) target_semaphore(%arg19 : memref<!tpu.dma_semaphore, #tpu.memory_space<semaphore_mem>>)
      %dma_start3A_690 = arith.constant 24576 : i32
      %dma_start3A_691 = tpu.memref_slice %arg11[%dma_start3A_690] : memref<32768xf32, #tpu.memory_space<vmem>> -> memref<4096xf32, #tpu.memory_space<vmem>>
      %dma_start3A_692 = tpu.memref_slice %arg4[%mul3A_644] : memref<52428800xf32, #tpu.memory_space<hbm>> -> memref<4096xf32, #tpu.memory_space<hbm>>
      %dma_start3A_693 = tpu.memref_slice %arg4[%mul3A_644] : memref<52428800xf32, #tpu.memory_space<hbm>> -> memref<4096xf32, #tpu.memory_space<hbm>>
      %dma_start3A_694 = arith.constant 24576 : i32
      %dma_start3A_695 = tpu.memref_slice %arg11[%dma_start3A_694] : memref<32768xf32, #tpu.memory_space<vmem>> -> memref<4096xf32, #tpu.memory_space<vmem>>
      tpu.enqueue_dma source(%dma_start3A_695 : memref<4096xf32, #tpu.memory_space<vmem>>) target(%dma_start3A_693 : memref<4096xf32, #tpu.memory_space<hbm>>) target_semaphore(%arg19 : memref<!tpu.dma_semaphore, #tpu.memory_space<semaphore_mem>>)
      %dma_start3A_696 = arith.constant 28672 : i32
      %dma_start3A_697 = tpu.memref_slice %arg11[%dma_start3A_696] : memref<32768xf32, #tpu.memory_space<vmem>> -> memref<4096xf32, #tpu.memory_space<vmem>>
      %dma_start3A_698 = tpu.memref_slice %arg4[%mul3A_653] : memref<52428800xf32, #tpu.memory_space<hbm>> -> memref<4096xf32, #tpu.memory_space<hbm>>
      %dma_start3A_699 = tpu.memref_slice %arg4[%mul3A_653] : memref<52428800xf32, #tpu.memory_space<hbm>> -> memref<4096xf32, #tpu.memory_space<hbm>>
      %dma_start3A_700 = arith.constant 28672 : i32
      %dma_start3A_701 = tpu.memref_slice %arg11[%dma_start3A_700] : memref<32768xf32, #tpu.memory_space<vmem>> -> memref<4096xf32, #tpu.memory_space<vmem>>
      tpu.enqueue_dma source(%dma_start3A_701 : memref<4096xf32, #tpu.memory_space<vmem>>) target(%dma_start3A_699 : memref<4096xf32, #tpu.memory_space<hbm>>) target_semaphore(%arg19 : memref<!tpu.dma_semaphore, #tpu.memory_space<semaphore_mem>>)
      %add3A_702 = arith.constant 2 : i32
      %add3A_703 = arith.addi %add3A_462, %add3A_702 : i32
      %lt3A_704 = arith.constant 50 : i32
      %lt3A_705 = arith.cmpi slt, %add3A_703, %lt3A_704 : i32
      %convert_element_type3A_706 = arith.extui %lt3A_705 : i1 to i32
      %cond3A_707 = arith.constant 0 : i32
      %cond3A_708 = arith.cmpi ne, %convert_element_type3A_706, %cond3A_707 : i32
      scf.if %cond3A_708 {
        %add3A_963 = arith.constant 2 : i32
        %add3A_964 = arith.addi %add3A_462, %add3A_963 : i32
        %add3A_965 = arith.addi %mul3A_2, %add3A_964 : i32
        %mul3A_966 = arith.constant 4 : i32
        %mul3A_967 = arith.muli %add3A_965, %mul3A_966 : i32
        %jit3A_968 = arith.constant 128 : i32
        %div3A_969 = arith.divsi %mul3A_967, %jit3A_968 : i32
        %sign3A_970 = arith.constant 0 : i32
        %sign3A_971 = arith.cmpi sgt, %mul3A_967, %sign3A_970 : i32
        %sign3A_972 = arith.extui %sign3A_971 : i1 to i32
        %sign3A_973 = arith.constant 0 : i32
        %sign3A_974 = arith.cmpi slt, %mul3A_967, %sign3A_973 : i32
        %sign3A_975 = arith.extui %sign3A_974 : i1 to i32
        %sign3A_976 = arith.subi %sign3A_972, %sign3A_975 : i32
        %sign3A_977 = arith.constant 0 : i32
        %sign3A_978 = arith.cmpi sgt, %jit3A_968, %sign3A_977 : i32
        %sign3A_979 = arith.extui %sign3A_978 : i1 to i32
        %sign3A_980 = arith.constant 0 : i32
        %sign3A_981 = arith.cmpi slt, %jit3A_968, %sign3A_980 : i32
        %sign3A_982 = arith.extui %sign3A_981 : i1 to i32
        %sign3A_983 = arith.subi %sign3A_979, %sign3A_982 : i32
        %ne3A_984 = arith.cmpi ne, %sign3A_976, %sign3A_983 : i32
        %rem3A_985 = arith.remsi %mul3A_967, %jit3A_968 : i32
        %ne3A_986 = arith.constant 0 : i32
        %ne3A_987 = arith.cmpi ne, %rem3A_985, %ne3A_986 : i32
        %and3A_988 = arith.andi %ne3A_984, %ne3A_987 : i1
        %sub3A_989 = arith.constant 1 : i32
        %sub3A_990 = arith.subi %div3A_969, %sub3A_989 : i32
        %select_n3A_991 = arith.select %and3A_988, %sub3A_990, %div3A_969 : i32
        %jit3A_992 = arith.constant 128 : i32
        %eq3A_993 = arith.constant 0 : i32
        %eq3A_994 = arith.cmpi eq, %jit3A_992, %eq3A_993 : i32
        %jit3A_995 = arith.constant 1 : i32
        %select_n3A_996 = arith.select %eq3A_994, %jit3A_995, %jit3A_992 : i32
        %rem3A_997 = arith.remsi %mul3A_967, %select_n3A_996 : i32
        %ne3A_998 = arith.constant 0 : i32
        %ne3A_999 = arith.cmpi ne, %rem3A_997, %ne3A_998 : i32
        %lt3A_1000 = arith.constant 0 : i32
        %lt3A_1001 = arith.cmpi slt, %rem3A_997, %lt3A_1000 : i32
        %lt3A_1002 = arith.constant 0 : i32
        %lt3A_1003 = arith.cmpi slt, %select_n3A_996, %lt3A_1002 : i32
        %ne3A_1004 = arith.xori %lt3A_1001, %lt3A_1003 : i1
        %and3A_1005 = arith.andi %ne3A_1004, %ne3A_999 : i1
        %add3A_1006 = arith.addi %rem3A_997, %select_n3A_996 : i32
        %select_n3A_1007 = arith.select %and3A_1005, %add3A_1006, %rem3A_997 : i32
        %dma_start3A_1008 = arith.constant 0 : i32
        %dma_start3A_1009 = tpu.memref_slice %arg2[%select_n3A_991, %select_n3A_1007, %dma_start3A_1008] : memref<50x128x128xi32, #tpu.memory_space<hbm>> -> memref<1x4x128xi32, #tpu.memory_space<hbm>>
        %dma_start3A_1010 = tpu.memref_squeeze %dma_start3A_1009 : memref<1x4x128xi32, #tpu.memory_space<hbm>> -> memref<4x128xi32, #tpu.memory_space<hbm>>
        %dma_start3A_1011 = arith.constant 0 : i32
        %dma_start3A_1012 = tpu.memref_slice %arg2[%select_n3A_991, %select_n3A_1007, %dma_start3A_1011] : memref<50x128x128xi32, #tpu.memory_space<hbm>> -> memref<1x4x128xi32, #tpu.memory_space<hbm>>
        %dma_start3A_1013 = tpu.memref_squeeze %dma_start3A_1012 : memref<1x4x128xi32, #tpu.memory_space<hbm>> -> memref<4x128xi32, #tpu.memory_space<hbm>>
        tpu.enqueue_dma source(%dma_start3A_1013 : memref<4x128xi32, #tpu.memory_space<hbm>>) target(%arg5 : memref<4x128xi32, #tpu.memory_space<vmem>>) target_semaphore(%arg13 : memref<!tpu.dma_semaphore, #tpu.memory_space<semaphore_mem>>)
      } else {
      }
      %mul3A_709 = arith.constant 2 : i32
      %mul3A_710 = arith.muli %scan3A_458, %mul3A_709 : i32
      %add3A_711 = arith.constant 1 : i32
      %add3A_712 = arith.addi %mul3A_710, %add3A_711 : i32
      %ge3A_713 = arith.constant 2 : i32
      %ge3A_714 = arith.cmpi sge, %add3A_712, %ge3A_713 : i32
      %convert_element_type3A_715 = arith.extui %ge3A_714 : i1 to i32
      %cond3A_716 = arith.constant 0 : i32
      %cond3A_717 = arith.cmpi ne, %convert_element_type3A_715, %cond3A_716 : i32
      scf.if %cond3A_717 {
        %sub3A_963 = arith.constant 2 : i32
        %sub3A_964 = arith.subi %add3A_712, %sub3A_963 : i32
        %add3A_965 = arith.addi %mul3A_2, %sub3A_964 : i32
        %mul3A_966 = arith.constant 4 : i32
        %mul3A_967 = arith.muli %add3A_965, %mul3A_966 : i32
        %jit3A_968 = arith.constant 128 : i32
        %div3A_969 = arith.divsi %mul3A_967, %jit3A_968 : i32
        %sign3A_970 = arith.constant 0 : i32
        %sign3A_971 = arith.cmpi sgt, %mul3A_967, %sign3A_970 : i32
        %sign3A_972 = arith.extui %sign3A_971 : i1 to i32
        %sign3A_973 = arith.constant 0 : i32
        %sign3A_974 = arith.cmpi slt, %mul3A_967, %sign3A_973 : i32
        %sign3A_975 = arith.extui %sign3A_974 : i1 to i32
        %sign3A_976 = arith.subi %sign3A_972, %sign3A_975 : i32
        %sign3A_977 = arith.constant 0 : i32
        %sign3A_978 = arith.cmpi sgt, %jit3A_968, %sign3A_977 : i32
        %sign3A_979 = arith.extui %sign3A_978 : i1 to i32
        %sign3A_980 = arith.constant 0 : i32
        %sign3A_981 = arith.cmpi slt, %jit3A_968, %sign3A_980 : i32
        %sign3A_982 = arith.extui %sign3A_981 : i1 to i32
        %sign3A_983 = arith.subi %sign3A_979, %sign3A_982 : i32
        %ne3A_984 = arith.cmpi ne, %sign3A_976, %sign3A_983 : i32
        %rem3A_985 = arith.remsi %mul3A_967, %jit3A_968 : i32
        %ne3A_986 = arith.constant 0 : i32
        %ne3A_987 = arith.cmpi ne, %rem3A_985, %ne3A_986 : i32
        %and3A_988 = arith.andi %ne3A_984, %ne3A_987 : i1
        %sub3A_989 = arith.constant 1 : i32
        %sub3A_990 = arith.subi %div3A_969, %sub3A_989 : i32
        %select_n3A_991 = arith.select %and3A_988, %sub3A_990, %div3A_969 : i32
        %jit3A_992 = arith.constant 128 : i32
        %eq3A_993 = arith.constant 0 : i32
        %eq3A_994 = arith.cmpi eq, %jit3A_992, %eq3A_993 : i32
        %jit3A_995 = arith.constant 1 : i32
        %select_n3A_996 = arith.select %eq3A_994, %jit3A_995, %jit3A_992 : i32
        %rem3A_997 = arith.remsi %mul3A_967, %select_n3A_996 : i32
        %ne3A_998 = arith.constant 0 : i32
        %ne3A_999 = arith.cmpi ne, %rem3A_997, %ne3A_998 : i32
        %lt3A_1000 = arith.constant 0 : i32
        %lt3A_1001 = arith.cmpi slt, %rem3A_997, %lt3A_1000 : i32
        %lt3A_1002 = arith.constant 0 : i32
        %lt3A_1003 = arith.cmpi slt, %select_n3A_996, %lt3A_1002 : i32
        %ne3A_1004 = arith.xori %lt3A_1001, %lt3A_1003 : i1
        %and3A_1005 = arith.andi %ne3A_1004, %ne3A_999 : i1
        %add3A_1006 = arith.addi %rem3A_997, %select_n3A_996 : i32
        %select_n3A_1007 = arith.select %and3A_1005, %add3A_1006, %rem3A_997 : i32
        %mul3A_1008 = arith.constant 8 : i32
        %mul3A_1009 = arith.muli %select_n3A_991, %mul3A_1008 : i32
        %add3A_1010 = arith.constant 0 : i32
        %add3A_1011 = arith.addi %mul3A_1009, %add3A_1010 : i32
        %mul3A_1012 = arith.constant 128 : i32
        %mul3A_1013 = arith.muli %add3A_1011, %mul3A_1012 : i32
        %add3A_1014 = arith.addi %mul3A_1013, %select_n3A_1007 : i32
        %mul3A_1015 = arith.constant 1024 : i32
        %mul3A_1016 = arith.muli %add3A_1014, %mul3A_1015 : i32
        %mul3A_1017 = arith.constant 8 : i32
        %mul3A_1018 = arith.muli %select_n3A_991, %mul3A_1017 : i32
        %add3A_1019 = arith.constant 1 : i32
        %add3A_1020 = arith.addi %mul3A_1018, %add3A_1019 : i32
        %mul3A_1021 = arith.constant 128 : i32
        %mul3A_1022 = arith.muli %add3A_1020, %mul3A_1021 : i32
        %add3A_1023 = arith.addi %mul3A_1022, %select_n3A_1007 : i32
        %mul3A_1024 = arith.constant 1024 : i32
        %mul3A_1025 = arith.muli %add3A_1023, %mul3A_1024 : i32
        %mul3A_1026 = arith.constant 8 : i32
        %mul3A_1027 = arith.muli %select_n3A_991, %mul3A_1026 : i32
        %add3A_1028 = arith.constant 2 : i32
        %add3A_1029 = arith.addi %mul3A_1027, %add3A_1028 : i32
        %mul3A_1030 = arith.constant 128 : i32
        %mul3A_1031 = arith.muli %add3A_1029, %mul3A_1030 : i32
        %add3A_1032 = arith.addi %mul3A_1031, %select_n3A_1007 : i32
        %mul3A_1033 = arith.constant 1024 : i32
        %mul3A_1034 = arith.muli %add3A_1032, %mul3A_1033 : i32
        %mul3A_1035 = arith.constant 8 : i32
        %mul3A_1036 = arith.muli %select_n3A_991, %mul3A_1035 : i32
        %add3A_1037 = arith.constant 3 : i32
        %add3A_1038 = arith.addi %mul3A_1036, %add3A_1037 : i32
        %mul3A_1039 = arith.constant 128 : i32
        %mul3A_1040 = arith.muli %add3A_1038, %mul3A_1039 : i32
        %add3A_1041 = arith.addi %mul3A_1040, %select_n3A_1007 : i32
        %mul3A_1042 = arith.constant 1024 : i32
        %mul3A_1043 = arith.muli %add3A_1041, %mul3A_1042 : i32
        %mul3A_1044 = arith.constant 8 : i32
        %mul3A_1045 = arith.muli %select_n3A_991, %mul3A_1044 : i32
        %add3A_1046 = arith.constant 4 : i32
        %add3A_1047 = arith.addi %mul3A_1045, %add3A_1046 : i32
        %mul3A_1048 = arith.constant 128 : i32
        %mul3A_1049 = arith.muli %add3A_1047, %mul3A_1048 : i32
        %add3A_1050 = arith.addi %mul3A_1049, %select_n3A_1007 : i32
        %mul3A_1051 = arith.constant 1024 : i32
        %mul3A_1052 = arith.muli %add3A_1050, %mul3A_1051 : i32
        %mul3A_1053 = arith.constant 8 : i32
        %mul3A_1054 = arith.muli %select_n3A_991, %mul3A_1053 : i32
        %add3A_1055 = arith.constant 5 : i32
        %add3A_1056 = arith.addi %mul3A_1054, %add3A_1055 : i32
        %mul3A_1057 = arith.constant 128 : i32
        %mul3A_1058 = arith.muli %add3A_1056, %mul3A_1057 : i32
        %add3A_1059 = arith.addi %mul3A_1058, %select_n3A_1007 : i32
        %mul3A_1060 = arith.constant 1024 : i32
        %mul3A_1061 = arith.muli %add3A_1059, %mul3A_1060 : i32
        %mul3A_1062 = arith.constant 8 : i32
        %mul3A_1063 = arith.muli %select_n3A_991, %mul3A_1062 : i32
        %add3A_1064 = arith.constant 6 : i32
        %add3A_1065 = arith.addi %mul3A_1063, %add3A_1064 : i32
        %mul3A_1066 = arith.constant 128 : i32
        %mul3A_1067 = arith.muli %add3A_1065, %mul3A_1066 : i32
        %add3A_1068 = arith.addi %mul3A_1067, %select_n3A_1007 : i32
        %mul3A_1069 = arith.constant 1024 : i32
        %mul3A_1070 = arith.muli %add3A_1068, %mul3A_1069 : i32
        %mul3A_1071 = arith.constant 8 : i32
        %mul3A_1072 = arith.muli %select_n3A_991, %mul3A_1071 : i32
        %add3A_1073 = arith.constant 7 : i32
        %add3A_1074 = arith.addi %mul3A_1072, %add3A_1073 : i32
        %mul3A_1075 = arith.constant 128 : i32
        %mul3A_1076 = arith.muli %add3A_1074, %mul3A_1075 : i32
        %add3A_1077 = arith.addi %mul3A_1076, %select_n3A_1007 : i32
        %mul3A_1078 = arith.constant 1024 : i32
        %mul3A_1079 = arith.muli %add3A_1077, %mul3A_1078 : i32
        %dma_wait3A_1080 = arith.constant 0 : i32
        %dma_wait3A_1081 = tpu.memref_slice %arg12[%dma_wait3A_1080] : memref<32768xf32, #tpu.memory_space<vmem>> -> memref<4096xf32, #tpu.memory_space<vmem>>
        %dma_wait3A_1082 = tpu.memref_slice %arg4[%mul3A_1016] : memref<52428800xf32, #tpu.memory_space<hbm>> -> memref<4096xf32, #tpu.memory_space<hbm>>
        %dma_wait3A_1083 = tpu.memref_slice %arg4[%mul3A_1016] : memref<52428800xf32, #tpu.memory_space<hbm>> -> memref<4096xf32, #tpu.memory_space<hbm>>
        %dma_wait3A_1084 = arith.constant 0 : i32
        %dma_wait3A_1085 = tpu.memref_slice %arg12[%dma_wait3A_1084] : memref<32768xf32, #tpu.memory_space<vmem>> -> memref<4096xf32, #tpu.memory_space<vmem>>
        tpu.wait_dma2 semaphore(%arg20 : memref<!tpu.dma_semaphore, #tpu.memory_space<semaphore_mem>>) src(%dma_wait3A_1085 : memref<4096xf32, #tpu.memory_space<vmem>>) dst(%dma_wait3A_1083 : memref<4096xf32, #tpu.memory_space<hbm>>)
        %dma_wait3A_1086 = arith.constant 4096 : i32
        %dma_wait3A_1087 = tpu.memref_slice %arg12[%dma_wait3A_1086] : memref<32768xf32, #tpu.memory_space<vmem>> -> memref<4096xf32, #tpu.memory_space<vmem>>
        %dma_wait3A_1088 = tpu.memref_slice %arg4[%mul3A_1025] : memref<52428800xf32, #tpu.memory_space<hbm>> -> memref<4096xf32, #tpu.memory_space<hbm>>
        %dma_wait3A_1089 = tpu.memref_slice %arg4[%mul3A_1025] : memref<52428800xf32, #tpu.memory_space<hbm>> -> memref<4096xf32, #tpu.memory_space<hbm>>
        %dma_wait3A_1090 = arith.constant 4096 : i32
        %dma_wait3A_1091 = tpu.memref_slice %arg12[%dma_wait3A_1090] : memref<32768xf32, #tpu.memory_space<vmem>> -> memref<4096xf32, #tpu.memory_space<vmem>>
        tpu.wait_dma2 semaphore(%arg20 : memref<!tpu.dma_semaphore, #tpu.memory_space<semaphore_mem>>) src(%dma_wait3A_1091 : memref<4096xf32, #tpu.memory_space<vmem>>) dst(%dma_wait3A_1089 : memref<4096xf32, #tpu.memory_space<hbm>>)
        %dma_wait3A_1092 = arith.constant 8192 : i32
        %dma_wait3A_1093 = tpu.memref_slice %arg12[%dma_wait3A_1092] : memref<32768xf32, #tpu.memory_space<vmem>> -> memref<4096xf32, #tpu.memory_space<vmem>>
        %dma_wait3A_1094 = tpu.memref_slice %arg4[%mul3A_1034] : memref<52428800xf32, #tpu.memory_space<hbm>> -> memref<4096xf32, #tpu.memory_space<hbm>>
        %dma_wait3A_1095 = tpu.memref_slice %arg4[%mul3A_1034] : memref<52428800xf32, #tpu.memory_space<hbm>> -> memref<4096xf32, #tpu.memory_space<hbm>>
        %dma_wait3A_1096 = arith.constant 8192 : i32
        %dma_wait3A_1097 = tpu.memref_slice %arg12[%dma_wait3A_1096] : memref<32768xf32, #tpu.memory_space<vmem>> -> memref<4096xf32, #tpu.memory_space<vmem>>
        tpu.wait_dma2 semaphore(%arg20 : memref<!tpu.dma_semaphore, #tpu.memory_space<semaphore_mem>>) src(%dma_wait3A_1097 : memref<4096xf32, #tpu.memory_space<vmem>>) dst(%dma_wait3A_1095 : memref<4096xf32, #tpu.memory_space<hbm>>)
        %dma_wait3A_1098 = arith.constant 12288 : i32
        %dma_wait3A_1099 = tpu.memref_slice %arg12[%dma_wait3A_1098] : memref<32768xf32, #tpu.memory_space<vmem>> -> memref<4096xf32, #tpu.memory_space<vmem>>
        %dma_wait3A_1100 = tpu.memref_slice %arg4[%mul3A_1043] : memref<52428800xf32, #tpu.memory_space<hbm>> -> memref<4096xf32, #tpu.memory_space<hbm>>
        %dma_wait3A_1101 = tpu.memref_slice %arg4[%mul3A_1043] : memref<52428800xf32, #tpu.memory_space<hbm>> -> memref<4096xf32, #tpu.memory_space<hbm>>
        %dma_wait3A_1102 = arith.constant 12288 : i32
        %dma_wait3A_1103 = tpu.memref_slice %arg12[%dma_wait3A_1102] : memref<32768xf32, #tpu.memory_space<vmem>> -> memref<4096xf32, #tpu.memory_space<vmem>>
        tpu.wait_dma2 semaphore(%arg20 : memref<!tpu.dma_semaphore, #tpu.memory_space<semaphore_mem>>) src(%dma_wait3A_1103 : memref<4096xf32, #tpu.memory_space<vmem>>) dst(%dma_wait3A_1101 : memref<4096xf32, #tpu.memory_space<hbm>>)
        %dma_wait3A_1104 = arith.constant 16384 : i32
        %dma_wait3A_1105 = tpu.memref_slice %arg12[%dma_wait3A_1104] : memref<32768xf32, #tpu.memory_space<vmem>> -> memref<4096xf32, #tpu.memory_space<vmem>>
        %dma_wait3A_1106 = tpu.memref_slice %arg4[%mul3A_1052] : memref<52428800xf32, #tpu.memory_space<hbm>> -> memref<4096xf32, #tpu.memory_space<hbm>>
        %dma_wait3A_1107 = tpu.memref_slice %arg4[%mul3A_1052] : memref<52428800xf32, #tpu.memory_space<hbm>> -> memref<4096xf32, #tpu.memory_space<hbm>>
        %dma_wait3A_1108 = arith.constant 16384 : i32
        %dma_wait3A_1109 = tpu.memref_slice %arg12[%dma_wait3A_1108] : memref<32768xf32, #tpu.memory_space<vmem>> -> memref<4096xf32, #tpu.memory_space<vmem>>
        tpu.wait_dma2 semaphore(%arg20 : memref<!tpu.dma_semaphore, #tpu.memory_space<semaphore_mem>>) src(%dma_wait3A_1109 : memref<4096xf32, #tpu.memory_space<vmem>>) dst(%dma_wait3A_1107 : memref<4096xf32, #tpu.memory_space<hbm>>)
        %dma_wait3A_1110 = arith.constant 20480 : i32
        %dma_wait3A_1111 = tpu.memref_slice %arg12[%dma_wait3A_1110] : memref<32768xf32, #tpu.memory_space<vmem>> -> memref<4096xf32, #tpu.memory_space<vmem>>
        %dma_wait3A_1112 = tpu.memref_slice %arg4[%mul3A_1061] : memref<52428800xf32, #tpu.memory_space<hbm>> -> memref<4096xf32, #tpu.memory_space<hbm>>
        %dma_wait3A_1113 = tpu.memref_slice %arg4[%mul3A_1061] : memref<52428800xf32, #tpu.memory_space<hbm>> -> memref<4096xf32, #tpu.memory_space<hbm>>
        %dma_wait3A_1114 = arith.constant 20480 : i32
        %dma_wait3A_1115 = tpu.memref_slice %arg12[%dma_wait3A_1114] : memref<32768xf32, #tpu.memory_space<vmem>> -> memref<4096xf32, #tpu.memory_space<vmem>>
        tpu.wait_dma2 semaphore(%arg20 : memref<!tpu.dma_semaphore, #tpu.memory_space<semaphore_mem>>) src(%dma_wait3A_1115 : memref<4096xf32, #tpu.memory_space<vmem>>) dst(%dma_wait3A_1113 : memref<4096xf32, #tpu.memory_space<hbm>>)
        %dma_wait3A_1116 = arith.constant 24576 : i32
        %dma_wait3A_1117 = tpu.memref_slice %arg12[%dma_wait3A_1116] : memref<32768xf32, #tpu.memory_space<vmem>> -> memref<4096xf32, #tpu.memory_space<vmem>>
        %dma_wait3A_1118 = tpu.memref_slice %arg4[%mul3A_1070] : memref<52428800xf32, #tpu.memory_space<hbm>> -> memref<4096xf32, #tpu.memory_space<hbm>>
        %dma_wait3A_1119 = tpu.memref_slice %arg4[%mul3A_1070] : memref<52428800xf32, #tpu.memory_space<hbm>> -> memref<4096xf32, #tpu.memory_space<hbm>>
        %dma_wait3A_1120 = arith.constant 24576 : i32
        %dma_wait3A_1121 = tpu.memref_slice %arg12[%dma_wait3A_1120] : memref<32768xf32, #tpu.memory_space<vmem>> -> memref<4096xf32, #tpu.memory_space<vmem>>
        tpu.wait_dma2 semaphore(%arg20 : memref<!tpu.dma_semaphore, #tpu.memory_space<semaphore_mem>>) src(%dma_wait3A_1121 : memref<4096xf32, #tpu.memory_space<vmem>>) dst(%dma_wait3A_1119 : memref<4096xf32, #tpu.memory_space<hbm>>)
        %dma_wait3A_1122 = arith.constant 28672 : i32
        %dma_wait3A_1123 = tpu.memref_slice %arg12[%dma_wait3A_1122] : memref<32768xf32, #tpu.memory_space<vmem>> -> memref<4096xf32, #tpu.memory_space<vmem>>
        %dma_wait3A_1124 = tpu.memref_slice %arg4[%mul3A_1079] : memref<52428800xf32, #tpu.memory_space<hbm>> -> memref<4096xf32, #tpu.memory_space<hbm>>
        %dma_wait3A_1125 = tpu.memref_slice %arg4[%mul3A_1079] : memref<52428800xf32, #tpu.memory_space<hbm>> -> memref<4096xf32, #tpu.memory_space<hbm>>
        %dma_wait3A_1126 = arith.constant 28672 : i32
        %dma_wait3A_1127 = tpu.memref_slice %arg12[%dma_wait3A_1126] : memref<32768xf32, #tpu.memory_space<vmem>> -> memref<4096xf32, #tpu.memory_space<vmem>>
        tpu.wait_dma2 semaphore(%arg20 : memref<!tpu.dma_semaphore, #tpu.memory_space<semaphore_mem>>) src(%dma_wait3A_1127 : memref<4096xf32, #tpu.memory_space<vmem>>) dst(%dma_wait3A_1125 : memref<4096xf32, #tpu.memory_space<hbm>>)
      } else {
      }
      %add3A_718 = arith.constant 1 : i32
      %add3A_719 = arith.addi %add3A_712, %add3A_718 : i32
      %lt3A_720 = arith.constant 50 : i32
      %lt3A_721 = arith.cmpi slt, %add3A_719, %lt3A_720 : i32
      %convert_element_type3A_722 = arith.extui %lt3A_721 : i1 to i32
      %cond3A_723 = arith.constant 0 : i32
      %cond3A_724 = arith.cmpi ne, %convert_element_type3A_722, %cond3A_723 : i32
      scf.if %cond3A_724 {
        %add3A_963 = arith.constant 1 : i32
        %add3A_964 = arith.addi %add3A_712, %add3A_963 : i32
        %add3A_965 = arith.addi %mul3A_2, %add3A_964 : i32
        %mul3A_966 = arith.constant 4 : i32
        %mul3A_967 = arith.muli %add3A_965, %mul3A_966 : i32
        %jit3A_968 = arith.constant 128 : i32
        %div3A_969 = arith.divsi %mul3A_967, %jit3A_968 : i32
        %sign3A_970 = arith.constant 0 : i32
        %sign3A_971 = arith.cmpi sgt, %mul3A_967, %sign3A_970 : i32
        %sign3A_972 = arith.extui %sign3A_971 : i1 to i32
        %sign3A_973 = arith.constant 0 : i32
        %sign3A_974 = arith.cmpi slt, %mul3A_967, %sign3A_973 : i32
        %sign3A_975 = arith.extui %sign3A_974 : i1 to i32
        %sign3A_976 = arith.subi %sign3A_972, %sign3A_975 : i32
        %sign3A_977 = arith.constant 0 : i32
        %sign3A_978 = arith.cmpi sgt, %jit3A_968, %sign3A_977 : i32
        %sign3A_979 = arith.extui %sign3A_978 : i1 to i32
        %sign3A_980 = arith.constant 0 : i32
        %sign3A_981 = arith.cmpi slt, %jit3A_968, %sign3A_980 : i32
        %sign3A_982 = arith.extui %sign3A_981 : i1 to i32
        %sign3A_983 = arith.subi %sign3A_979, %sign3A_982 : i32
        %ne3A_984 = arith.cmpi ne, %sign3A_976, %sign3A_983 : i32
        %rem3A_985 = arith.remsi %mul3A_967, %jit3A_968 : i32
        %ne3A_986 = arith.constant 0 : i32
        %ne3A_987 = arith.cmpi ne, %rem3A_985, %ne3A_986 : i32
        %and3A_988 = arith.andi %ne3A_984, %ne3A_987 : i1
        %sub3A_989 = arith.constant 1 : i32
        %sub3A_990 = arith.subi %div3A_969, %sub3A_989 : i32
        %select_n3A_991 = arith.select %and3A_988, %sub3A_990, %div3A_969 : i32
        %jit3A_992 = arith.constant 128 : i32
        %eq3A_993 = arith.constant 0 : i32
        %eq3A_994 = arith.cmpi eq, %jit3A_992, %eq3A_993 : i32
        %jit3A_995 = arith.constant 1 : i32
        %select_n3A_996 = arith.select %eq3A_994, %jit3A_995, %jit3A_992 : i32
        %rem3A_997 = arith.remsi %mul3A_967, %select_n3A_996 : i32
        %ne3A_998 = arith.constant 0 : i32
        %ne3A_999 = arith.cmpi ne, %rem3A_997, %ne3A_998 : i32
        %lt3A_1000 = arith.constant 0 : i32
        %lt3A_1001 = arith.cmpi slt, %rem3A_997, %lt3A_1000 : i32
        %lt3A_1002 = arith.constant 0 : i32
        %lt3A_1003 = arith.cmpi slt, %select_n3A_996, %lt3A_1002 : i32
        %ne3A_1004 = arith.xori %lt3A_1001, %lt3A_1003 : i1
        %and3A_1005 = arith.andi %ne3A_1004, %ne3A_999 : i1
        %add3A_1006 = arith.addi %rem3A_997, %select_n3A_996 : i32
        %select_n3A_1007 = arith.select %and3A_1005, %add3A_1006, %rem3A_997 : i32
        %dma_wait3A_1008 = arith.constant 0 : i32
        %dma_wait3A_1009 = tpu.memref_slice %arg2[%select_n3A_991, %select_n3A_1007, %dma_wait3A_1008] : memref<50x128x128xi32, #tpu.memory_space<hbm>> -> memref<1x4x128xi32, #tpu.memory_space<hbm>>
        %dma_wait3A_1010 = tpu.memref_squeeze %dma_wait3A_1009 : memref<1x4x128xi32, #tpu.memory_space<hbm>> -> memref<4x128xi32, #tpu.memory_space<hbm>>
        %dma_wait3A_1011 = arith.constant 0 : i32
        %dma_wait3A_1012 = tpu.memref_slice %arg2[%select_n3A_991, %select_n3A_1007, %dma_wait3A_1011] : memref<50x128x128xi32, #tpu.memory_space<hbm>> -> memref<1x4x128xi32, #tpu.memory_space<hbm>>
        %dma_wait3A_1013 = tpu.memref_squeeze %dma_wait3A_1012 : memref<1x4x128xi32, #tpu.memory_space<hbm>> -> memref<4x128xi32, #tpu.memory_space<hbm>>
        tpu.wait_dma2 semaphore(%arg13 : memref<!tpu.dma_semaphore, #tpu.memory_space<semaphore_mem>>) src(%dma_wait3A_1013 : memref<4x128xi32, #tpu.memory_space<hbm>>) dst(%arg5 : memref<4x128xi32, #tpu.memory_space<vmem>>)
      } else {
      }
      %dma_wait3A_725 = arith.constant 0 : i32
      %dma_wait3A_726 = arith.constant 0 : i32
      %dma_wait3A_727 = tpu.memref_slice %arg6[%dma_wait3A_725, %dma_wait3A_726] : memref<4x128xi32, #tpu.memory_space<vmem>> -> memref<1x128xi32, #tpu.memory_space<vmem>>
      %dma_wait3A_728 = tpu.memref_squeeze %dma_wait3A_727 : memref<1x128xi32, #tpu.memory_space<vmem>> -> memref<128xi32, #tpu.memory_space<vmem>>
      %dma_wait3A_729 = arith.constant 0 : i32
      %dma_wait3A_730 = arith.constant 0 : i32
      %dma_wait3A_731 = tpu.memref_slice %arg3[%dma_wait3A_729, %dma_wait3A_730] : memref<1000000x64xf32, #tpu.memory_space<hbm>> -> memref<1000000x64xf32, #tpu.memory_space<hbm>>
      tpu.wait_indirect_dma semaphore(%arg15 : memref<!tpu.dma_semaphore, #tpu.memory_space<semaphore_mem>>) src(%dma_wait3A_731 : memref<1000000x64xf32, #tpu.memory_space<hbm>>) dst(%arg7 : memref<128x64xf32, #tpu.memory_space<vmem>>)
      %parallel_loop3A_732 = arith.constant 0 : i32
      %parallel_loop3A_733 = arith.constant 128 : i32
      %parallel_loop3A_734 = arith.constant 1 : i32
      scf.for %parallel_loop3A_963 = %parallel_loop3A_732 to %parallel_loop3A_733 step %parallel_loop3A_734  : i32 {
        %parallel_loop3A_964 = arith.constant -16 : i32
        %parallel_loop3A_965 = arith.andi %parallel_loop3A_963, %parallel_loop3A_964 : i32
        %parallel_loop3A_966 = arith.constant 15 : i32
        %parallel_loop3A_967 = arith.andi %parallel_loop3A_963, %parallel_loop3A_966 : i32
        %parallel_loop3A_968 = vector.broadcast %parallel_loop3A_965 : i32 to vector<16xi32>
        %parallel_loop3A_969 = arith.addi %iota3A, %parallel_loop3A_968 : vector<16xi32>
        %parallel_loop3A_970 = vector.broadcast %parallel_loop3A_967 : i32 to vector<16xi32>
        %parallel_loop3A_971 = arith.addi %iota3A, %parallel_loop3A_970 : vector<16xi32>
        %parallel_loop3A_972 = arith.constant 15 : i32
        %parallel_loop3A_973 = vector.broadcast %parallel_loop3A_972 : i32 to vector<16xi32>
        %parallel_loop3A_974 = arith.andi %parallel_loop3A_971, %parallel_loop3A_973 : vector<16xi32>
        %parallel_loop3A_975 = arith.constant 3 : i32
        %parallel_loop3A_976 = vector.broadcast %parallel_loop3A_975 : i32 to vector<16xi32>
        %parallel_loop3A_977 = arith.shrsi %parallel_loop3A_974, %parallel_loop3A_976 : vector<16xi32>
        %parallel_loop3A_978 = arith.constant 12 : i32
        %parallel_loop3A_979 = vector.broadcast %parallel_loop3A_978 : i32 to vector<16xi32>
        %parallel_loop3A_980 = arith.shli %parallel_loop3A_977, %parallel_loop3A_979 : vector<16xi32>
        %parallel_loop3A_981 = arith.constant 7 : i32
        %parallel_loop3A_982 = vector.broadcast %parallel_loop3A_981 : i32 to vector<16xi32>
        %parallel_loop3A_983 = arith.andi %parallel_loop3A_974, %parallel_loop3A_982 : vector<16xi32>
        %parallel_loop3A_984 = arith.constant 7 : i32
        %parallel_loop3A_985 = vector.broadcast %parallel_loop3A_984 : i32 to vector<16xi32>
        %parallel_loop3A_986 = arith.shli %parallel_loop3A_983, %parallel_loop3A_985 : vector<16xi32>
        %parallel_loop3A_987 = arith.addi %parallel_loop3A_980, %parallel_loop3A_986 : vector<16xi32>
        %parallel_loop3A_988 = arith.addi %parallel_loop3A_987, %iota3A : vector<16xi32>
        %parallel_loop3A_989 = arith.constant 0 : i32
        %parallel_loop3A_990 = vector.broadcast %parallel_loop3A_989 : i32 to vector<16xi32>
        %parallel_loop3A_991 = arith.addi %parallel_loop3A_974, %parallel_loop3A_990 : vector<16xi32>
        %parallel_loop3A_992 = tpu.vector_load_idx %arg7[%parallel_loop3A_969, %parallel_loop3A_991] : memref<128x64xf32, #tpu.memory_space<vmem>>[vector<16xi32>, vector<16xi32>], vector<16xf32>,
        %parallel_loop3A_993 = arith.constant 0 : i32
        %parallel_loop3A_994 = arith.addi %parallel_loop3A_993, %parallel_loop3A_965 : i32
        %parallel_loop3A_995 = vector.broadcast %parallel_loop3A_994 : i32 to vector<16xi32>
        %parallel_loop3A_996 = arith.addi %parallel_loop3A_988, %parallel_loop3A_995 : vector<16xi32>
        tpu.vector_store_idx %arg12[%parallel_loop3A_996], %parallel_loop3A_992 : memref<32768xf32, #tpu.memory_space<vmem>>[vector<16xi32>], vector<16xf32>,
        %parallel_loop3A_997 = arith.constant 16 : i32
        %parallel_loop3A_998 = vector.broadcast %parallel_loop3A_997 : i32 to vector<16xi32>
        %parallel_loop3A_999 = arith.addi %parallel_loop3A_974, %parallel_loop3A_998 : vector<16xi32>
        %parallel_loop3A_1000 = tpu.vector_load_idx %arg7[%parallel_loop3A_969, %parallel_loop3A_999] : memref<128x64xf32, #tpu.memory_space<vmem>>[vector<16xi32>, vector<16xi32>], vector<16xf32>,
        %parallel_loop3A_1001 = arith.constant 8192 : i32
        %parallel_loop3A_1002 = arith.addi %parallel_loop3A_1001, %parallel_loop3A_965 : i32
        %parallel_loop3A_1003 = vector.broadcast %parallel_loop3A_1002 : i32 to vector<16xi32>
        %parallel_loop3A_1004 = arith.addi %parallel_loop3A_988, %parallel_loop3A_1003 : vector<16xi32>
        tpu.vector_store_idx %arg12[%parallel_loop3A_1004], %parallel_loop3A_1000 : memref<32768xf32, #tpu.memory_space<vmem>>[vector<16xi32>], vector<16xf32>,
        %parallel_loop3A_1005 = arith.constant 32 : i32
        %parallel_loop3A_1006 = vector.broadcast %parallel_loop3A_1005 : i32 to vector<16xi32>
        %parallel_loop3A_1007 = arith.addi %parallel_loop3A_974, %parallel_loop3A_1006 : vector<16xi32>
        %parallel_loop3A_1008 = tpu.vector_load_idx %arg7[%parallel_loop3A_969, %parallel_loop3A_1007] : memref<128x64xf32, #tpu.memory_space<vmem>>[vector<16xi32>, vector<16xi32>], vector<16xf32>,
        %parallel_loop3A_1009 = arith.constant 16384 : i32
        %parallel_loop3A_1010 = arith.addi %parallel_loop3A_1009, %parallel_loop3A_965 : i32
        %parallel_loop3A_1011 = vector.broadcast %parallel_loop3A_1010 : i32 to vector<16xi32>
        %parallel_loop3A_1012 = arith.addi %parallel_loop3A_988, %parallel_loop3A_1011 : vector<16xi32>
        tpu.vector_store_idx %arg12[%parallel_loop3A_1012], %parallel_loop3A_1008 : memref<32768xf32, #tpu.memory_space<vmem>>[vector<16xi32>], vector<16xf32>,
        %parallel_loop3A_1013 = arith.constant 48 : i32
        %parallel_loop3A_1014 = vector.broadcast %parallel_loop3A_1013 : i32 to vector<16xi32>
        %parallel_loop3A_1015 = arith.addi %parallel_loop3A_974, %parallel_loop3A_1014 : vector<16xi32>
        %parallel_loop3A_1016 = tpu.vector_load_idx %arg7[%parallel_loop3A_969, %parallel_loop3A_1015] : memref<128x64xf32, #tpu.memory_space<vmem>>[vector<16xi32>, vector<16xi32>], vector<16xf32>,
        %parallel_loop3A_1017 = arith.constant 24576 : i32
        %parallel_loop3A_1018 = arith.addi %parallel_loop3A_1017, %parallel_loop3A_965 : i32
        %parallel_loop3A_1019 = vector.broadcast %parallel_loop3A_1018 : i32 to vector<16xi32>
        %parallel_loop3A_1020 = arith.addi %parallel_loop3A_988, %parallel_loop3A_1019 : vector<16xi32>
        tpu.vector_store_idx %arg12[%parallel_loop3A_1020], %parallel_loop3A_1016 : memref<32768xf32, #tpu.memory_space<vmem>>[vector<16xi32>], vector<16xf32>,
      } {sc.loop_unroll_factor = 2 : i64, sc.parallel_access}
      %add3A_735 = arith.constant 1 : i32
      %add3A_736 = arith.addi %add3A_712, %add3A_735 : i32
      %lt3A_737 = arith.constant 50 : i32
      %lt3A_738 = arith.cmpi slt, %add3A_736, %lt3A_737 : i32
      %convert_element_type3A_739 = arith.extui %lt3A_738 : i1 to i32
      %cond3A_740 = arith.constant 0 : i32
      %cond3A_741 = arith.cmpi ne, %convert_element_type3A_739, %cond3A_740 : i32
      scf.if %cond3A_741 {
        %dma_start3A_963 = arith.constant 0 : i32
        %dma_start3A_964 = arith.constant 0 : i32
        %dma_start3A_965 = tpu.memref_slice %arg5[%dma_start3A_963, %dma_start3A_964] : memref<4x128xi32, #tpu.memory_space<vmem>> -> memref<1x128xi32, #tpu.memory_space<vmem>>
        %dma_start3A_966 = tpu.memref_squeeze %dma_start3A_965 : memref<1x128xi32, #tpu.memory_space<vmem>> -> memref<128xi32, #tpu.memory_space<vmem>>
        %dma_start3A_967 = arith.constant 0 : i32
        %dma_start3A_968 = arith.constant 0 : i32
        %dma_start3A_969 = tpu.memref_slice %arg3[%dma_start3A_967, %dma_start3A_968] : memref<1000000x64xf32, #tpu.memory_space<hbm>> -> memref<1000000x64xf32, #tpu.memory_space<hbm>>
        tpu.enqueue_indirect_dma source(%dma_start3A_969 : memref<1000000x64xf32, #tpu.memory_space<hbm>>) target(%arg7 : memref<128x64xf32, #tpu.memory_space<vmem>>) offsets(%dma_start3A_966 : memref<128xi32, #tpu.memory_space<vmem>>) semaphore(%arg15 : memref<!tpu.dma_semaphore, #tpu.memory_space<semaphore_mem>>)
      } else {
      }
      %dma_wait3A_742 = arith.constant 1 : i32
      %dma_wait3A_743 = arith.constant 0 : i32
      %dma_wait3A_744 = tpu.memref_slice %arg6[%dma_wait3A_742, %dma_wait3A_743] : memref<4x128xi32, #tpu.memory_space<vmem>> -> memref<1x128xi32, #tpu.memory_space<vmem>>
      %dma_wait3A_745 = tpu.memref_squeeze %dma_wait3A_744 : memref<1x128xi32, #tpu.memory_space<vmem>> -> memref<128xi32, #tpu.memory_space<vmem>>
      %dma_wait3A_746 = arith.constant 0 : i32
      %dma_wait3A_747 = arith.constant 0 : i32
      %dma_wait3A_748 = tpu.memref_slice %arg3[%dma_wait3A_746, %dma_wait3A_747] : memref<1000000x64xf32, #tpu.memory_space<hbm>> -> memref<1000000x64xf32, #tpu.memory_space<hbm>>
      tpu.wait_indirect_dma semaphore(%arg16 : memref<!tpu.dma_semaphore, #tpu.memory_space<semaphore_mem>>) src(%dma_wait3A_748 : memref<1000000x64xf32, #tpu.memory_space<hbm>>) dst(%arg8 : memref<128x64xf32, #tpu.memory_space<vmem>>)
      %parallel_loop3A_749 = arith.constant 0 : i32
      %parallel_loop3A_750 = arith.constant 128 : i32
      %parallel_loop3A_751 = arith.constant 1 : i32
      scf.for %parallel_loop3A_963 = %parallel_loop3A_749 to %parallel_loop3A_750 step %parallel_loop3A_751  : i32 {
        %parallel_loop3A_964 = arith.constant -16 : i32
        %parallel_loop3A_965 = arith.andi %parallel_loop3A_963, %parallel_loop3A_964 : i32
        %parallel_loop3A_966 = arith.constant 15 : i32
        %parallel_loop3A_967 = arith.andi %parallel_loop3A_963, %parallel_loop3A_966 : i32
        %parallel_loop3A_968 = vector.broadcast %parallel_loop3A_965 : i32 to vector<16xi32>
        %parallel_loop3A_969 = arith.addi %iota3A, %parallel_loop3A_968 : vector<16xi32>
        %parallel_loop3A_970 = vector.broadcast %parallel_loop3A_967 : i32 to vector<16xi32>
        %parallel_loop3A_971 = arith.addi %iota3A, %parallel_loop3A_970 : vector<16xi32>
        %parallel_loop3A_972 = arith.constant 15 : i32
        %parallel_loop3A_973 = vector.broadcast %parallel_loop3A_972 : i32 to vector<16xi32>
        %parallel_loop3A_974 = arith.andi %parallel_loop3A_971, %parallel_loop3A_973 : vector<16xi32>
        %parallel_loop3A_975 = arith.constant 3 : i32
        %parallel_loop3A_976 = vector.broadcast %parallel_loop3A_975 : i32 to vector<16xi32>
        %parallel_loop3A_977 = arith.shrsi %parallel_loop3A_974, %parallel_loop3A_976 : vector<16xi32>
        %parallel_loop3A_978 = arith.constant 12 : i32
        %parallel_loop3A_979 = vector.broadcast %parallel_loop3A_978 : i32 to vector<16xi32>
        %parallel_loop3A_980 = arith.shli %parallel_loop3A_977, %parallel_loop3A_979 : vector<16xi32>
        %parallel_loop3A_981 = arith.constant 7 : i32
        %parallel_loop3A_982 = vector.broadcast %parallel_loop3A_981 : i32 to vector<16xi32>
        %parallel_loop3A_983 = arith.andi %parallel_loop3A_974, %parallel_loop3A_982 : vector<16xi32>
        %parallel_loop3A_984 = arith.constant 7 : i32
        %parallel_loop3A_985 = vector.broadcast %parallel_loop3A_984 : i32 to vector<16xi32>
        %parallel_loop3A_986 = arith.shli %parallel_loop3A_983, %parallel_loop3A_985 : vector<16xi32>
        %parallel_loop3A_987 = arith.addi %parallel_loop3A_980, %parallel_loop3A_986 : vector<16xi32>
        %parallel_loop3A_988 = arith.addi %parallel_loop3A_987, %iota3A : vector<16xi32>
        %parallel_loop3A_989 = arith.constant 0 : i32
        %parallel_loop3A_990 = vector.broadcast %parallel_loop3A_989 : i32 to vector<16xi32>
        %parallel_loop3A_991 = arith.addi %parallel_loop3A_974, %parallel_loop3A_990 : vector<16xi32>
        %parallel_loop3A_992 = tpu.vector_load_idx %arg8[%parallel_loop3A_969, %parallel_loop3A_991] : memref<128x64xf32, #tpu.memory_space<vmem>>[vector<16xi32>, vector<16xi32>], vector<16xf32>,
        %parallel_loop3A_993 = arith.constant 1024 : i32
        %parallel_loop3A_994 = arith.addi %parallel_loop3A_993, %parallel_loop3A_965 : i32
        %parallel_loop3A_995 = vector.broadcast %parallel_loop3A_994 : i32 to vector<16xi32>
        %parallel_loop3A_996 = arith.addi %parallel_loop3A_988, %parallel_loop3A_995 : vector<16xi32>
        tpu.vector_store_idx %arg12[%parallel_loop3A_996], %parallel_loop3A_992 : memref<32768xf32, #tpu.memory_space<vmem>>[vector<16xi32>], vector<16xf32>,
        %parallel_loop3A_997 = arith.constant 16 : i32
        %parallel_loop3A_998 = vector.broadcast %parallel_loop3A_997 : i32 to vector<16xi32>
        %parallel_loop3A_999 = arith.addi %parallel_loop3A_974, %parallel_loop3A_998 : vector<16xi32>
        %parallel_loop3A_1000 = tpu.vector_load_idx %arg8[%parallel_loop3A_969, %parallel_loop3A_999] : memref<128x64xf32, #tpu.memory_space<vmem>>[vector<16xi32>, vector<16xi32>], vector<16xf32>,
        %parallel_loop3A_1001 = arith.constant 9216 : i32
        %parallel_loop3A_1002 = arith.addi %parallel_loop3A_1001, %parallel_loop3A_965 : i32
        %parallel_loop3A_1003 = vector.broadcast %parallel_loop3A_1002 : i32 to vector<16xi32>
        %parallel_loop3A_1004 = arith.addi %parallel_loop3A_988, %parallel_loop3A_1003 : vector<16xi32>
        tpu.vector_store_idx %arg12[%parallel_loop3A_1004], %parallel_loop3A_1000 : memref<32768xf32, #tpu.memory_space<vmem>>[vector<16xi32>], vector<16xf32>,
        %parallel_loop3A_1005 = arith.constant 32 : i32
        %parallel_loop3A_1006 = vector.broadcast %parallel_loop3A_1005 : i32 to vector<16xi32>
        %parallel_loop3A_1007 = arith.addi %parallel_loop3A_974, %parallel_loop3A_1006 : vector<16xi32>
        %parallel_loop3A_1008 = tpu.vector_load_idx %arg8[%parallel_loop3A_969, %parallel_loop3A_1007] : memref<128x64xf32, #tpu.memory_space<vmem>>[vector<16xi32>, vector<16xi32>], vector<16xf32>,
        %parallel_loop3A_1009 = arith.constant 17408 : i32
        %parallel_loop3A_1010 = arith.addi %parallel_loop3A_1009, %parallel_loop3A_965 : i32
        %parallel_loop3A_1011 = vector.broadcast %parallel_loop3A_1010 : i32 to vector<16xi32>
        %parallel_loop3A_1012 = arith.addi %parallel_loop3A_988, %parallel_loop3A_1011 : vector<16xi32>
        tpu.vector_store_idx %arg12[%parallel_loop3A_1012], %parallel_loop3A_1008 : memref<32768xf32, #tpu.memory_space<vmem>>[vector<16xi32>], vector<16xf32>,
        %parallel_loop3A_1013 = arith.constant 48 : i32
        %parallel_loop3A_1014 = vector.broadcast %parallel_loop3A_1013 : i32 to vector<16xi32>
        %parallel_loop3A_1015 = arith.addi %parallel_loop3A_974, %parallel_loop3A_1014 : vector<16xi32>
        %parallel_loop3A_1016 = tpu.vector_load_idx %arg8[%parallel_loop3A_969, %parallel_loop3A_1015] : memref<128x64xf32, #tpu.memory_space<vmem>>[vector<16xi32>, vector<16xi32>], vector<16xf32>,
        %parallel_loop3A_1017 = arith.constant 25600 : i32
        %parallel_loop3A_1018 = arith.addi %parallel_loop3A_1017, %parallel_loop3A_965 : i32
        %parallel_loop3A_1019 = vector.broadcast %parallel_loop3A_1018 : i32 to vector<16xi32>
        %parallel_loop3A_1020 = arith.addi %parallel_loop3A_988, %parallel_loop3A_1019 : vector<16xi32>
        tpu.vector_store_idx %arg12[%parallel_loop3A_1020], %parallel_loop3A_1016 : memref<32768xf32, #tpu.memory_space<vmem>>[vector<16xi32>], vector<16xf32>,
      } {sc.loop_unroll_factor = 2 : i64, sc.parallel_access}
      %add3A_752 = arith.constant 1 : i32
      %add3A_753 = arith.addi %add3A_712, %add3A_752 : i32
      %lt3A_754 = arith.constant 50 : i32
      %lt3A_755 = arith.cmpi slt, %add3A_753, %lt3A_754 : i32
      %convert_element_type3A_756 = arith.extui %lt3A_755 : i1 to i32
      %cond3A_757 = arith.constant 0 : i32
      %cond3A_758 = arith.cmpi ne, %convert_element_type3A_756, %cond3A_757 : i32
      scf.if %cond3A_758 {
        %dma_start3A_963 = arith.constant 1 : i32
        %dma_start3A_964 = arith.constant 0 : i32
        %dma_start3A_965 = tpu.memref_slice %arg5[%dma_start3A_963, %dma_start3A_964] : memref<4x128xi32, #tpu.memory_space<vmem>> -> memref<1x128xi32, #tpu.memory_space<vmem>>
        %dma_start3A_966 = tpu.memref_squeeze %dma_start3A_965 : memref<1x128xi32, #tpu.memory_space<vmem>> -> memref<128xi32, #tpu.memory_space<vmem>>
        %dma_start3A_967 = arith.constant 0 : i32
        %dma_start3A_968 = arith.constant 0 : i32
        %dma_start3A_969 = tpu.memref_slice %arg3[%dma_start3A_967, %dma_start3A_968] : memref<1000000x64xf32, #tpu.memory_space<hbm>> -> memref<1000000x64xf32, #tpu.memory_space<hbm>>
        tpu.enqueue_indirect_dma source(%dma_start3A_969 : memref<1000000x64xf32, #tpu.memory_space<hbm>>) target(%arg8 : memref<128x64xf32, #tpu.memory_space<vmem>>) offsets(%dma_start3A_966 : memref<128xi32, #tpu.memory_space<vmem>>) semaphore(%arg16 : memref<!tpu.dma_semaphore, #tpu.memory_space<semaphore_mem>>)
      } else {
      }
      %dma_wait3A_759 = arith.constant 2 : i32
      %dma_wait3A_760 = arith.constant 0 : i32
      %dma_wait3A_761 = tpu.memref_slice %arg6[%dma_wait3A_759, %dma_wait3A_760] : memref<4x128xi32, #tpu.memory_space<vmem>> -> memref<1x128xi32, #tpu.memory_space<vmem>>
      %dma_wait3A_762 = tpu.memref_squeeze %dma_wait3A_761 : memref<1x128xi32, #tpu.memory_space<vmem>> -> memref<128xi32, #tpu.memory_space<vmem>>
      %dma_wait3A_763 = arith.constant 0 : i32
      %dma_wait3A_764 = arith.constant 0 : i32
      %dma_wait3A_765 = tpu.memref_slice %arg3[%dma_wait3A_763, %dma_wait3A_764] : memref<1000000x64xf32, #tpu.memory_space<hbm>> -> memref<1000000x64xf32, #tpu.memory_space<hbm>>
      tpu.wait_indirect_dma semaphore(%arg17 : memref<!tpu.dma_semaphore, #tpu.memory_space<semaphore_mem>>) src(%dma_wait3A_765 : memref<1000000x64xf32, #tpu.memory_space<hbm>>) dst(%arg9 : memref<128x64xf32, #tpu.memory_space<vmem>>)
      %parallel_loop3A_766 = arith.constant 0 : i32
      %parallel_loop3A_767 = arith.constant 128 : i32
      %parallel_loop3A_768 = arith.constant 1 : i32
      scf.for %parallel_loop3A_963 = %parallel_loop3A_766 to %parallel_loop3A_767 step %parallel_loop3A_768  : i32 {
        %parallel_loop3A_964 = arith.constant -16 : i32
        %parallel_loop3A_965 = arith.andi %parallel_loop3A_963, %parallel_loop3A_964 : i32
        %parallel_loop3A_966 = arith.constant 15 : i32
        %parallel_loop3A_967 = arith.andi %parallel_loop3A_963, %parallel_loop3A_966 : i32
        %parallel_loop3A_968 = vector.broadcast %parallel_loop3A_965 : i32 to vector<16xi32>
        %parallel_loop3A_969 = arith.addi %iota3A, %parallel_loop3A_968 : vector<16xi32>
        %parallel_loop3A_970 = vector.broadcast %parallel_loop3A_967 : i32 to vector<16xi32>
        %parallel_loop3A_971 = arith.addi %iota3A, %parallel_loop3A_970 : vector<16xi32>
        %parallel_loop3A_972 = arith.constant 15 : i32
        %parallel_loop3A_973 = vector.broadcast %parallel_loop3A_972 : i32 to vector<16xi32>
        %parallel_loop3A_974 = arith.andi %parallel_loop3A_971, %parallel_loop3A_973 : vector<16xi32>
        %parallel_loop3A_975 = arith.constant 3 : i32
        %parallel_loop3A_976 = vector.broadcast %parallel_loop3A_975 : i32 to vector<16xi32>
        %parallel_loop3A_977 = arith.shrsi %parallel_loop3A_974, %parallel_loop3A_976 : vector<16xi32>
        %parallel_loop3A_978 = arith.constant 12 : i32
        %parallel_loop3A_979 = vector.broadcast %parallel_loop3A_978 : i32 to vector<16xi32>
        %parallel_loop3A_980 = arith.shli %parallel_loop3A_977, %parallel_loop3A_979 : vector<16xi32>
        %parallel_loop3A_981 = arith.constant 7 : i32
        %parallel_loop3A_982 = vector.broadcast %parallel_loop3A_981 : i32 to vector<16xi32>
        %parallel_loop3A_983 = arith.andi %parallel_loop3A_974, %parallel_loop3A_982 : vector<16xi32>
        %parallel_loop3A_984 = arith.constant 7 : i32
        %parallel_loop3A_985 = vector.broadcast %parallel_loop3A_984 : i32 to vector<16xi32>
        %parallel_loop3A_986 = arith.shli %parallel_loop3A_983, %parallel_loop3A_985 : vector<16xi32>
        %parallel_loop3A_987 = arith.addi %parallel_loop3A_980, %parallel_loop3A_986 : vector<16xi32>
        %parallel_loop3A_988 = arith.addi %parallel_loop3A_987, %iota3A : vector<16xi32>
        %parallel_loop3A_989 = arith.constant 0 : i32
        %parallel_loop3A_990 = vector.broadcast %parallel_loop3A_989 : i32 to vector<16xi32>
        %parallel_loop3A_991 = arith.addi %parallel_loop3A_974, %parallel_loop3A_990 : vector<16xi32>
        %parallel_loop3A_992 = tpu.vector_load_idx %arg9[%parallel_loop3A_969, %parallel_loop3A_991] : memref<128x64xf32, #tpu.memory_space<vmem>>[vector<16xi32>, vector<16xi32>], vector<16xf32>,
        %parallel_loop3A_993 = arith.constant 2048 : i32
        %parallel_loop3A_994 = arith.addi %parallel_loop3A_993, %parallel_loop3A_965 : i32
        %parallel_loop3A_995 = vector.broadcast %parallel_loop3A_994 : i32 to vector<16xi32>
        %parallel_loop3A_996 = arith.addi %parallel_loop3A_988, %parallel_loop3A_995 : vector<16xi32>
        tpu.vector_store_idx %arg12[%parallel_loop3A_996], %parallel_loop3A_992 : memref<32768xf32, #tpu.memory_space<vmem>>[vector<16xi32>], vector<16xf32>,
        %parallel_loop3A_997 = arith.constant 16 : i32
        %parallel_loop3A_998 = vector.broadcast %parallel_loop3A_997 : i32 to vector<16xi32>
        %parallel_loop3A_999 = arith.addi %parallel_loop3A_974, %parallel_loop3A_998 : vector<16xi32>
        %parallel_loop3A_1000 = tpu.vector_load_idx %arg9[%parallel_loop3A_969, %parallel_loop3A_999] : memref<128x64xf32, #tpu.memory_space<vmem>>[vector<16xi32>, vector<16xi32>], vector<16xf32>,
        %parallel_loop3A_1001 = arith.constant 10240 : i32
        %parallel_loop3A_1002 = arith.addi %parallel_loop3A_1001, %parallel_loop3A_965 : i32
        %parallel_loop3A_1003 = vector.broadcast %parallel_loop3A_1002 : i32 to vector<16xi32>
        %parallel_loop3A_1004 = arith.addi %parallel_loop3A_988, %parallel_loop3A_1003 : vector<16xi32>
        tpu.vector_store_idx %arg12[%parallel_loop3A_1004], %parallel_loop3A_1000 : memref<32768xf32, #tpu.memory_space<vmem>>[vector<16xi32>], vector<16xf32>,
        %parallel_loop3A_1005 = arith.constant 32 : i32
        %parallel_loop3A_1006 = vector.broadcast %parallel_loop3A_1005 : i32 to vector<16xi32>
        %parallel_loop3A_1007 = arith.addi %parallel_loop3A_974, %parallel_loop3A_1006 : vector<16xi32>
        %parallel_loop3A_1008 = tpu.vector_load_idx %arg9[%parallel_loop3A_969, %parallel_loop3A_1007] : memref<128x64xf32, #tpu.memory_space<vmem>>[vector<16xi32>, vector<16xi32>], vector<16xf32>,
        %parallel_loop3A_1009 = arith.constant 18432 : i32
        %parallel_loop3A_1010 = arith.addi %parallel_loop3A_1009, %parallel_loop3A_965 : i32
        %parallel_loop3A_1011 = vector.broadcast %parallel_loop3A_1010 : i32 to vector<16xi32>
        %parallel_loop3A_1012 = arith.addi %parallel_loop3A_988, %parallel_loop3A_1011 : vector<16xi32>
        tpu.vector_store_idx %arg12[%parallel_loop3A_1012], %parallel_loop3A_1008 : memref<32768xf32, #tpu.memory_space<vmem>>[vector<16xi32>], vector<16xf32>,
        %parallel_loop3A_1013 = arith.constant 48 : i32
        %parallel_loop3A_1014 = vector.broadcast %parallel_loop3A_1013 : i32 to vector<16xi32>
        %parallel_loop3A_1015 = arith.addi %parallel_loop3A_974, %parallel_loop3A_1014 : vector<16xi32>
        %parallel_loop3A_1016 = tpu.vector_load_idx %arg9[%parallel_loop3A_969, %parallel_loop3A_1015] : memref<128x64xf32, #tpu.memory_space<vmem>>[vector<16xi32>, vector<16xi32>], vector<16xf32>,
        %parallel_loop3A_1017 = arith.constant 26624 : i32
        %parallel_loop3A_1018 = arith.addi %parallel_loop3A_1017, %parallel_loop3A_965 : i32
        %parallel_loop3A_1019 = vector.broadcast %parallel_loop3A_1018 : i32 to vector<16xi32>
        %parallel_loop3A_1020 = arith.addi %parallel_loop3A_988, %parallel_loop3A_1019 : vector<16xi32>
        tpu.vector_store_idx %arg12[%parallel_loop3A_1020], %parallel_loop3A_1016 : memref<32768xf32, #tpu.memory_space<vmem>>[vector<16xi32>], vector<16xf32>,
      } {sc.loop_unroll_factor = 2 : i64, sc.parallel_access}
      %add3A_769 = arith.constant 1 : i32
      %add3A_770 = arith.addi %add3A_712, %add3A_769 : i32
      %lt3A_771 = arith.constant 50 : i32
      %lt3A_772 = arith.cmpi slt, %add3A_770, %lt3A_771 : i32
      %convert_element_type3A_773 = arith.extui %lt3A_772 : i1 to i32
      %cond3A_774 = arith.constant 0 : i32
      %cond3A_775 = arith.cmpi ne, %convert_element_type3A_773, %cond3A_774 : i32
      scf.if %cond3A_775 {
        %dma_start3A_963 = arith.constant 2 : i32
        %dma_start3A_964 = arith.constant 0 : i32
        %dma_start3A_965 = tpu.memref_slice %arg5[%dma_start3A_963, %dma_start3A_964] : memref<4x128xi32, #tpu.memory_space<vmem>> -> memref<1x128xi32, #tpu.memory_space<vmem>>
        %dma_start3A_966 = tpu.memref_squeeze %dma_start3A_965 : memref<1x128xi32, #tpu.memory_space<vmem>> -> memref<128xi32, #tpu.memory_space<vmem>>
        %dma_start3A_967 = arith.constant 0 : i32
        %dma_start3A_968 = arith.constant 0 : i32
        %dma_start3A_969 = tpu.memref_slice %arg3[%dma_start3A_967, %dma_start3A_968] : memref<1000000x64xf32, #tpu.memory_space<hbm>> -> memref<1000000x64xf32, #tpu.memory_space<hbm>>
        tpu.enqueue_indirect_dma source(%dma_start3A_969 : memref<1000000x64xf32, #tpu.memory_space<hbm>>) target(%arg9 : memref<128x64xf32, #tpu.memory_space<vmem>>) offsets(%dma_start3A_966 : memref<128xi32, #tpu.memory_space<vmem>>) semaphore(%arg17 : memref<!tpu.dma_semaphore, #tpu.memory_space<semaphore_mem>>)
      } else {
      }
      %dma_wait3A_776 = arith.constant 3 : i32
      %dma_wait3A_777 = arith.constant 0 : i32
      %dma_wait3A_778 = tpu.memref_slice %arg6[%dma_wait3A_776, %dma_wait3A_777] : memref<4x128xi32, #tpu.memory_space<vmem>> -> memref<1x128xi32, #tpu.memory_space<vmem>>
      %dma_wait3A_779 = tpu.memref_squeeze %dma_wait3A_778 : memref<1x128xi32, #tpu.memory_space<vmem>> -> memref<128xi32, #tpu.memory_space<vmem>>
      %dma_wait3A_780 = arith.constant 0 : i32
      %dma_wait3A_781 = arith.constant 0 : i32
      %dma_wait3A_782 = tpu.memref_slice %arg3[%dma_wait3A_780, %dma_wait3A_781] : memref<1000000x64xf32, #tpu.memory_space<hbm>> -> memref<1000000x64xf32, #tpu.memory_space<hbm>>
      tpu.wait_indirect_dma semaphore(%arg18 : memref<!tpu.dma_semaphore, #tpu.memory_space<semaphore_mem>>) src(%dma_wait3A_782 : memref<1000000x64xf32, #tpu.memory_space<hbm>>) dst(%arg10 : memref<128x64xf32, #tpu.memory_space<vmem>>)
      %parallel_loop3A_783 = arith.constant 0 : i32
      %parallel_loop3A_784 = arith.constant 128 : i32
      %parallel_loop3A_785 = arith.constant 1 : i32
      scf.for %parallel_loop3A_963 = %parallel_loop3A_783 to %parallel_loop3A_784 step %parallel_loop3A_785  : i32 {
        %parallel_loop3A_964 = arith.constant -16 : i32
        %parallel_loop3A_965 = arith.andi %parallel_loop3A_963, %parallel_loop3A_964 : i32
        %parallel_loop3A_966 = arith.constant 15 : i32
        %parallel_loop3A_967 = arith.andi %parallel_loop3A_963, %parallel_loop3A_966 : i32
        %parallel_loop3A_968 = vector.broadcast %parallel_loop3A_965 : i32 to vector<16xi32>
        %parallel_loop3A_969 = arith.addi %iota3A, %parallel_loop3A_968 : vector<16xi32>
        %parallel_loop3A_970 = vector.broadcast %parallel_loop3A_967 : i32 to vector<16xi32>
        %parallel_loop3A_971 = arith.addi %iota3A, %parallel_loop3A_970 : vector<16xi32>
        %parallel_loop3A_972 = arith.constant 15 : i32
        %parallel_loop3A_973 = vector.broadcast %parallel_loop3A_972 : i32 to vector<16xi32>
        %parallel_loop3A_974 = arith.andi %parallel_loop3A_971, %parallel_loop3A_973 : vector<16xi32>
        %parallel_loop3A_975 = arith.constant 3 : i32
        %parallel_loop3A_976 = vector.broadcast %parallel_loop3A_975 : i32 to vector<16xi32>
        %parallel_loop3A_977 = arith.shrsi %parallel_loop3A_974, %parallel_loop3A_976 : vector<16xi32>
        %parallel_loop3A_978 = arith.constant 12 : i32
        %parallel_loop3A_979 = vector.broadcast %parallel_loop3A_978 : i32 to vector<16xi32>
        %parallel_loop3A_980 = arith.shli %parallel_loop3A_977, %parallel_loop3A_979 : vector<16xi32>
        %parallel_loop3A_981 = arith.constant 7 : i32
        %parallel_loop3A_982 = vector.broadcast %parallel_loop3A_981 : i32 to vector<16xi32>
        %parallel_loop3A_983 = arith.andi %parallel_loop3A_974, %parallel_loop3A_982 : vector<16xi32>
        %parallel_loop3A_984 = arith.constant 7 : i32
        %parallel_loop3A_985 = vector.broadcast %parallel_loop3A_984 : i32 to vector<16xi32>
        %parallel_loop3A_986 = arith.shli %parallel_loop3A_983, %parallel_loop3A_985 : vector<16xi32>
        %parallel_loop3A_987 = arith.addi %parallel_loop3A_980, %parallel_loop3A_986 : vector<16xi32>
        %parallel_loop3A_988 = arith.addi %parallel_loop3A_987, %iota3A : vector<16xi32>
        %parallel_loop3A_989 = arith.constant 0 : i32
        %parallel_loop3A_990 = vector.broadcast %parallel_loop3A_989 : i32 to vector<16xi32>
        %parallel_loop3A_991 = arith.addi %parallel_loop3A_974, %parallel_loop3A_990 : vector<16xi32>
        %parallel_loop3A_992 = tpu.vector_load_idx %arg10[%parallel_loop3A_969, %parallel_loop3A_991] : memref<128x64xf32, #tpu.memory_space<vmem>>[vector<16xi32>, vector<16xi32>], vector<16xf32>,
        %parallel_loop3A_993 = arith.constant 3072 : i32
        %parallel_loop3A_994 = arith.addi %parallel_loop3A_993, %parallel_loop3A_965 : i32
        %parallel_loop3A_995 = vector.broadcast %parallel_loop3A_994 : i32 to vector<16xi32>
        %parallel_loop3A_996 = arith.addi %parallel_loop3A_988, %parallel_loop3A_995 : vector<16xi32>
        tpu.vector_store_idx %arg12[%parallel_loop3A_996], %parallel_loop3A_992 : memref<32768xf32, #tpu.memory_space<vmem>>[vector<16xi32>], vector<16xf32>,
        %parallel_loop3A_997 = arith.constant 16 : i32
        %parallel_loop3A_998 = vector.broadcast %parallel_loop3A_997 : i32 to vector<16xi32>
        %parallel_loop3A_999 = arith.addi %parallel_loop3A_974, %parallel_loop3A_998 : vector<16xi32>
        %parallel_loop3A_1000 = tpu.vector_load_idx %arg10[%parallel_loop3A_969, %parallel_loop3A_999] : memref<128x64xf32, #tpu.memory_space<vmem>>[vector<16xi32>, vector<16xi32>], vector<16xf32>,
        %parallel_loop3A_1001 = arith.constant 11264 : i32
        %parallel_loop3A_1002 = arith.addi %parallel_loop3A_1001, %parallel_loop3A_965 : i32
        %parallel_loop3A_1003 = vector.broadcast %parallel_loop3A_1002 : i32 to vector<16xi32>
        %parallel_loop3A_1004 = arith.addi %parallel_loop3A_988, %parallel_loop3A_1003 : vector<16xi32>
        tpu.vector_store_idx %arg12[%parallel_loop3A_1004], %parallel_loop3A_1000 : memref<32768xf32, #tpu.memory_space<vmem>>[vector<16xi32>], vector<16xf32>,
        %parallel_loop3A_1005 = arith.constant 32 : i32
        %parallel_loop3A_1006 = vector.broadcast %parallel_loop3A_1005 : i32 to vector<16xi32>
        %parallel_loop3A_1007 = arith.addi %parallel_loop3A_974, %parallel_loop3A_1006 : vector<16xi32>
        %parallel_loop3A_1008 = tpu.vector_load_idx %arg10[%parallel_loop3A_969, %parallel_loop3A_1007] : memref<128x64xf32, #tpu.memory_space<vmem>>[vector<16xi32>, vector<16xi32>], vector<16xf32>,
        %parallel_loop3A_1009 = arith.constant 19456 : i32
        %parallel_loop3A_1010 = arith.addi %parallel_loop3A_1009, %parallel_loop3A_965 : i32
        %parallel_loop3A_1011 = vector.broadcast %parallel_loop3A_1010 : i32 to vector<16xi32>
        %parallel_loop3A_1012 = arith.addi %parallel_loop3A_988, %parallel_loop3A_1011 : vector<16xi32>
        tpu.vector_store_idx %arg12[%parallel_loop3A_1012], %parallel_loop3A_1008 : memref<32768xf32, #tpu.memory_space<vmem>>[vector<16xi32>], vector<16xf32>,
        %parallel_loop3A_1013 = arith.constant 48 : i32
        %parallel_loop3A_1014 = vector.broadcast %parallel_loop3A_1013 : i32 to vector<16xi32>
        %parallel_loop3A_1015 = arith.addi %parallel_loop3A_974, %parallel_loop3A_1014 : vector<16xi32>
        %parallel_loop3A_1016 = tpu.vector_load_idx %arg10[%parallel_loop3A_969, %parallel_loop3A_1015] : memref<128x64xf32, #tpu.memory_space<vmem>>[vector<16xi32>, vector<16xi32>], vector<16xf32>,
        %parallel_loop3A_1017 = arith.constant 27648 : i32
        %parallel_loop3A_1018 = arith.addi %parallel_loop3A_1017, %parallel_loop3A_965 : i32
        %parallel_loop3A_1019 = vector.broadcast %parallel_loop3A_1018 : i32 to vector<16xi32>
        %parallel_loop3A_1020 = arith.addi %parallel_loop3A_988, %parallel_loop3A_1019 : vector<16xi32>
        tpu.vector_store_idx %arg12[%parallel_loop3A_1020], %parallel_loop3A_1016 : memref<32768xf32, #tpu.memory_space<vmem>>[vector<16xi32>], vector<16xf32>,
      } {sc.loop_unroll_factor = 2 : i64, sc.parallel_access}
      %add3A_786 = arith.constant 1 : i32
      %add3A_787 = arith.addi %add3A_712, %add3A_786 : i32
      %lt3A_788 = arith.constant 50 : i32
      %lt3A_789 = arith.cmpi slt, %add3A_787, %lt3A_788 : i32
      %convert_element_type3A_790 = arith.extui %lt3A_789 : i1 to i32
      %cond3A_791 = arith.constant 0 : i32
      %cond3A_792 = arith.cmpi ne, %convert_element_type3A_790, %cond3A_791 : i32
      scf.if %cond3A_792 {
        %dma_start3A_963 = arith.constant 3 : i32
        %dma_start3A_964 = arith.constant 0 : i32
        %dma_start3A_965 = tpu.memref_slice %arg5[%dma_start3A_963, %dma_start3A_964] : memref<4x128xi32, #tpu.memory_space<vmem>> -> memref<1x128xi32, #tpu.memory_space<vmem>>
        %dma_start3A_966 = tpu.memref_squeeze %dma_start3A_965 : memref<1x128xi32, #tpu.memory_space<vmem>> -> memref<128xi32, #tpu.memory_space<vmem>>
        %dma_start3A_967 = arith.constant 0 : i32
        %dma_start3A_968 = arith.constant 0 : i32
        %dma_start3A_969 = tpu.memref_slice %arg3[%dma_start3A_967, %dma_start3A_968] : memref<1000000x64xf32, #tpu.memory_space<hbm>> -> memref<1000000x64xf32, #tpu.memory_space<hbm>>
        tpu.enqueue_indirect_dma source(%dma_start3A_969 : memref<1000000x64xf32, #tpu.memory_space<hbm>>) target(%arg10 : memref<128x64xf32, #tpu.memory_space<vmem>>) offsets(%dma_start3A_966 : memref<128xi32, #tpu.memory_space<vmem>>) semaphore(%arg18 : memref<!tpu.dma_semaphore, #tpu.memory_space<semaphore_mem>>)
      } else {
      }
      %add3A_793 = arith.addi %mul3A_2, %add3A_712 : i32
      %mul3A_794 = arith.constant 4 : i32
      %mul3A_795 = arith.muli %add3A_793, %mul3A_794 : i32
      %jit3A_796 = arith.constant 128 : i32
      %div3A_797 = arith.divsi %mul3A_795, %jit3A_796 : i32
      %sign3A_798 = arith.constant 0 : i32
      %sign3A_799 = arith.cmpi sgt, %mul3A_795, %sign3A_798 : i32
      %sign3A_800 = arith.extui %sign3A_799 : i1 to i32
      %sign3A_801 = arith.constant 0 : i32
      %sign3A_802 = arith.cmpi slt, %mul3A_795, %sign3A_801 : i32
      %sign3A_803 = arith.extui %sign3A_802 : i1 to i32
      %sign3A_804 = arith.subi %sign3A_800, %sign3A_803 : i32
      %sign3A_805 = arith.constant 0 : i32
      %sign3A_806 = arith.cmpi sgt, %jit3A_796, %sign3A_805 : i32
      %sign3A_807 = arith.extui %sign3A_806 : i1 to i32
      %sign3A_808 = arith.constant 0 : i32
      %sign3A_809 = arith.cmpi slt, %jit3A_796, %sign3A_808 : i32
      %sign3A_810 = arith.extui %sign3A_809 : i1 to i32
      %sign3A_811 = arith.subi %sign3A_807, %sign3A_810 : i32
      %ne3A_812 = arith.cmpi ne, %sign3A_804, %sign3A_811 : i32
      %rem3A_813 = arith.remsi %mul3A_795, %jit3A_796 : i32
      %ne3A_814 = arith.constant 0 : i32
      %ne3A_815 = arith.cmpi ne, %rem3A_813, %ne3A_814 : i32
      %and3A_816 = arith.andi %ne3A_812, %ne3A_815 : i1
      %sub3A_817 = arith.constant 1 : i32
      %sub3A_818 = arith.subi %div3A_797, %sub3A_817 : i32
      %select_n3A_819 = arith.select %and3A_816, %sub3A_818, %div3A_797 : i32
      %jit3A_820 = arith.constant 128 : i32
      %eq3A_821 = arith.constant 0 : i32
      %eq3A_822 = arith.cmpi eq, %jit3A_820, %eq3A_821 : i32
      %jit3A_823 = arith.constant 1 : i32
      %select_n3A_824 = arith.select %eq3A_822, %jit3A_823, %jit3A_820 : i32
      %rem3A_825 = arith.remsi %mul3A_795, %select_n3A_824 : i32
      %ne3A_826 = arith.constant 0 : i32
      %ne3A_827 = arith.cmpi ne, %rem3A_825, %ne3A_826 : i32
      %lt3A_828 = arith.constant 0 : i32
      %lt3A_829 = arith.cmpi slt, %rem3A_825, %lt3A_828 : i32
      %lt3A_830 = arith.constant 0 : i32
      %lt3A_831 = arith.cmpi slt, %select_n3A_824, %lt3A_830 : i32
      %ne3A_832 = arith.xori %lt3A_829, %lt3A_831 : i1
      %and3A_833 = arith.andi %ne3A_832, %ne3A_827 : i1
      %add3A_834 = arith.addi %rem3A_825, %select_n3A_824 : i32
      %select_n3A_835 = arith.select %and3A_833, %add3A_834, %rem3A_825 : i32
      %mul3A_836 = arith.constant 8 : i32
      %mul3A_837 = arith.muli %select_n3A_819, %mul3A_836 : i32
      %add3A_838 = arith.constant 0 : i32
      %add3A_839 = arith.addi %mul3A_837, %add3A_838 : i32
      %mul3A_840 = arith.constant 128 : i32
      %mul3A_841 = arith.muli %add3A_839, %mul3A_840 : i32
      %add3A_842 = arith.addi %mul3A_841, %select_n3A_835 : i32
      %mul3A_843 = arith.constant 1024 : i32
      %mul3A_844 = arith.muli %add3A_842, %mul3A_843 : i32
      %mul3A_845 = arith.constant 8 : i32
      %mul3A_846 = arith.muli %select_n3A_819, %mul3A_845 : i32
      %add3A_847 = arith.constant 1 : i32
      %add3A_848 = arith.addi %mul3A_846, %add3A_847 : i32
      %mul3A_849 = arith.constant 128 : i32
      %mul3A_850 = arith.muli %add3A_848, %mul3A_849 : i32
      %add3A_851 = arith.addi %mul3A_850, %select_n3A_835 : i32
      %mul3A_852 = arith.constant 1024 : i32
      %mul3A_853 = arith.muli %add3A_851, %mul3A_852 : i32
      %mul3A_854 = arith.constant 8 : i32
      %mul3A_855 = arith.muli %select_n3A_819, %mul3A_854 : i32
      %add3A_856 = arith.constant 2 : i32
      %add3A_857 = arith.addi %mul3A_855, %add3A_856 : i32
      %mul3A_858 = arith.constant 128 : i32
      %mul3A_859 = arith.muli %add3A_857, %mul3A_858 : i32
      %add3A_860 = arith.addi %mul3A_859, %select_n3A_835 : i32
      %mul3A_861 = arith.constant 1024 : i32
      %mul3A_862 = arith.muli %add3A_860, %mul3A_861 : i32
      %mul3A_863 = arith.constant 8 : i32
      %mul3A_864 = arith.muli %select_n3A_819, %mul3A_863 : i32
      %add3A_865 = arith.constant 3 : i32
      %add3A_866 = arith.addi %mul3A_864, %add3A_865 : i32
      %mul3A_867 = arith.constant 128 : i32
      %mul3A_868 = arith.muli %add3A_866, %mul3A_867 : i32
      %add3A_869 = arith.addi %mul3A_868, %select_n3A_835 : i32
      %mul3A_870 = arith.constant 1024 : i32
      %mul3A_871 = arith.muli %add3A_869, %mul3A_870 : i32
      %mul3A_872 = arith.constant 8 : i32
      %mul3A_873 = arith.muli %select_n3A_819, %mul3A_872 : i32
      %add3A_874 = arith.constant 4 : i32
      %add3A_875 = arith.addi %mul3A_873, %add3A_874 : i32
      %mul3A_876 = arith.constant 128 : i32
      %mul3A_877 = arith.muli %add3A_875, %mul3A_876 : i32
      %add3A_878 = arith.addi %mul3A_877, %select_n3A_835 : i32
      %mul3A_879 = arith.constant 1024 : i32
      %mul3A_880 = arith.muli %add3A_878, %mul3A_879 : i32
      %mul3A_881 = arith.constant 8 : i32
      %mul3A_882 = arith.muli %select_n3A_819, %mul3A_881 : i32
      %add3A_883 = arith.constant 5 : i32
      %add3A_884 = arith.addi %mul3A_882, %add3A_883 : i32
      %mul3A_885 = arith.constant 128 : i32
      %mul3A_886 = arith.muli %add3A_884, %mul3A_885 : i32
      %add3A_887 = arith.addi %mul3A_886, %select_n3A_835 : i32
      %mul3A_888 = arith.constant 1024 : i32
      %mul3A_889 = arith.muli %add3A_887, %mul3A_888 : i32
      %mul3A_890 = arith.constant 8 : i32
      %mul3A_891 = arith.muli %select_n3A_819, %mul3A_890 : i32
      %add3A_892 = arith.constant 6 : i32
      %add3A_893 = arith.addi %mul3A_891, %add3A_892 : i32
      %mul3A_894 = arith.constant 128 : i32
      %mul3A_895 = arith.muli %add3A_893, %mul3A_894 : i32
      %add3A_896 = arith.addi %mul3A_895, %select_n3A_835 : i32
      %mul3A_897 = arith.constant 1024 : i32
      %mul3A_898 = arith.muli %add3A_896, %mul3A_897 : i32
      %mul3A_899 = arith.constant 8 : i32
      %mul3A_900 = arith.muli %select_n3A_819, %mul3A_899 : i32
      %add3A_901 = arith.constant 7 : i32
      %add3A_902 = arith.addi %mul3A_900, %add3A_901 : i32
      %mul3A_903 = arith.constant 128 : i32
      %mul3A_904 = arith.muli %add3A_902, %mul3A_903 : i32
      %add3A_905 = arith.addi %mul3A_904, %select_n3A_835 : i32
      %mul3A_906 = arith.constant 1024 : i32
      %mul3A_907 = arith.muli %add3A_905, %mul3A_906 : i32
      %dma_start3A_908 = arith.constant 0 : i32
      %dma_start3A_909 = tpu.memref_slice %arg12[%dma_start3A_908] : memref<32768xf32, #tpu.memory_space<vmem>> -> memref<4096xf32, #tpu.memory_space<vmem>>
      %dma_start3A_910 = tpu.memref_slice %arg4[%mul3A_844] : memref<52428800xf32, #tpu.memory_space<hbm>> -> memref<4096xf32, #tpu.memory_space<hbm>>
      %dma_start3A_911 = tpu.memref_slice %arg4[%mul3A_844] : memref<52428800xf32, #tpu.memory_space<hbm>> -> memref<4096xf32, #tpu.memory_space<hbm>>
      %dma_start3A_912 = arith.constant 0 : i32
      %dma_start3A_913 = tpu.memref_slice %arg12[%dma_start3A_912] : memref<32768xf32, #tpu.memory_space<vmem>> -> memref<4096xf32, #tpu.memory_space<vmem>>
      tpu.enqueue_dma source(%dma_start3A_913 : memref<4096xf32, #tpu.memory_space<vmem>>) target(%dma_start3A_911 : memref<4096xf32, #tpu.memory_space<hbm>>) target_semaphore(%arg20 : memref<!tpu.dma_semaphore, #tpu.memory_space<semaphore_mem>>)
      %dma_start3A_914 = arith.constant 4096 : i32
      %dma_start3A_915 = tpu.memref_slice %arg12[%dma_start3A_914] : memref<32768xf32, #tpu.memory_space<vmem>> -> memref<4096xf32, #tpu.memory_space<vmem>>
      %dma_start3A_916 = tpu.memref_slice %arg4[%mul3A_853] : memref<52428800xf32, #tpu.memory_space<hbm>> -> memref<4096xf32, #tpu.memory_space<hbm>>
      %dma_start3A_917 = tpu.memref_slice %arg4[%mul3A_853] : memref<52428800xf32, #tpu.memory_space<hbm>> -> memref<4096xf32, #tpu.memory_space<hbm>>
      %dma_start3A_918 = arith.constant 4096 : i32
      %dma_start3A_919 = tpu.memref_slice %arg12[%dma_start3A_918] : memref<32768xf32, #tpu.memory_space<vmem>> -> memref<4096xf32, #tpu.memory_space<vmem>>
      tpu.enqueue_dma source(%dma_start3A_919 : memref<4096xf32, #tpu.memory_space<vmem>>) target(%dma_start3A_917 : memref<4096xf32, #tpu.memory_space<hbm>>) target_semaphore(%arg20 : memref<!tpu.dma_semaphore, #tpu.memory_space<semaphore_mem>>)
      %dma_start3A_920 = arith.constant 8192 : i32
      %dma_start3A_921 = tpu.memref_slice %arg12[%dma_start3A_920] : memref<32768xf32, #tpu.memory_space<vmem>> -> memref<4096xf32, #tpu.memory_space<vmem>>
      %dma_start3A_922 = tpu.memref_slice %arg4[%mul3A_862] : memref<52428800xf32, #tpu.memory_space<hbm>> -> memref<4096xf32, #tpu.memory_space<hbm>>
      %dma_start3A_923 = tpu.memref_slice %arg4[%mul3A_862] : memref<52428800xf32, #tpu.memory_space<hbm>> -> memref<4096xf32, #tpu.memory_space<hbm>>
      %dma_start3A_924 = arith.constant 8192 : i32
      %dma_start3A_925 = tpu.memref_slice %arg12[%dma_start3A_924] : memref<32768xf32, #tpu.memory_space<vmem>> -> memref<4096xf32, #tpu.memory_space<vmem>>
      tpu.enqueue_dma source(%dma_start3A_925 : memref<4096xf32, #tpu.memory_space<vmem>>) target(%dma_start3A_923 : memref<4096xf32, #tpu.memory_space<hbm>>) target_semaphore(%arg20 : memref<!tpu.dma_semaphore, #tpu.memory_space<semaphore_mem>>)
      %dma_start3A_926 = arith.constant 12288 : i32
      %dma_start3A_927 = tpu.memref_slice %arg12[%dma_start3A_926] : memref<32768xf32, #tpu.memory_space<vmem>> -> memref<4096xf32, #tpu.memory_space<vmem>>
      %dma_start3A_928 = tpu.memref_slice %arg4[%mul3A_871] : memref<52428800xf32, #tpu.memory_space<hbm>> -> memref<4096xf32, #tpu.memory_space<hbm>>
      %dma_start3A_929 = tpu.memref_slice %arg4[%mul3A_871] : memref<52428800xf32, #tpu.memory_space<hbm>> -> memref<4096xf32, #tpu.memory_space<hbm>>
      %dma_start3A_930 = arith.constant 12288 : i32
      %dma_start3A_931 = tpu.memref_slice %arg12[%dma_start3A_930] : memref<32768xf32, #tpu.memory_space<vmem>> -> memref<4096xf32, #tpu.memory_space<vmem>>
      tpu.enqueue_dma source(%dma_start3A_931 : memref<4096xf32, #tpu.memory_space<vmem>>) target(%dma_start3A_929 : memref<4096xf32, #tpu.memory_space<hbm>>) target_semaphore(%arg20 : memref<!tpu.dma_semaphore, #tpu.memory_space<semaphore_mem>>)
      %dma_start3A_932 = arith.constant 16384 : i32
      %dma_start3A_933 = tpu.memref_slice %arg12[%dma_start3A_932] : memref<32768xf32, #tpu.memory_space<vmem>> -> memref<4096xf32, #tpu.memory_space<vmem>>
      %dma_start3A_934 = tpu.memref_slice %arg4[%mul3A_880] : memref<52428800xf32, #tpu.memory_space<hbm>> -> memref<4096xf32, #tpu.memory_space<hbm>>
      %dma_start3A_935 = tpu.memref_slice %arg4[%mul3A_880] : memref<52428800xf32, #tpu.memory_space<hbm>> -> memref<4096xf32, #tpu.memory_space<hbm>>
      %dma_start3A_936 = arith.constant 16384 : i32
      %dma_start3A_937 = tpu.memref_slice %arg12[%dma_start3A_936] : memref<32768xf32, #tpu.memory_space<vmem>> -> memref<4096xf32, #tpu.memory_space<vmem>>
      tpu.enqueue_dma source(%dma_start3A_937 : memref<4096xf32, #tpu.memory_space<vmem>>) target(%dma_start3A_935 : memref<4096xf32, #tpu.memory_space<hbm>>) target_semaphore(%arg20 : memref<!tpu.dma_semaphore, #tpu.memory_space<semaphore_mem>>)
      %dma_start3A_938 = arith.constant 20480 : i32
      %dma_start3A_939 = tpu.memref_slice %arg12[%dma_start3A_938] : memref<32768xf32, #tpu.memory_space<vmem>> -> memref<4096xf32, #tpu.memory_space<vmem>>
      %dma_start3A_940 = tpu.memref_slice %arg4[%mul3A_889] : memref<52428800xf32, #tpu.memory_space<hbm>> -> memref<4096xf32, #tpu.memory_space<hbm>>
      %dma_start3A_941 = tpu.memref_slice %arg4[%mul3A_889] : memref<52428800xf32, #tpu.memory_space<hbm>> -> memref<4096xf32, #tpu.memory_space<hbm>>
      %dma_start3A_942 = arith.constant 20480 : i32
      %dma_start3A_943 = tpu.memref_slice %arg12[%dma_start3A_942] : memref<32768xf32, #tpu.memory_space<vmem>> -> memref<4096xf32, #tpu.memory_space<vmem>>
      tpu.enqueue_dma source(%dma_start3A_943 : memref<4096xf32, #tpu.memory_space<vmem>>) target(%dma_start3A_941 : memref<4096xf32, #tpu.memory_space<hbm>>) target_semaphore(%arg20 : memref<!tpu.dma_semaphore, #tpu.memory_space<semaphore_mem>>)
      %dma_start3A_944 = arith.constant 24576 : i32
      %dma_start3A_945 = tpu.memref_slice %arg12[%dma_start3A_944] : memref<32768xf32, #tpu.memory_space<vmem>> -> memref<4096xf32, #tpu.memory_space<vmem>>
      %dma_start3A_946 = tpu.memref_slice %arg4[%mul3A_898] : memref<52428800xf32, #tpu.memory_space<hbm>> -> memref<4096xf32, #tpu.memory_space<hbm>>
      %dma_start3A_947 = tpu.memref_slice %arg4[%mul3A_898] : memref<52428800xf32, #tpu.memory_space<hbm>> -> memref<4096xf32, #tpu.memory_space<hbm>>
      %dma_start3A_948 = arith.constant 24576 : i32
      %dma_start3A_949 = tpu.memref_slice %arg12[%dma_start3A_948] : memref<32768xf32, #tpu.memory_space<vmem>> -> memref<4096xf32, #tpu.memory_space<vmem>>
      tpu.enqueue_dma source(%dma_start3A_949 : memref<4096xf32, #tpu.memory_space<vmem>>) target(%dma_start3A_947 : memref<4096xf32, #tpu.memory_space<hbm>>) target_semaphore(%arg20 : memref<!tpu.dma_semaphore, #tpu.memory_space<semaphore_mem>>)
      %dma_start3A_950 = arith.constant 28672 : i32
      %dma_start3A_951 = tpu.memref_slice %arg12[%dma_start3A_950] : memref<32768xf32, #tpu.memory_space<vmem>> -> memref<4096xf32, #tpu.memory_space<vmem>>
      %dma_start3A_952 = tpu.memref_slice %arg4[%mul3A_907] : memref<52428800xf32, #tpu.memory_space<hbm>> -> memref<4096xf32, #tpu.memory_space<hbm>>
      %dma_start3A_953 = tpu.memref_slice %arg4[%mul3A_907] : memref<52428800xf32, #tpu.memory_space<hbm>> -> memref<4096xf32, #tpu.memory_space<hbm>>
      %dma_start3A_954 = arith.constant 28672 : i32
      %dma_start3A_955 = tpu.memref_slice %arg12[%dma_start3A_954] : memref<32768xf32, #tpu.memory_space<vmem>> -> memref<4096xf32, #tpu.memory_space<vmem>>
      tpu.enqueue_dma source(%dma_start3A_955 : memref<4096xf32, #tpu.memory_space<vmem>>) target(%dma_start3A_953 : memref<4096xf32, #tpu.memory_space<hbm>>) target_semaphore(%arg20 : memref<!tpu.dma_semaphore, #tpu.memory_space<semaphore_mem>>)
      %add3A_956 = arith.constant 2 : i32
      %add3A_957 = arith.addi %add3A_712, %add3A_956 : i32
      %lt3A_958 = arith.constant 50 : i32
      %lt3A_959 = arith.cmpi slt, %add3A_957, %lt3A_958 : i32
      %convert_element_type3A_960 = arith.extui %lt3A_959 : i1 to i32
      %cond3A_961 = arith.constant 0 : i32
      %cond3A_962 = arith.cmpi ne, %convert_element_type3A_960, %cond3A_961 : i32
      scf.if %cond3A_962 {
        %add3A_963 = arith.constant 2 : i32
        %add3A_964 = arith.addi %add3A_712, %add3A_963 : i32
        %add3A_965 = arith.addi %mul3A_2, %add3A_964 : i32
        %mul3A_966 = arith.constant 4 : i32
        %mul3A_967 = arith.muli %add3A_965, %mul3A_966 : i32
        %jit3A_968 = arith.constant 128 : i32
        %div3A_969 = arith.divsi %mul3A_967, %jit3A_968 : i32
        %sign3A_970 = arith.constant 0 : i32
        %sign3A_971 = arith.cmpi sgt, %mul3A_967, %sign3A_970 : i32
        %sign3A_972 = arith.extui %sign3A_971 : i1 to i32
        %sign3A_973 = arith.constant 0 : i32
        %sign3A_974 = arith.cmpi slt, %mul3A_967, %sign3A_973 : i32
        %sign3A_975 = arith.extui %sign3A_974 : i1 to i32
        %sign3A_976 = arith.subi %sign3A_972, %sign3A_975 : i32
        %sign3A_977 = arith.constant 0 : i32
        %sign3A_978 = arith.cmpi sgt, %jit3A_968, %sign3A_977 : i32
        %sign3A_979 = arith.extui %sign3A_978 : i1 to i32
        %sign3A_980 = arith.constant 0 : i32
        %sign3A_981 = arith.cmpi slt, %jit3A_968, %sign3A_980 : i32
        %sign3A_982 = arith.extui %sign3A_981 : i1 to i32
        %sign3A_983 = arith.subi %sign3A_979, %sign3A_982 : i32
        %ne3A_984 = arith.cmpi ne, %sign3A_976, %sign3A_983 : i32
        %rem3A_985 = arith.remsi %mul3A_967, %jit3A_968 : i32
        %ne3A_986 = arith.constant 0 : i32
        %ne3A_987 = arith.cmpi ne, %rem3A_985, %ne3A_986 : i32
        %and3A_988 = arith.andi %ne3A_984, %ne3A_987 : i1
        %sub3A_989 = arith.constant 1 : i32
        %sub3A_990 = arith.subi %div3A_969, %sub3A_989 : i32
        %select_n3A_991 = arith.select %and3A_988, %sub3A_990, %div3A_969 : i32
        %jit3A_992 = arith.constant 128 : i32
        %eq3A_993 = arith.constant 0 : i32
        %eq3A_994 = arith.cmpi eq, %jit3A_992, %eq3A_993 : i32
        %jit3A_995 = arith.constant 1 : i32
        %select_n3A_996 = arith.select %eq3A_994, %jit3A_995, %jit3A_992 : i32
        %rem3A_997 = arith.remsi %mul3A_967, %select_n3A_996 : i32
        %ne3A_998 = arith.constant 0 : i32
        %ne3A_999 = arith.cmpi ne, %rem3A_997, %ne3A_998 : i32
        %lt3A_1000 = arith.constant 0 : i32
        %lt3A_1001 = arith.cmpi slt, %rem3A_997, %lt3A_1000 : i32
        %lt3A_1002 = arith.constant 0 : i32
        %lt3A_1003 = arith.cmpi slt, %select_n3A_996, %lt3A_1002 : i32
        %ne3A_1004 = arith.xori %lt3A_1001, %lt3A_1003 : i1
        %and3A_1005 = arith.andi %ne3A_1004, %ne3A_999 : i1
        %add3A_1006 = arith.addi %rem3A_997, %select_n3A_996 : i32
        %select_n3A_1007 = arith.select %and3A_1005, %add3A_1006, %rem3A_997 : i32
        %dma_start3A_1008 = arith.constant 0 : i32
        %dma_start3A_1009 = tpu.memref_slice %arg2[%select_n3A_991, %select_n3A_1007, %dma_start3A_1008] : memref<50x128x128xi32, #tpu.memory_space<hbm>> -> memref<1x4x128xi32, #tpu.memory_space<hbm>>
        %dma_start3A_1010 = tpu.memref_squeeze %dma_start3A_1009 : memref<1x4x128xi32, #tpu.memory_space<hbm>> -> memref<4x128xi32, #tpu.memory_space<hbm>>
        %dma_start3A_1011 = arith.constant 0 : i32
        %dma_start3A_1012 = tpu.memref_slice %arg2[%select_n3A_991, %select_n3A_1007, %dma_start3A_1011] : memref<50x128x128xi32, #tpu.memory_space<hbm>> -> memref<1x4x128xi32, #tpu.memory_space<hbm>>
        %dma_start3A_1013 = tpu.memref_squeeze %dma_start3A_1012 : memref<1x4x128xi32, #tpu.memory_space<hbm>> -> memref<4x128xi32, #tpu.memory_space<hbm>>
        tpu.enqueue_dma source(%dma_start3A_1013 : memref<4x128xi32, #tpu.memory_space<hbm>>) target(%arg6 : memref<4x128xi32, #tpu.memory_space<vmem>>) target_semaphore(%arg14 : memref<!tpu.dma_semaphore, #tpu.memory_space<semaphore_mem>>)
      } else {
      }
    }
    %scan3A_129 = arith.constant 25 : i32
    %add3A_130 = arith.constant 48 : i32
    %add3A_131 = arith.addi %mul3A_2, %add3A_130 : i32
    %mul3A_132 = arith.constant 4 : i32
    %mul3A_133 = arith.muli %add3A_131, %mul3A_132 : i32
    %jit3A_134 = arith.constant 128 : i32
    %div3A_135 = arith.divsi %mul3A_133, %jit3A_134 : i32
    %sign3A_136 = arith.constant 0 : i32
    %sign3A_137 = arith.cmpi sgt, %mul3A_133, %sign3A_136 : i32
    %sign3A_138 = arith.extui %sign3A_137 : i1 to i32
    %sign3A_139 = arith.constant 0 : i32
    %sign3A_140 = arith.cmpi slt, %mul3A_133, %sign3A_139 : i32
    %sign3A_141 = arith.extui %sign3A_140 : i1 to i32
    %sign3A_142 = arith.subi %sign3A_138, %sign3A_141 : i32
    %sign3A_143 = arith.constant 0 : i32
    %sign3A_144 = arith.cmpi sgt, %jit3A_134, %sign3A_143 : i32
    %sign3A_145 = arith.extui %sign3A_144 : i1 to i32
    %sign3A_146 = arith.constant 0 : i32
    %sign3A_147 = arith.cmpi slt, %jit3A_134, %sign3A_146 : i32
    %sign3A_148 = arith.extui %sign3A_147 : i1 to i32
    %sign3A_149 = arith.subi %sign3A_145, %sign3A_148 : i32
    %ne3A_150 = arith.cmpi ne, %sign3A_142, %sign3A_149 : i32
    %rem3A_151 = arith.remsi %mul3A_133, %jit3A_134 : i32
    %ne3A_152 = arith.constant 0 : i32
    %ne3A_153 = arith.cmpi ne, %rem3A_151, %ne3A_152 : i32
    %and3A_154 = arith.andi %ne3A_150, %ne3A_153 : i1
    %sub3A_155 = arith.constant 1 : i32
    %sub3A_156 = arith.subi %div3A_135, %sub3A_155 : i32
    %select_n3A_157 = arith.select %and3A_154, %sub3A_156, %div3A_135 : i32
    %jit3A_158 = arith.constant 128 : i32
    %eq3A_159 = arith.constant 0 : i32
    %eq3A_160 = arith.cmpi eq, %jit3A_158, %eq3A_159 : i32
    %jit3A_161 = arith.constant 1 : i32
    %select_n3A_162 = arith.select %eq3A_160, %jit3A_161, %jit3A_158 : i32
    %rem3A_163 = arith.remsi %mul3A_133, %select_n3A_162 : i32
    %ne3A_164 = arith.constant 0 : i32
    %ne3A_165 = arith.cmpi ne, %rem3A_163, %ne3A_164 : i32
    %lt3A_166 = arith.constant 0 : i32
    %lt3A_167 = arith.cmpi slt, %rem3A_163, %lt3A_166 : i32
    %lt3A_168 = arith.constant 0 : i32
    %lt3A_169 = arith.cmpi slt, %select_n3A_162, %lt3A_168 : i32
    %ne3A_170 = arith.xori %lt3A_167, %lt3A_169 : i1
    %and3A_171 = arith.andi %ne3A_170, %ne3A_165 : i1
    %add3A_172 = arith.addi %rem3A_163, %select_n3A_162 : i32
    %select_n3A_173 = arith.select %and3A_171, %add3A_172, %rem3A_163 : i32
    %mul3A_174 = arith.constant 8 : i32
    %mul3A_175 = arith.muli %select_n3A_157, %mul3A_174 : i32
    %add3A_176 = arith.constant 0 : i32
    %add3A_177 = arith.addi %mul3A_175, %add3A_176 : i32
    %mul3A_178 = arith.constant 128 : i32
    %mul3A_179 = arith.muli %add3A_177, %mul3A_178 : i32
    %add3A_180 = arith.addi %mul3A_179, %select_n3A_173 : i32
    %mul3A_181 = arith.constant 1024 : i32
    %mul3A_182 = arith.muli %add3A_180, %mul3A_181 : i32
    %mul3A_183 = arith.constant 8 : i32
    %mul3A_184 = arith.muli %select_n3A_157, %mul3A_183 : i32
    %add3A_185 = arith.constant 1 : i32
    %add3A_186 = arith.addi %mul3A_184, %add3A_185 : i32
    %mul3A_187 = arith.constant 128 : i32
    %mul3A_188 = arith.muli %add3A_186, %mul3A_187 : i32
    %add3A_189 = arith.addi %mul3A_188, %select_n3A_173 : i32
    %mul3A_190 = arith.constant 1024 : i32
    %mul3A_191 = arith.muli %add3A_189, %mul3A_190 : i32
    %mul3A_192 = arith.constant 8 : i32
    %mul3A_193 = arith.muli %select_n3A_157, %mul3A_192 : i32
    %add3A_194 = arith.constant 2 : i32
    %add3A_195 = arith.addi %mul3A_193, %add3A_194 : i32
    %mul3A_196 = arith.constant 128 : i32
    %mul3A_197 = arith.muli %add3A_195, %mul3A_196 : i32
    %add3A_198 = arith.addi %mul3A_197, %select_n3A_173 : i32
    %mul3A_199 = arith.constant 1024 : i32
    %mul3A_200 = arith.muli %add3A_198, %mul3A_199 : i32
    %mul3A_201 = arith.constant 8 : i32
    %mul3A_202 = arith.muli %select_n3A_157, %mul3A_201 : i32
    %add3A_203 = arith.constant 3 : i32
    %add3A_204 = arith.addi %mul3A_202, %add3A_203 : i32
    %mul3A_205 = arith.constant 128 : i32
    %mul3A_206 = arith.muli %add3A_204, %mul3A_205 : i32
    %add3A_207 = arith.addi %mul3A_206, %select_n3A_173 : i32
    %mul3A_208 = arith.constant 1024 : i32
    %mul3A_209 = arith.muli %add3A_207, %mul3A_208 : i32
    %mul3A_210 = arith.constant 8 : i32
    %mul3A_211 = arith.muli %select_n3A_157, %mul3A_210 : i32
    %add3A_212 = arith.constant 4 : i32
    %add3A_213 = arith.addi %mul3A_211, %add3A_212 : i32
    %mul3A_214 = arith.constant 128 : i32
    %mul3A_215 = arith.muli %add3A_213, %mul3A_214 : i32
    %add3A_216 = arith.addi %mul3A_215, %select_n3A_173 : i32
    %mul3A_217 = arith.constant 1024 : i32
    %mul3A_218 = arith.muli %add3A_216, %mul3A_217 : i32
    %mul3A_219 = arith.constant 8 : i32
    %mul3A_220 = arith.muli %select_n3A_157, %mul3A_219 : i32
    %add3A_221 = arith.constant 5 : i32
    %add3A_222 = arith.addi %mul3A_220, %add3A_221 : i32
    %mul3A_223 = arith.constant 128 : i32
    %mul3A_224 = arith.muli %add3A_222, %mul3A_223 : i32
    %add3A_225 = arith.addi %mul3A_224, %select_n3A_173 : i32
    %mul3A_226 = arith.constant 1024 : i32
    %mul3A_227 = arith.muli %add3A_225, %mul3A_226 : i32
    %mul3A_228 = arith.constant 8 : i32
    %mul3A_229 = arith.muli %select_n3A_157, %mul3A_228 : i32
    %add3A_230 = arith.constant 6 : i32
    %add3A_231 = arith.addi %mul3A_229, %add3A_230 : i32
    %mul3A_232 = arith.constant 128 : i32
    %mul3A_233 = arith.muli %add3A_231, %mul3A_232 : i32
    %add3A_234 = arith.addi %mul3A_233, %select_n3A_173 : i32
    %mul3A_235 = arith.constant 1024 : i32
    %mul3A_236 = arith.muli %add3A_234, %mul3A_235 : i32
    %mul3A_237 = arith.constant 8 : i32
    %mul3A_238 = arith.muli %select_n3A_157, %mul3A_237 : i32
    %add3A_239 = arith.constant 7 : i32
    %add3A_240 = arith.addi %mul3A_238, %add3A_239 : i32
    %mul3A_241 = arith.constant 128 : i32
    %mul3A_242 = arith.muli %add3A_240, %mul3A_241 : i32
    %add3A_243 = arith.addi %mul3A_242, %select_n3A_173 : i32
    %mul3A_244 = arith.constant 1024 : i32
    %mul3A_245 = arith.muli %add3A_243, %mul3A_244 : i32
    %dma_wait3A_246 = arith.constant 0 : i32
    %dma_wait3A_247 = tpu.memref_slice %arg11[%dma_wait3A_246] : memref<32768xf32, #tpu.memory_space<vmem>> -> memref<4096xf32, #tpu.memory_space<vmem>>
    %dma_wait3A_248 = tpu.memref_slice %arg4[%mul3A_182] : memref<52428800xf32, #tpu.memory_space<hbm>> -> memref<4096xf32, #tpu.memory_space<hbm>>
    %dma_wait3A_249 = tpu.memref_slice %arg4[%mul3A_182] : memref<52428800xf32, #tpu.memory_space<hbm>> -> memref<4096xf32, #tpu.memory_space<hbm>>
    %dma_wait3A_250 = arith.constant 0 : i32
    %dma_wait3A_251 = tpu.memref_slice %arg11[%dma_wait3A_250] : memref<32768xf32, #tpu.memory_space<vmem>> -> memref<4096xf32, #tpu.memory_space<vmem>>
    tpu.wait_dma2 semaphore(%arg19 : memref<!tpu.dma_semaphore, #tpu.memory_space<semaphore_mem>>) src(%dma_wait3A_251 : memref<4096xf32, #tpu.memory_space<vmem>>) dst(%dma_wait3A_249 : memref<4096xf32, #tpu.memory_space<hbm>>)
    %dma_wait3A_252 = arith.constant 4096 : i32
    %dma_wait3A_253 = tpu.memref_slice %arg11[%dma_wait3A_252] : memref<32768xf32, #tpu.memory_space<vmem>> -> memref<4096xf32, #tpu.memory_space<vmem>>
    %dma_wait3A_254 = tpu.memref_slice %arg4[%mul3A_191] : memref<52428800xf32, #tpu.memory_space<hbm>> -> memref<4096xf32, #tpu.memory_space<hbm>>
    %dma_wait3A_255 = tpu.memref_slice %arg4[%mul3A_191] : memref<52428800xf32, #tpu.memory_space<hbm>> -> memref<4096xf32, #tpu.memory_space<hbm>>
    %dma_wait3A_256 = arith.constant 4096 : i32
    %dma_wait3A_257 = tpu.memref_slice %arg11[%dma_wait3A_256] : memref<32768xf32, #tpu.memory_space<vmem>> -> memref<4096xf32, #tpu.memory_space<vmem>>
    tpu.wait_dma2 semaphore(%arg19 : memref<!tpu.dma_semaphore, #tpu.memory_space<semaphore_mem>>) src(%dma_wait3A_257 : memref<4096xf32, #tpu.memory_space<vmem>>) dst(%dma_wait3A_255 : memref<4096xf32, #tpu.memory_space<hbm>>)
    %dma_wait3A_258 = arith.constant 8192 : i32
    %dma_wait3A_259 = tpu.memref_slice %arg11[%dma_wait3A_258] : memref<32768xf32, #tpu.memory_space<vmem>> -> memref<4096xf32, #tpu.memory_space<vmem>>
    %dma_wait3A_260 = tpu.memref_slice %arg4[%mul3A_200] : memref<52428800xf32, #tpu.memory_space<hbm>> -> memref<4096xf32, #tpu.memory_space<hbm>>
    %dma_wait3A_261 = tpu.memref_slice %arg4[%mul3A_200] : memref<52428800xf32, #tpu.memory_space<hbm>> -> memref<4096xf32, #tpu.memory_space<hbm>>
    %dma_wait3A_262 = arith.constant 8192 : i32
    %dma_wait3A_263 = tpu.memref_slice %arg11[%dma_wait3A_262] : memref<32768xf32, #tpu.memory_space<vmem>> -> memref<4096xf32, #tpu.memory_space<vmem>>
    tpu.wait_dma2 semaphore(%arg19 : memref<!tpu.dma_semaphore, #tpu.memory_space<semaphore_mem>>) src(%dma_wait3A_263 : memref<4096xf32, #tpu.memory_space<vmem>>) dst(%dma_wait3A_261 : memref<4096xf32, #tpu.memory_space<hbm>>)
    %dma_wait3A_264 = arith.constant 12288 : i32
    %dma_wait3A_265 = tpu.memref_slice %arg11[%dma_wait3A_264] : memref<32768xf32, #tpu.memory_space<vmem>> -> memref<4096xf32, #tpu.memory_space<vmem>>
    %dma_wait3A_266 = tpu.memref_slice %arg4[%mul3A_209] : memref<52428800xf32, #tpu.memory_space<hbm>> -> memref<4096xf32, #tpu.memory_space<hbm>>
    %dma_wait3A_267 = tpu.memref_slice %arg4[%mul3A_209] : memref<52428800xf32, #tpu.memory_space<hbm>> -> memref<4096xf32, #tpu.memory_space<hbm>>
    %dma_wait3A_268 = arith.constant 12288 : i32
    %dma_wait3A_269 = tpu.memref_slice %arg11[%dma_wait3A_268] : memref<32768xf32, #tpu.memory_space<vmem>> -> memref<4096xf32, #tpu.memory_space<vmem>>
    tpu.wait_dma2 semaphore(%arg19 : memref<!tpu.dma_semaphore, #tpu.memory_space<semaphore_mem>>) src(%dma_wait3A_269 : memref<4096xf32, #tpu.memory_space<vmem>>) dst(%dma_wait3A_267 : memref<4096xf32, #tpu.memory_space<hbm>>)
    %dma_wait3A_270 = arith.constant 16384 : i32
    %dma_wait3A_271 = tpu.memref_slice %arg11[%dma_wait3A_270] : memref<32768xf32, #tpu.memory_space<vmem>> -> memref<4096xf32, #tpu.memory_space<vmem>>
    %dma_wait3A_272 = tpu.memref_slice %arg4[%mul3A_218] : memref<52428800xf32, #tpu.memory_space<hbm>> -> memref<4096xf32, #tpu.memory_space<hbm>>
    %dma_wait3A_273 = tpu.memref_slice %arg4[%mul3A_218] : memref<52428800xf32, #tpu.memory_space<hbm>> -> memref<4096xf32, #tpu.memory_space<hbm>>
    %dma_wait3A_274 = arith.constant 16384 : i32
    %dma_wait3A_275 = tpu.memref_slice %arg11[%dma_wait3A_274] : memref<32768xf32, #tpu.memory_space<vmem>> -> memref<4096xf32, #tpu.memory_space<vmem>>
    tpu.wait_dma2 semaphore(%arg19 : memref<!tpu.dma_semaphore, #tpu.memory_space<semaphore_mem>>) src(%dma_wait3A_275 : memref<4096xf32, #tpu.memory_space<vmem>>) dst(%dma_wait3A_273 : memref<4096xf32, #tpu.memory_space<hbm>>)
    %dma_wait3A_276 = arith.constant 20480 : i32
    %dma_wait3A_277 = tpu.memref_slice %arg11[%dma_wait3A_276] : memref<32768xf32, #tpu.memory_space<vmem>> -> memref<4096xf32, #tpu.memory_space<vmem>>
    %dma_wait3A_278 = tpu.memref_slice %arg4[%mul3A_227] : memref<52428800xf32, #tpu.memory_space<hbm>> -> memref<4096xf32, #tpu.memory_space<hbm>>
    %dma_wait3A_279 = tpu.memref_slice %arg4[%mul3A_227] : memref<52428800xf32, #tpu.memory_space<hbm>> -> memref<4096xf32, #tpu.memory_space<hbm>>
    %dma_wait3A_280 = arith.constant 20480 : i32
    %dma_wait3A_281 = tpu.memref_slice %arg11[%dma_wait3A_280] : memref<32768xf32, #tpu.memory_space<vmem>> -> memref<4096xf32, #tpu.memory_space<vmem>>
    tpu.wait_dma2 semaphore(%arg19 : memref<!tpu.dma_semaphore, #tpu.memory_space<semaphore_mem>>) src(%dma_wait3A_281 : memref<4096xf32, #tpu.memory_space<vmem>>) dst(%dma_wait3A_279 : memref<4096xf32, #tpu.memory_space<hbm>>)
    %dma_wait3A_282 = arith.constant 24576 : i32
    %dma_wait3A_283 = tpu.memref_slice %arg11[%dma_wait3A_282] : memref<32768xf32, #tpu.memory_space<vmem>> -> memref<4096xf32, #tpu.memory_space<vmem>>
    %dma_wait3A_284 = tpu.memref_slice %arg4[%mul3A_236] : memref<52428800xf32, #tpu.memory_space<hbm>> -> memref<4096xf32, #tpu.memory_space<hbm>>
    %dma_wait3A_285 = tpu.memref_slice %arg4[%mul3A_236] : memref<52428800xf32, #tpu.memory_space<hbm>> -> memref<4096xf32, #tpu.memory_space<hbm>>
    %dma_wait3A_286 = arith.constant 24576 : i32
    %dma_wait3A_287 = tpu.memref_slice %arg11[%dma_wait3A_286] : memref<32768xf32, #tpu.memory_space<vmem>> -> memref<4096xf32, #tpu.memory_space<vmem>>
    tpu.wait_dma2 semaphore(%arg19 : memref<!tpu.dma_semaphore, #tpu.memory_space<semaphore_mem>>) src(%dma_wait3A_287 : memref<4096xf32, #tpu.memory_space<vmem>>) dst(%dma_wait3A_285 : memref<4096xf32, #tpu.memory_space<hbm>>)
    %dma_wait3A_288 = arith.constant 28672 : i32
    %dma_wait3A_289 = tpu.memref_slice %arg11[%dma_wait3A_288] : memref<32768xf32, #tpu.memory_space<vmem>> -> memref<4096xf32, #tpu.memory_space<vmem>>
    %dma_wait3A_290 = tpu.memref_slice %arg4[%mul3A_245] : memref<52428800xf32, #tpu.memory_space<hbm>> -> memref<4096xf32, #tpu.memory_space<hbm>>
    %dma_wait3A_291 = tpu.memref_slice %arg4[%mul3A_245] : memref<52428800xf32, #tpu.memory_space<hbm>> -> memref<4096xf32, #tpu.memory_space<hbm>>
    %dma_wait3A_292 = arith.constant 28672 : i32
    %dma_wait3A_293 = tpu.memref_slice %arg11[%dma_wait3A_292] : memref<32768xf32, #tpu.memory_space<vmem>> -> memref<4096xf32, #tpu.memory_space<vmem>>
    tpu.wait_dma2 semaphore(%arg19 : memref<!tpu.dma_semaphore, #tpu.memory_space<semaphore_mem>>) src(%dma_wait3A_293 : memref<4096xf32, #tpu.memory_space<vmem>>) dst(%dma_wait3A_291 : memref<4096xf32, #tpu.memory_space<hbm>>)
    %add3A_294 = arith.constant 49 : i32
    %add3A_295 = arith.addi %mul3A_2, %add3A_294 : i32
    %mul3A_296 = arith.constant 4 : i32
    %mul3A_297 = arith.muli %add3A_295, %mul3A_296 : i32
    %jit3A_298 = arith.constant 128 : i32
    %div3A_299 = arith.divsi %mul3A_297, %jit3A_298 : i32
    %sign3A_300 = arith.constant 0 : i32
    %sign3A_301 = arith.cmpi sgt, %mul3A_297, %sign3A_300 : i32
    %sign3A_302 = arith.extui %sign3A_301 : i1 to i32
    %sign3A_303 = arith.constant 0 : i32
    %sign3A_304 = arith.cmpi slt, %mul3A_297, %sign3A_303 : i32
    %sign3A_305 = arith.extui %sign3A_304 : i1 to i32
    %sign3A_306 = arith.subi %sign3A_302, %sign3A_305 : i32
    %sign3A_307 = arith.constant 0 : i32
    %sign3A_308 = arith.cmpi sgt, %jit3A_298, %sign3A_307 : i32
    %sign3A_309 = arith.extui %sign3A_308 : i1 to i32
    %sign3A_310 = arith.constant 0 : i32
    %sign3A_311 = arith.cmpi slt, %jit3A_298, %sign3A_310 : i32
    %sign3A_312 = arith.extui %sign3A_311 : i1 to i32
    %sign3A_313 = arith.subi %sign3A_309, %sign3A_312 : i32
    %ne3A_314 = arith.cmpi ne, %sign3A_306, %sign3A_313 : i32
    %rem3A_315 = arith.remsi %mul3A_297, %jit3A_298 : i32
    %ne3A_316 = arith.constant 0 : i32
    %ne3A_317 = arith.cmpi ne, %rem3A_315, %ne3A_316 : i32
    %and3A_318 = arith.andi %ne3A_314, %ne3A_317 : i1
    %sub3A_319 = arith.constant 1 : i32
    %sub3A_320 = arith.subi %div3A_299, %sub3A_319 : i32
    %select_n3A_321 = arith.select %and3A_318, %sub3A_320, %div3A_299 : i32
    %jit3A_322 = arith.constant 128 : i32
    %eq3A_323 = arith.constant 0 : i32
    %eq3A_324 = arith.cmpi eq, %jit3A_322, %eq3A_323 : i32
    %jit3A_325 = arith.constant 1 : i32
    %select_n3A_326 = arith.select %eq3A_324, %jit3A_325, %jit3A_322 : i32
    %rem3A_327 = arith.remsi %mul3A_297, %select_n3A_326 : i32
    %ne3A_328 = arith.constant 0 : i32
    %ne3A_329 = arith.cmpi ne, %rem3A_327, %ne3A_328 : i32
    %lt3A_330 = arith.constant 0 : i32
    %lt3A_331 = arith.cmpi slt, %rem3A_327, %lt3A_330 : i32
    %lt3A_332 = arith.constant 0 : i32
    %lt3A_333 = arith.cmpi slt, %select_n3A_326, %lt3A_332 : i32
    %ne3A_334 = arith.xori %lt3A_331, %lt3A_333 : i1
    %and3A_335 = arith.andi %ne3A_334, %ne3A_329 : i1
    %add3A_336 = arith.addi %rem3A_327, %select_n3A_326 : i32
    %select_n3A_337 = arith.select %and3A_335, %add3A_336, %rem3A_327 : i32
    %mul3A_338 = arith.constant 8 : i32
    %mul3A_339 = arith.muli %select_n3A_321, %mul3A_338 : i32
    %add3A_340 = arith.constant 0 : i32
    %add3A_341 = arith.addi %mul3A_339, %add3A_340 : i32
    %mul3A_342 = arith.constant 128 : i32
    %mul3A_343 = arith.muli %add3A_341, %mul3A_342 : i32
    %add3A_344 = arith.addi %mul3A_343, %select_n3A_337 : i32
    %mul3A_345 = arith.constant 1024 : i32
    %mul3A_346 = arith.muli %add3A_344, %mul3A_345 : i32
    %mul3A_347 = arith.constant 8 : i32
    %mul3A_348 = arith.muli %select_n3A_321, %mul3A_347 : i32
    %add3A_349 = arith.constant 1 : i32
    %add3A_350 = arith.addi %mul3A_348, %add3A_349 : i32
    %mul3A_351 = arith.constant 128 : i32
    %mul3A_352 = arith.muli %add3A_350, %mul3A_351 : i32
    %add3A_353 = arith.addi %mul3A_352, %select_n3A_337 : i32
    %mul3A_354 = arith.constant 1024 : i32
    %mul3A_355 = arith.muli %add3A_353, %mul3A_354 : i32
    %mul3A_356 = arith.constant 8 : i32
    %mul3A_357 = arith.muli %select_n3A_321, %mul3A_356 : i32
    %add3A_358 = arith.constant 2 : i32
    %add3A_359 = arith.addi %mul3A_357, %add3A_358 : i32
    %mul3A_360 = arith.constant 128 : i32
    %mul3A_361 = arith.muli %add3A_359, %mul3A_360 : i32
    %add3A_362 = arith.addi %mul3A_361, %select_n3A_337 : i32
    %mul3A_363 = arith.constant 1024 : i32
    %mul3A_364 = arith.muli %add3A_362, %mul3A_363 : i32
    %mul3A_365 = arith.constant 8 : i32
    %mul3A_366 = arith.muli %select_n3A_321, %mul3A_365 : i32
    %add3A_367 = arith.constant 3 : i32
    %add3A_368 = arith.addi %mul3A_366, %add3A_367 : i32
    %mul3A_369 = arith.constant 128 : i32
    %mul3A_370 = arith.muli %add3A_368, %mul3A_369 : i32
    %add3A_371 = arith.addi %mul3A_370, %select_n3A_337 : i32
    %mul3A_372 = arith.constant 1024 : i32
    %mul3A_373 = arith.muli %add3A_371, %mul3A_372 : i32
    %mul3A_374 = arith.constant 8 : i32
    %mul3A_375 = arith.muli %select_n3A_321, %mul3A_374 : i32
    %add3A_376 = arith.constant 4 : i32
    %add3A_377 = arith.addi %mul3A_375, %add3A_376 : i32
    %mul3A_378 = arith.constant 128 : i32
    %mul3A_379 = arith.muli %add3A_377, %mul3A_378 : i32
    %add3A_380 = arith.addi %mul3A_379, %select_n3A_337 : i32
    %mul3A_381 = arith.constant 1024 : i32
    %mul3A_382 = arith.muli %add3A_380, %mul3A_381 : i32
    %mul3A_383 = arith.constant 8 : i32
    %mul3A_384 = arith.muli %select_n3A_321, %mul3A_383 : i32
    %add3A_385 = arith.constant 5 : i32
    %add3A_386 = arith.addi %mul3A_384, %add3A_385 : i32
    %mul3A_387 = arith.constant 128 : i32
    %mul3A_388 = arith.muli %add3A_386, %mul3A_387 : i32
    %add3A_389 = arith.addi %mul3A_388, %select_n3A_337 : i32
    %mul3A_390 = arith.constant 1024 : i32
    %mul3A_391 = arith.muli %add3A_389, %mul3A_390 : i32
    %mul3A_392 = arith.constant 8 : i32
    %mul3A_393 = arith.muli %select_n3A_321, %mul3A_392 : i32
    %add3A_394 = arith.constant 6 : i32
    %add3A_395 = arith.addi %mul3A_393, %add3A_394 : i32
    %mul3A_396 = arith.constant 128 : i32
    %mul3A_397 = arith.muli %add3A_395, %mul3A_396 : i32
    %add3A_398 = arith.addi %mul3A_397, %select_n3A_337 : i32
    %mul3A_399 = arith.constant 1024 : i32
    %mul3A_400 = arith.muli %add3A_398, %mul3A_399 : i32
    %mul3A_401 = arith.constant 8 : i32
    %mul3A_402 = arith.muli %select_n3A_321, %mul3A_401 : i32
    %add3A_403 = arith.constant 7 : i32
    %add3A_404 = arith.addi %mul3A_402, %add3A_403 : i32
    %mul3A_405 = arith.constant 128 : i32
    %mul3A_406 = arith.muli %add3A_404, %mul3A_405 : i32
    %add3A_407 = arith.addi %mul3A_406, %select_n3A_337 : i32
    %mul3A_408 = arith.constant 1024 : i32
    %mul3A_409 = arith.muli %add3A_407, %mul3A_408 : i32
    %dma_wait3A_410 = arith.constant 0 : i32
    %dma_wait3A_411 = tpu.memref_slice %arg12[%dma_wait3A_410] : memref<32768xf32, #tpu.memory_space<vmem>> -> memref<4096xf32, #tpu.memory_space<vmem>>
    %dma_wait3A_412 = tpu.memref_slice %arg4[%mul3A_346] : memref<52428800xf32, #tpu.memory_space<hbm>> -> memref<4096xf32, #tpu.memory_space<hbm>>
    %dma_wait3A_413 = tpu.memref_slice %arg4[%mul3A_346] : memref<52428800xf32, #tpu.memory_space<hbm>> -> memref<4096xf32, #tpu.memory_space<hbm>>
    %dma_wait3A_414 = arith.constant 0 : i32
    %dma_wait3A_415 = tpu.memref_slice %arg12[%dma_wait3A_414] : memref<32768xf32, #tpu.memory_space<vmem>> -> memref<4096xf32, #tpu.memory_space<vmem>>
    tpu.wait_dma2 semaphore(%arg20 : memref<!tpu.dma_semaphore, #tpu.memory_space<semaphore_mem>>) src(%dma_wait3A_415 : memref<4096xf32, #tpu.memory_space<vmem>>) dst(%dma_wait3A_413 : memref<4096xf32, #tpu.memory_space<hbm>>)
    %dma_wait3A_416 = arith.constant 4096 : i32
    %dma_wait3A_417 = tpu.memref_slice %arg12[%dma_wait3A_416] : memref<32768xf32, #tpu.memory_space<vmem>> -> memref<4096xf32, #tpu.memory_space<vmem>>
    %dma_wait3A_418 = tpu.memref_slice %arg4[%mul3A_355] : memref<52428800xf32, #tpu.memory_space<hbm>> -> memref<4096xf32, #tpu.memory_space<hbm>>
    %dma_wait3A_419 = tpu.memref_slice %arg4[%mul3A_355] : memref<52428800xf32, #tpu.memory_space<hbm>> -> memref<4096xf32, #tpu.memory_space<hbm>>
    %dma_wait3A_420 = arith.constant 4096 : i32
    %dma_wait3A_421 = tpu.memref_slice %arg12[%dma_wait3A_420] : memref<32768xf32, #tpu.memory_space<vmem>> -> memref<4096xf32, #tpu.memory_space<vmem>>
    tpu.wait_dma2 semaphore(%arg20 : memref<!tpu.dma_semaphore, #tpu.memory_space<semaphore_mem>>) src(%dma_wait3A_421 : memref<4096xf32, #tpu.memory_space<vmem>>) dst(%dma_wait3A_419 : memref<4096xf32, #tpu.memory_space<hbm>>)
    %dma_wait3A_422 = arith.constant 8192 : i32
    %dma_wait3A_423 = tpu.memref_slice %arg12[%dma_wait3A_422] : memref<32768xf32, #tpu.memory_space<vmem>> -> memref<4096xf32, #tpu.memory_space<vmem>>
    %dma_wait3A_424 = tpu.memref_slice %arg4[%mul3A_364] : memref<52428800xf32, #tpu.memory_space<hbm>> -> memref<4096xf32, #tpu.memory_space<hbm>>
    %dma_wait3A_425 = tpu.memref_slice %arg4[%mul3A_364] : memref<52428800xf32, #tpu.memory_space<hbm>> -> memref<4096xf32, #tpu.memory_space<hbm>>
    %dma_wait3A_426 = arith.constant 8192 : i32
    %dma_wait3A_427 = tpu.memref_slice %arg12[%dma_wait3A_426] : memref<32768xf32, #tpu.memory_space<vmem>> -> memref<4096xf32, #tpu.memory_space<vmem>>
    tpu.wait_dma2 semaphore(%arg20 : memref<!tpu.dma_semaphore, #tpu.memory_space<semaphore_mem>>) src(%dma_wait3A_427 : memref<4096xf32, #tpu.memory_space<vmem>>) dst(%dma_wait3A_425 : memref<4096xf32, #tpu.memory_space<hbm>>)
    %dma_wait3A_428 = arith.constant 12288 : i32
    %dma_wait3A_429 = tpu.memref_slice %arg12[%dma_wait3A_428] : memref<32768xf32, #tpu.memory_space<vmem>> -> memref<4096xf32, #tpu.memory_space<vmem>>
    %dma_wait3A_430 = tpu.memref_slice %arg4[%mul3A_373] : memref<52428800xf32, #tpu.memory_space<hbm>> -> memref<4096xf32, #tpu.memory_space<hbm>>
    %dma_wait3A_431 = tpu.memref_slice %arg4[%mul3A_373] : memref<52428800xf32, #tpu.memory_space<hbm>> -> memref<4096xf32, #tpu.memory_space<hbm>>
    %dma_wait3A_432 = arith.constant 12288 : i32
    %dma_wait3A_433 = tpu.memref_slice %arg12[%dma_wait3A_432] : memref<32768xf32, #tpu.memory_space<vmem>> -> memref<4096xf32, #tpu.memory_space<vmem>>
    tpu.wait_dma2 semaphore(%arg20 : memref<!tpu.dma_semaphore, #tpu.memory_space<semaphore_mem>>) src(%dma_wait3A_433 : memref<4096xf32, #tpu.memory_space<vmem>>) dst(%dma_wait3A_431 : memref<4096xf32, #tpu.memory_space<hbm>>)
    %dma_wait3A_434 = arith.constant 16384 : i32
    %dma_wait3A_435 = tpu.memref_slice %arg12[%dma_wait3A_434] : memref<32768xf32, #tpu.memory_space<vmem>> -> memref<4096xf32, #tpu.memory_space<vmem>>
    %dma_wait3A_436 = tpu.memref_slice %arg4[%mul3A_382] : memref<52428800xf32, #tpu.memory_space<hbm>> -> memref<4096xf32, #tpu.memory_space<hbm>>
    %dma_wait3A_437 = tpu.memref_slice %arg4[%mul3A_382] : memref<52428800xf32, #tpu.memory_space<hbm>> -> memref<4096xf32, #tpu.memory_space<hbm>>
    %dma_wait3A_438 = arith.constant 16384 : i32
    %dma_wait3A_439 = tpu.memref_slice %arg12[%dma_wait3A_438] : memref<32768xf32, #tpu.memory_space<vmem>> -> memref<4096xf32, #tpu.memory_space<vmem>>
    tpu.wait_dma2 semaphore(%arg20 : memref<!tpu.dma_semaphore, #tpu.memory_space<semaphore_mem>>) src(%dma_wait3A_439 : memref<4096xf32, #tpu.memory_space<vmem>>) dst(%dma_wait3A_437 : memref<4096xf32, #tpu.memory_space<hbm>>)
    %dma_wait3A_440 = arith.constant 20480 : i32
    %dma_wait3A_441 = tpu.memref_slice %arg12[%dma_wait3A_440] : memref<32768xf32, #tpu.memory_space<vmem>> -> memref<4096xf32, #tpu.memory_space<vmem>>
    %dma_wait3A_442 = tpu.memref_slice %arg4[%mul3A_391] : memref<52428800xf32, #tpu.memory_space<hbm>> -> memref<4096xf32, #tpu.memory_space<hbm>>
    %dma_wait3A_443 = tpu.memref_slice %arg4[%mul3A_391] : memref<52428800xf32, #tpu.memory_space<hbm>> -> memref<4096xf32, #tpu.memory_space<hbm>>
    %dma_wait3A_444 = arith.constant 20480 : i32
    %dma_wait3A_445 = tpu.memref_slice %arg12[%dma_wait3A_444] : memref<32768xf32, #tpu.memory_space<vmem>> -> memref<4096xf32, #tpu.memory_space<vmem>>
    tpu.wait_dma2 semaphore(%arg20 : memref<!tpu.dma_semaphore, #tpu.memory_space<semaphore_mem>>) src(%dma_wait3A_445 : memref<4096xf32, #tpu.memory_space<vmem>>) dst(%dma_wait3A_443 : memref<4096xf32, #tpu.memory_space<hbm>>)
    %dma_wait3A_446 = arith.constant 24576 : i32
    %dma_wait3A_447 = tpu.memref_slice %arg12[%dma_wait3A_446] : memref<32768xf32, #tpu.memory_space<vmem>> -> memref<4096xf32, #tpu.memory_space<vmem>>
    %dma_wait3A_448 = tpu.memref_slice %arg4[%mul3A_400] : memref<52428800xf32, #tpu.memory_space<hbm>> -> memref<4096xf32, #tpu.memory_space<hbm>>
    %dma_wait3A_449 = tpu.memref_slice %arg4[%mul3A_400] : memref<52428800xf32, #tpu.memory_space<hbm>> -> memref<4096xf32, #tpu.memory_space<hbm>>
    %dma_wait3A_450 = arith.constant 24576 : i32
    %dma_wait3A_451 = tpu.memref_slice %arg12[%dma_wait3A_450] : memref<32768xf32, #tpu.memory_space<vmem>> -> memref<4096xf32, #tpu.memory_space<vmem>>
    tpu.wait_dma2 semaphore(%arg20 : memref<!tpu.dma_semaphore, #tpu.memory_space<semaphore_mem>>) src(%dma_wait3A_451 : memref<4096xf32, #tpu.memory_space<vmem>>) dst(%dma_wait3A_449 : memref<4096xf32, #tpu.memory_space<hbm>>)
    %dma_wait3A_452 = arith.constant 28672 : i32
    %dma_wait3A_453 = tpu.memref_slice %arg12[%dma_wait3A_452] : memref<32768xf32, #tpu.memory_space<vmem>> -> memref<4096xf32, #tpu.memory_space<vmem>>
    %dma_wait3A_454 = tpu.memref_slice %arg4[%mul3A_409] : memref<52428800xf32, #tpu.memory_space<hbm>> -> memref<4096xf32, #tpu.memory_space<hbm>>
    %dma_wait3A_455 = tpu.memref_slice %arg4[%mul3A_409] : memref<52428800xf32, #tpu.memory_space<hbm>> -> memref<4096xf32, #tpu.memory_space<hbm>>
    %dma_wait3A_456 = arith.constant 28672 : i32
    %dma_wait3A_457 = tpu.memref_slice %arg12[%dma_wait3A_456] : memref<32768xf32, #tpu.memory_space<vmem>> -> memref<4096xf32, #tpu.memory_space<vmem>>
    tpu.wait_dma2 semaphore(%arg20 : memref<!tpu.dma_semaphore, #tpu.memory_space<semaphore_mem>>) src(%dma_wait3A_457 : memref<4096xf32, #tpu.memory_space<vmem>>) dst(%dma_wait3A_455 : memref<4096xf32, #tpu.memory_space<hbm>>)
    return
  }
}

</mosaic_0001>

<sc_bundles>
// kernel: kernel.3.cloned.1.call-start
scs
__scs_entry_jumppad:
0x0: {  	(pc) =	sbr.rel $0x88, $3  }
0x1: {  	(tag) =	ssettag $0x0;
	lr =	simm.s32 $0x1  }
0x2: {  	[smem:$0x3F9F] =	sst lr;
	_ =	strace $0xD0000000  }
0x3: {  	_ = 	snop  }
0x4: {  	_ = 	snop  }
0x5: {  	_ = 	snop  }
0x6: {  	_ = 	snop  }
0x7: {  	_ = 	snop  }
__scs_overlays_trampoline_lowered:
0x8: {  	[smem:$0x3FAE] =	sst s0  }
0x9: {  	[smem:$0x3FAF] =	sst s1  }
0xa: {  	[smem:$0x3FB0] =	sst s2  }
0xb: {  	[smem:$0x3FB1] =	sst s3  }
0xc: {  	[smem:$0x3FB2] =	sst s4  }
0xd: {  	[smem:$0x3FB3] =	sst s5  }
0xe: {  	[smem:$0x3FB4] =	sst s6  }
0xf: {  	[smem:$0x3FB5] =	sst s7  }
0x10: {  	[smem:$0x3FB6] =	sst s8  }
0x11: {  	[smem:$0x3FB7] =	sst s9;
	s0 =	simm.s32 @!p0 $0x0  }
0x12: {  	s1 =	sld [smem:$0x3F9D];
	s0 =	simm.s32 @p0 $0x1  }
0x13: {  	[smem:$0x3FB8] =	sst s0;
	s0 =	simm.s32 @!p1 $0x0  }
0x14: {  	s2 =	sld [smem:$0x3F9C];
	s0 =	simm.s32 @p1 $0x1  }
0x15: {  	[smem:$0x3FB9] =	sst s0;
	s0 =	simm.s32 @!p2 $0x0  }
0x16: {  	s3 =	sld [smem:$0x3FDB];
	s0 =	simm.s32 @p2 $0x1  }
0x17: {  	s4 =	simm.s32 $0x1BF5;
	[smem:$0x3FBB] =	sst s0  }
0x18: {  	s0 =	sld [smem:$0x3F9E];
	_ =	swait.ge [sflag:s4], $0x0  }
0x19: {  	s7 =	sld [smem:$0x3F9F]  }
0x1a: {  	s8 =	sadd.s32 $0xFFFFE003, lr  }
0x1b: {  	s9 =	sadd.s32 $0xFFFFFEF7, lr;
	s5 =	simm.s32 $0xFFFFFFFF;
	p2 =	slt.u32 s8, $0xFFFFF086  }
0x1c: {  	p1 =	slt.u32 s9, $0xF7A;
	s5 =	simm.s32 @!p2 $0x0  }
0x1d: {  	s5 =	simm.s32 @p1 $0x1;
	p0 =	seq.s32 s7, s2  }
0x1e: {  	s7 =	smul.u32 @!p0 $0xF7A, s2;
	p2 =	seq.s32 @!p0 s5, $0x0  }
0x1f: {  	s9 =	smul.u32 $0xF7A, s1;
	s8 =	simm.s32 @!p0 $0x1BF5;
	p2 =	por !p2, p0  }
0x20: {  	[sflag:s8] =	ssyncset.s32 @!p0 $0xFFFFF086;
	s6 =	sadd.s32 @!p0 s3, s7;
	s7 =	simm.s32 @!p0 $0x108  }
0x21: {  	s3 =	sadd.s32 s3, s9;
	s6 =	sadd.s32 @!p0 $0x88, s6;
	s7 =	simm.s32 @p2 $0x1082  }
0x22: {  	[simem:s7], [sflag:s8] =	dma.local @!p0 [hbm:s6], $0xF7A  }
0x23: {  	s9 =	sor.u32 $0xD0000000, s2;
	s6 =	simm.s32 $0x108;
	_ =	swait.ge @!p0 [sflag:s8], $0x0  }
0x24: {  	s3 =	sadd.s32 $0x88, s3;
	s6 =	simm.s32 @!p1 $0x1082;
	[sflag:s4] =	ssyncset.s32 $0xFFFFF086  }
0x25: {  	[simem:s6], [sflag:s4] =	dma.local [hbm:s3], $0xF7A  }
0x26: {  	[smem:$0x3F9F] =	sst s1;
	(tag) =	ssettag s2;
	_ =	strace s9  }
0x27: {  	s1 =	sld [smem:$0x3FAF]  }
0x28: {  	s2 =	sld [smem:$0x3FB0]  }
0x29: {  	s4 =	sld [smem:$0x3FB2]  }
0x2a: {  	p0 =	seq.s32 s5, $0x0;
	s5 =	sld [smem:$0x3FB3]  }
0x2b: {  	s6 =	sld [smem:$0x3FB4]  }
0x2c: {  	s7 =	sld [smem:$0x3FB5]  }
0x2d: {  	s3 =	simm.s32 $0x108;
	s8 =	sld [smem:$0x3FB6]  }
0x2e: {  	s3 =	simm.s32 @!p0 $0x1082;
	s9 =	sld [smem:$0x3FB7]  }
0x2f: {  	lr =	sadd.s32 s0, s3;
	s0 =	sld [smem:$0x3FAE]  }
0x30: {  	s3 =	sld [smem:$0x3FB1]  }
0x31: {  	[smem:$0x3FBA] =	sst s10  }
0x32: {  	s10 =	sld [smem:$0x3FB8];
	_ =	sdelay $0x3  }
0x33: {  	p0 =	seq.s32 s10, $0x1;
	s10 =	sld [smem:$0x3FBA];
	_ =	sdelay $0x3  }
0x34: {  	[smem:$0x3FBA] =	sst s10  }
0x35: {  	s10 =	sld [smem:$0x3FB9];
	_ =	sdelay $0x3  }
0x36: {  	p1 =	seq.s32 s10, $0x1;
	s10 =	sld [smem:$0x3FBA];
	_ =	sdelay $0x3  }
0x37: {  	[smem:$0x3FBA] =	sst s10  }
0x38: {  	s10 =	sld [smem:$0x3FBB]  }
0x39: {  	_ = 	snop;
	(pc) =	sbr.ind lr, $3  }
0x3a: {  	_ = 	snop  }
0x3b: {  	_ = 	snop  }
0x3c: {  	p2 =	seq.s32 s10, $0x1;
	s10 =	sld [smem:$0x3FBA]  }
0x3d: {  	_ =	shalt  }
0x3e: {  	_ =	shalt  }
0x3f: {  	_ =	shalt  }
0x40: {  	_ =	shalt  }
0x41: {  	_ =	shalt  }
0x42: {  	_ =	shalt  }
0x43: {  	_ =	shalt  }
0x44: {  	_ =	shalt  }
0x45: {  	_ =	shalt  }
0x46: {  	_ =	shalt  }
0x47: {  	_ =	shalt  }
0x48: {  	_ =	shalt  }
0x49: {  	_ =	shalt  }
0x4a: {  	_ =	shalt  }
0x4b: {  	_ =	shalt  }
0x4c: {  	_ =	shalt  }
0x4d: {  	_ =	shalt  }
0x4e: {  	_ =	shalt  }
0x4f: {  	_ =	shalt  }
0x50: {  	_ =	shalt  }
0x51: {  	_ =	shalt  }
0x52: {  	_ =	shalt  }
0x53: {  	_ =	shalt  }
0x54: {  	_ =	shalt  }
0x55: {  	_ =	shalt  }
0x56: {  	_ =	shalt  }
0x57: {  	_ =	shalt  }
0x58: {  	_ =	shalt  }
0x59: {  	_ =	shalt  }
0x5a: {  	_ =	shalt  }
0x5b: {  	_ =	shalt  }
0x5c: {  	_ =	shalt  }
0x5d: {  	_ =	shalt  }
0x5e: {  	_ =	shalt  }
0x5f: {  	_ =	shalt  }
0x60: {  	_ =	shalt  }
0x61: {  	_ =	shalt  }
0x62: {  	_ =	shalt  }
0x63: {  	_ =	shalt  }
0x64: {  	_ =	shalt  }
0x65: {  	_ =	shalt  }
0x66: {  	_ =	shalt  }
0x67: {  	_ =	shalt  }
0x68: {  	_ =	shalt  }
0x69: {  	_ =	shalt  }
0x6a: {  	_ =	shalt  }
0x6b: {  	_ =	shalt  }
0x6c: {  	_ =	shalt  }
0x6d: {  	_ =	shalt  }
0x6e: {  	_ =	shalt  }
0x6f: {  	_ =	shalt  }
0x70: {  	_ =	shalt  }
0x71: {  	_ =	shalt  }
0x72: {  	_ =	shalt  }
0x73: {  	_ =	shalt  }
0x74: {  	_ =	shalt  }
0x75: {  	_ =	shalt  }
0x76: {  	_ =	shalt  }
0x77: {  	_ =	shalt  }
0x78: {  	_ =	shalt  }
0x79: {  	_ =	shalt  }
0x7a: {  	_ =	shalt  }
0x7b: {  	_ =	shalt  }
0x7c: {  	_ =	shalt  }
0x7d: {  	_ =	shalt  }
0x7e: {  	_ =	shalt  }
0x7f: {  	_ =	shalt  }
0x80: {  	_ =	shalt  }
0x81: {  	_ =	shalt  }
0x82: {  	_ =	shalt  }
0x83: {  	_ =	shalt  }
0x84: {  	_ =	shalt  }
0x85: {  	_ =	shalt  }
0x86: {  	_ =	shalt  }
0x87: {  	_ =	shalt  }
.Lfunc_end0:
.L_simem_size_0:
called_computation_lowered:
.L_overlay_start_0:
0x88: {  	s2 =	sld [smem:$0x3FD9]  }
0x89: {  	s3 =	sld [smem:$0x3FFE];
	_ =	sdelay $0x1  }
0x8a: {  	s1 =	srdreg.scid  }
0x8b: {  	s0 =	sand.u32 $0x1, s1  }
0x8c: {  	s17 =	sshll.u32 s0, $0xA;
	s2 =	sadd.s32 s3, s2  }
0x8d: {  	s2 =	sadd.s32 s2, s17  }
0x8e: {  	[smem:$0x3FC6] =	sst s2  }
0x8f: {  	_ = 	snop  }
0x90: {  	s2 =	sld [smem:$0x3FD0];
	(tm) =	ssettm $0x1  }
0x91: {  	s18 =	sld [smem:$0x3FFB];
	_ =	sdelay $0x3  }
0x92: {  	_ =	strace s18  }
0x93: {  	s3 =	sld [smem:$0x3FFC];
	_ =	sdelay $0x3  }
0x94: {  	_ =	strace s3  }
0x95: {  	s3 =	sld [smem:$0x3FFD];
	_ =	sdelay $0x3  }
0x96: {  	_ =	strace s3  }
0x97: {  	_ =	strace $0x8FFFFFFF  }
0x98: {  	s19 =	sld [smem:$0x3FDB];
	_ =	sdelay $0x1  }
0x99: {  	s4 =	simm.s32 $_scs_section_size  }
0x9a: {  	s5 =	simm.s32 $_size__tile_overlayer_lowered;
	s6 =	simm.s32 $_tile_overlayer_lowered  }
0x9b: {  	s22 =	simm.s32 $0x1BFF;
	s21 =	sshll.u32 s6, $0x1;
	s3 =	sadd.s32 s4, s19  }
0x9c: {  	s7 =	simm.s32 $0x0;
	s20 =	sshll.u32 s5, $0x1;
	s5 =	sadd.s32 s21, s3  }
0x9d: {  	[timem:s7], [sflag:s22] =	dma.local [hbm:s5], s20  }
0x9e: {  	_ =	swait.ge [sflag:s22], s20  }
0x9f: {  	s4 =	ssub.s32 $0x0, s20;
	[sflag:s22] =	ssyncset.done $0x0  }
0xa0: {  	[sflag:s22] =	ssyncadd.s32 s4;
	_ =	sdelay $0x1  }
0xa1: {  	s23 =	simm.s32 $0x1B8B  }
0xa2: {  	_ =	swait.ge [sflag:s23], $0x1  }
0xa3: {  	[sflag:s23] =	ssyncset.done $0x0  }
0xa4: {  	s25 =	simm.s32 $0x1B8E;
	s24 =	sld [smem:$0x3FFE];
	[sflag:s23] =	ssyncadd.s32 $0xFFFFFFFF  }
0xa5: {  	s26 =	simm.s32 $execute0_lowered;
	[smem:$0x3FD2] =	sst s25  }
0xa6: {  	s5 =	sshll.u32 s26, $0x1;
	_ =	strace $0x80000046;
	[dreg:$0x1] =	wrdreg $0xFFFFFFFF  }
0xa7: {  	s28 =	simm.s32 $_size_execute0_lowered;
	s3 =	sadd.s32 s3, s5;
	[dreg:$0x0] =	wrdreg $0x0  }
0xa8: {  	s5 =	sshll.u32 s28, $0x1;
	[dreg:$0x2] =	wrdreg s3  }
0xa9: {  	[dreg:$0x3] =	wrdreg s5  }
0xaa: {  	[dreg:$0x4] =	wrdreg $0xC0  }
0xab: {  	_ =	task [dreg:s7], $0x5FFFF  }
0xac: {  	[dreg:$0x1] =	wrdreg $0xFFFFFFFF  }
0xad: {  	[dreg:$0x0] =	wrdreg $0x60  }
0xae: {  	[dreg:$0x2] =	wrdreg s24  }
0xaf: {  	[dreg:$0x3] =	wrdreg s2  }
0xb0: {  	[dreg:$0x4] =	wrdreg $0x9  }
0xb1: {  	_ =	task.clear_ibuf [dreg:s7], $0x5FFFF;
	_ =	strace $0x90000046  }
0xb2: {  	s29 =	simm.s32 $0x9;
	_ =	strace $0x80000048  }
0xb3: {  	_ =	swait.ge [sflag:s29], $0x1  }
0xb4: {  	[sflag:s29] =	ssyncadd.s32 $0xFFFFFFFF  }
0xb5: {  	_ =	strace $0x90000048  }
0xb6: {  	_ =	sfence  }
0xb7: {  	s30 =	sld [smem:$0x0];
	_ =	sdelay $0x2  }
0xb8: {  	s31 =	sshll.u32 s1, $0xD;
	s1 =	sshrl.u32 s1, $0x2  }
0xb9: {  	s3 =	sand.u32 $0x4000, s31;
	s1 =	sadd.s32 s1, s30  }
0xba: {  	s0 =	sor.u32 s3, s0;
	s1 =	sshll.u32 s1, $0x11  }
0xbb: {  	s0 =	sor.u32 s1, s0  }
0xbc: {  	s0 =	sadd.s32 $0x8F2B, s0  }
0xbd: {  	[sflag:s0] =	ssyncadd.remote.s32 $0x1  }
0xbe: {  	_ =	sfence.sel $0xFFFF  }
0xbf: {  	[dreg:$0x0] =	wrdreg $0xFFFFFFFF;
	(pc) =	sbr.abs _section_cstart, $3  }
0xc0: {  	[dreg:$0x1] =	wrdreg $0xFFFFFFFF  }
0xc1: {  	_ =	task.clear_ibuf [dreg:s7], $0x2FFFF;
	_ =	strace $0x9FFFFFFF  }
0xc2: {  	(tm) =	ssettm $0x7FFFFFFF  }
0xc3: {  	_ =	shalt  }
tec
execute0_lowered:
.L_overlay_start_1:
0x0: {  	(tag) =	ssettag $0x1  }
0x1: {  	s0 =	srdreg.scid  }
0x2: {  	s1 =	stileid.u32;
	s2 =	rddreg [dreg:$0x0]  }
0x3: {  	s9 =	rddreg [dreg:$0x1];
	s3 =	simm.s32 $0x0;
	s20 =	simm.s32 $0x80  }
0x4: {  	s21 =	simm.s32 $0x400;
	s22 =	simm.s32 $0x2400;
	s24 =	simm.s32 $0x4400  }
0x5: {  	s30 =	simm.s32 $0x3;
	s31 =	simm.s32 $0x8400;
	s23 =	simm.s32 $0x5  }
0x6: {  	s8 =	simm.s32 $0x6;
	s18 =	simm.s32 $0x10400;
	s0 =	sand.u32 $0x1, s0  }
0x7: {  	s1 =	sshll.u32 s1, $0x1;
	[smem:$0x7FF] =	sst s3;
	s7 =	sadd.s32 $0x600, s2  }
0x8: {  	s26 =	sadd.s32 $0x4000, s9;
	s28 =	sadd.s32 $0x8000, s9;
	s11 =	sadd.s32 $0xC000, s9  }
0x9: {  	s12 =	sadd.s32 $0x10000, s9;
	s13 =	sadd.s32 $0x14000, s9;
	s14 =	sadd.s32 $0x18000, s9  }
0xa: {  	s1 =	sor.u32 s0, s1;
	_ =	strace $0x80000047;
	[dreg:$0x3] =	wrdreg s7  }
0xb: {  	s15 =	sadd.s32 $0x1C000, s9;
	[dreg:$0x6] =	wrdreg s26;
	s4 =	smul.u32 $0x6400, s1  }
0xc: {  	s0 =	ssub.s32 $0x2, s0;
	[dreg:$0x7] =	wrdreg s28;
	s5 =	smul.u32 $0x2400, s1  }
0xd: {  	s26 =	simm.s32 $0x6400;
	s6 =	sshrl.u32 s0, $0x1;
	s1 =	smul.u32 $0x32, s1  }
0xe: {  	s0 =	ssub.s32 s0, s6;
	s4 =	sand.u32 $0xFC000, s4;
	s5 =	sand.u32 $0x3C00, s5  }
0xf: {  	s29 =	sadd.s32 $0x2, s1;
	s10 =	smov.u32 s1;
	s1 =	sadd.s32 $0x3, s1  }
.Ltmp0:
0x10: {  	s4 =	sor.u32 s5, s4;
	[dreg:$0x8] =	wrdreg s29;
	(pc) =	sbr.rel .LBB2_1-.Ltmp0, $4  }
0x11: {  	s0 =	smax.u32 s0, $0x1;
	[dreg:$0x9] =	wrdreg s1;
	s4 =	sshrl.u32 s4, $0x3  }
0x12: {  	v0 =	vlaneseq.u32;
	s5 =	sadd.s32 $0xF42A00, s2;
	[dreg:$0xa] =	wrdreg s0;
	s25 =	sadd.s32 s7, s4  }
0x13: {  	v2 =	vshrl.u32 v0, $0x3;
	s1 =	simm.s32 $0x4;
	[dreg:$0x4] =	wrdreg s25;
	s2 =	sadd.s32 $0x40, s25  }
0x14: {  	v1 =	vmul.u32 $0x40, v0;
	v3 =	vand.u32 $0x7, v0;
	v2 =	vmul.u32 $0x8, v2;
	s7 =	simm.s32 $0x200;
	s4 =	simm.s32 $0x0;
	[dreg:$0x5] =	wrdreg s2  }
.LBB2_20:
0x15: {  	s0 =	simm.s32 $0x7  }
0x16: {  	_ =	swait.ge [sflag:s0], $0x1000  }
0x17: {  	[sflag:s0] =	ssyncset.done $0x0  }
0x18: {  	[sflag:s0] =	ssyncadd.s32 $0xFFFFF000  }
0x19: {  	_ =	swait.ge [sflag:s0], $0x1000  }
0x1a: {  	[sflag:s0] =	ssyncset.done $0x0  }
0x1b: {  	[sflag:s0] =	ssyncadd.s32 $0xFFFFF000  }
0x1c: {  	_ =	swait.ge [sflag:s0], $0x1000  }
0x1d: {  	[sflag:s0] =	ssyncset.done $0x0  }
0x1e: {  	[sflag:s0] =	ssyncadd.s32 $0xFFFFF000  }
0x1f: {  	_ =	swait.ge [sflag:s0], $0x1000  }
0x20: {  	[sflag:s0] =	ssyncset.done $0x0  }
0x21: {  	[sflag:s0] =	ssyncadd.s32 $0xFFFFF000  }
0x22: {  	_ =	swait.ge [sflag:s0], $0x1000  }
0x23: {  	[sflag:s0] =	ssyncset.done $0x0  }
0x24: {  	[sflag:s0] =	ssyncadd.s32 $0xFFFFF000  }
0x25: {  	_ =	swait.ge [sflag:s0], $0x1000  }
0x26: {  	[sflag:s0] =	ssyncset.done $0x0  }
0x27: {  	[sflag:s0] =	ssyncadd.s32 $0xFFFFF000  }
0x28: {  	_ =	swait.ge [sflag:s0], $0x1000  }
0x29: {  	[sflag:s0] =	ssyncset.done $0x0  }
0x2a: {  	[sflag:s0] =	ssyncadd.s32 $0xFFFFF000  }
0x2b: {  	_ =	swait.ge [sflag:s0], $0x1000  }
0x2c: {  	[sflag:s0] =	ssyncset.done $0x0  }
0x2d: {  	s2 =	simm.s32 $0x8;
	[sflag:s0] =	ssyncadd.s32 $0xFFFFF000  }
0x2e: {  	_ =	swait.ge [sflag:s2], $0x1000  }
0x2f: {  	[sflag:s2] =	ssyncset.done $0x0  }
0x30: {  	[sflag:s2] =	ssyncadd.s32 $0xFFFFF000  }
0x31: {  	_ =	swait.ge [sflag:s2], $0x1000  }
0x32: {  	[sflag:s2] =	ssyncset.done $0x0  }
0x33: {  	[sflag:s2] =	ssyncadd.s32 $0xFFFFF000  }
0x34: {  	_ =	swait.ge [sflag:s2], $0x1000  }
0x35: {  	[sflag:s2] =	ssyncset.done $0x0  }
0x36: {  	[sflag:s2] =	ssyncadd.s32 $0xFFFFF000  }
0x37: {  	_ =	swait.ge [sflag:s2], $0x1000  }
0x38: {  	[sflag:s2] =	ssyncset.done $0x0  }
0x39: {  	[sflag:s2] =	ssyncadd.s32 $0xFFFFF000  }
0x3a: {  	_ =	swait.ge [sflag:s2], $0x1000  }
0x3b: {  	[sflag:s2] =	ssyncset.done $0x0  }
0x3c: {  	[sflag:s2] =	ssyncadd.s32 $0xFFFFF000  }
0x3d: {  	_ =	swait.ge [sflag:s2], $0x1000  }
0x3e: {  	[sflag:s2] =	ssyncset.done $0x0  }
0x3f: {  	[sflag:s2] =	ssyncadd.s32 $0xFFFFF000  }
0x40: {  	_ =	swait.ge [sflag:s2], $0x1000  }
0x41: {  	[sflag:s2] =	ssyncset.done $0x0  }
0x42: {  	[sflag:s2] =	ssyncadd.s32 $0xFFFFF000  }
0x43: {  	_ =	swait.ge [sflag:s2], $0x1000  }
0x44: {  	s4 =	rddreg [dreg:$0xb]  }
0x45: {  	s29 =	rddreg [dreg:$0xa];
	s4 =	sadd.s32 $0x1, s4  }
0x46: {  	p0 =	sne.s32 s4, s29  }
.Ltmp1:
0x47: {  	_ = 	snop;
	(pc) =	sbr.rel @!p0 .LBB2_21-.Ltmp1, $3  }
0x48: {  	_ =	sdelay $0x1  }
0x49: {  	[sflag:s2] =	ssyncset.done $0x0  }
0x4a: {  	s7 =	simm.s32 $0x200;
	[sflag:s2] =	ssyncadd.s32 $0xFFFFF000  }
.LBB2_1:
0x4b: {  	[dreg:$0xb] =	wrdreg s4  }
0x4c: {  	s0 =	rddreg [dreg:$0x4];
	s19 =	simm.s32 $0x1  }
0x4d: {  	[tilespmem:s3], [sflag:$0x1] =	stream.linear.gather [hbm4b:s0+s3], $0x200, $0x38;
	[tilespmem:$0x18400] =	vst v63  }
0x4e: {  	_ =	swait.ge [sflag:s19], $0x200  }
0x4f: {  	[sflag:s19] =	ssyncset.done $0x0  }
0x50: {  	[sflag:s19] =	ssyncadd.s32 $0xFFFFFE00  }
0x51: {  	[tilespmem:s21], [sflag:$0x3] =	stream.indirect.gather [hbm4b:s5+s20], $0x40, s3, s20, $0xb8;
	[tilespmem:$0x18400] =	vst v63  }
0x52: {  	_ = 	snop  }
0x53: {  	[tilespmem:s22], [sflag:$0x4] =	stream.indirect.gather [hbm4b:s5+s20], $0x40, s20, s20, $0xb8;
	[tilespmem:$0x18400] =	vst v63  }
0x54: {  	s25 =	simm.s32 $0x100  }
0x55: {  	[tilespmem:s24], [sflag:$0x5] =	stream.indirect.gather [hbm4b:s5+s20], $0x40, s25, s20, $0xb8;
	[tilespmem:$0x18400] =	vst v63  }
0x56: {  	s28 =	simm.s32 $0x180  }
0x57: {  	[tilespmem:s26], [sflag:$0x6] =	stream.indirect.gather [hbm4b:s5+s20], $0x40, s28, s20, $0xb8;
	[tilespmem:$0x18400] =	vst v63  }
0x58: {  	s0 =	simm.s32 $0x0;
	s29 =	rddreg [dreg:$0x5]  }
0x59: {  	[tilespmem:s7], [sflag:$0x2] =	stream.linear.gather [hbm4b:s29+s3], $0x200, $0x38;
	[tilespmem:$0x18400] =	vst v63  }
.LBB2_2:
0x5a: {  	p0 =	seq.s32 s0, $0x0  }
0x5b: {  	s4 =	simm.s32 @!p0 $0x7  }
0x5c: {  	_ =	swait.ge @!p0 [sflag:s4], $0x1000  }
0x5d: {  	[sflag:s4] =	ssyncset.done @!p0 $0x0  }
0x5e: {  	[sflag:s4] =	ssyncadd.s32 @!p0 $0xFFFFF000  }
0x5f: {  	_ =	swait.ge @!p0 [sflag:s4], $0x1000  }
0x60: {  	[sflag:s4] =	ssyncset.done @!p0 $0x0  }
0x61: {  	[sflag:s4] =	ssyncadd.s32 @!p0 $0xFFFFF000  }
0x62: {  	_ =	swait.ge @!p0 [sflag:s4], $0x1000  }
0x63: {  	[sflag:s4] =	ssyncset.done @!p0 $0x0  }
0x64: {  	[sflag:s4] =	ssyncadd.s32 @!p0 $0xFFFFF000  }
0x65: {  	_ =	swait.ge @!p0 [sflag:s4], $0x1000  }
0x66: {  	[sflag:s4] =	ssyncset.done @!p0 $0x0  }
0x67: {  	[sflag:s4] =	ssyncadd.s32 @!p0 $0xFFFFF000  }
0x68: {  	_ =	swait.ge @!p0 [sflag:s4], $0x1000  }
0x69: {  	[sflag:s4] =	ssyncset.done @!p0 $0x0  }
0x6a: {  	[sflag:s4] =	ssyncadd.s32 @!p0 $0xFFFFF000  }
0x6b: {  	_ =	swait.ge @!p0 [sflag:s4], $0x1000  }
0x6c: {  	s6 =	simm.s32 $0x0;
	[sflag:s4] =	ssyncset.done @!p0 $0x0  }
0x6d: {  	s2 =	sand.u32 $0x70, s6;
	s6 =	sand.u32 $0xE, s6;
	[sflag:s4] =	ssyncadd.s32 @!p0 $0xFFFFF000  }
0x6e: {  	v4 =	vmov s2;
	v5 =	vadd.s32 s6, v0;
	s6 =	sor.u32 $0x1, s6;
	_ =	swait.ge @!p0 [sflag:s4], $0x1000  }
0x6f: {  	v4 =	vshll.u32 v4, $0x6;
	v6 =	vand.u32 $0xF, v5;
	v7 =	vadd.s32 s6, v0;
	[sflag:s4] =	ssyncset.done @!p0 $0x0  }
0x70: {  	v8 =	vshll.u32 v5, $0x9;
	v10 =	vshll.u32 v5, $0x7;
	v4 =	vor.u32 v1, v4;
	[sflag:s4] =	ssyncadd.s32 @!p0 $0xFFFFF000  }
0x71: {  	v9 =	vand.u32 $0xF, v7;
	v8 =	vand.u32 $0x1000, v8;
	v10 =	vand.u32 $0x380, v10;
	_ =	swait.ge @!p0 [sflag:s4], $0x1000  }
0x72: {  	v13 =	vshll.u32 v7, $0x9;
	v11 =	vor.u32 v6, v4;
	v12 =	vor.u32 v4, v9;
	[sflag:s4] =	ssyncset.done @!p0 $0x0  }
0x73: {  	s17 =	simm.s32 $0x2;
	v8 =	vor.u32 v8, v10;
	v10 =	vshll.u32 v7, $0x7;
	v13 =	vand.u32 $0x1000, v13;
	[sflag:s4] =	ssyncadd.s32 @!p0 $0xFFFFF000  }
0x74: {  	v14 =	vor.u32 $0x10, v4;
	v8 =	vor.u32 v3, v8;
	v10 =	vand.u32 $0x380, v10;
	_ =	swait.ge [sflag:s17], $0x200  }
0x75: {  	v15 =	vor.u32 v2, v8;
	v8 =	vor.u32 v13, v10;
	v10 =	vor.u32 v5, v14;
	[sflag:s17] =	ssyncset.done $0x0  }
0x76: {  	v14 =	vor.u32 v7, v14;
	v13 =	vor.u32 s2, v15;
	v16 =	vor.u32 v0, v8;
	[sflag:s17] =	ssyncadd.s32 $0xFFFFFE00  }
0x77: {  	s25 =	simm.s32 $0x2;
	v8 =	vor.u32 $0x20, v4;
	v4 =	vor.u32 $0x30, v4;
	v17 =	vor.u32 s2, v16;
	_ =	swait.ge [sflag:s30], $0x2000  }
0x78: {  	s19 =	sor.u32 $0x2000, s2;
	s6 =	sand.u32 $0xE, s25;
	v18 =	vor.u32 v6, v8;
	v19 =	vor.u32 v5, v4;
	v20 =	vor.u32 v9, v8;
	[sflag:s30] =	ssyncset.done $0x0  }
0x79: {  	v21 =	vor.u32 v7, v4;
	v22 =	vor.u32 s19, v16;
	v7 =	vadd.s32 s6, v0;
	s17 =	sand.u32 $0x70, s25;
	[sflag:s30] =	ssyncadd.s32 $0xFFFFE000  }
0x7a: {  	v9 =	vor.u32 s19, v15;
	v24 =	vshll.u32 v7, $0x7;
	v5 =	vmov s17;
	v4 =	vld.idx.msk [tilespmem:v11+s21+$0x0], $0xffff  }
0x7b: {  	s6 =	sor.u32 $0x1, s6;
	v8 =	vand.u32 $0xF, v7;
	v24 =	vand.u32 $0x380, v24;
	v5 =	vshll.u32 v5, $0x6;
	v6 =	vld.idx.msk [tilespmem:v12+s21+$0x0], $0xffff  }
0x7c: {  	s16 =	sor.u32 $0x4000, s2;
	v5 =	vor.u32 v1, v5;
	v11 =	vadd.s32 s6, v0;
	v12 =	vshll.u32 v7, $0x9;
	s6 =	sor.u32 $0x6000, s2;
	s2 =	simm.s32 $0x4  }
0x7d: {  	v25 =	vor.u32 v8, v5;
	v23 =	vand.u32 $0xF, v11;
	v12 =	vand.u32 $0x1000, v12;
	s25 =	sand.u32 $0xE, s2  }
0x7e: {  	v27 =	vshll.u32 v11, $0x9;
	v26 =	vor.u32 v5, v23;
	v31 =	vadd.s32 s25, v0  }
0x7f: {  	v32 =	vand.u32 $0xF, v31;
	[tilespmem:v13+s31+$0x0] =	vst.idx.msk $0xffff, v4;
	v4 =	vor.u32 v12, v24;
	v12 =	vand.u32 $0x1000, v27  }
0x80: {  	v13 =	vshll.u32 v11, $0x7;
	[tilespmem:v17+s31+$0x0] =	vst.idx.msk $0xffff, v6;
	v17 =	vor.u32 $0x20, v5;
	v4 =	vor.u32 v3, v4  }
0x81: {  	v24 =	vld.idx.msk [tilespmem:v10+s21+$0x0], $0xffff;
	v10 =	vor.u32 $0x10, v5;
	v6 =	vand.u32 $0x380, v13;
	v5 =	vor.u32 $0x30, v5  }
0x82: {  	v13 =	vld.idx.msk [tilespmem:v14+s21+$0x0], $0xffff;
	v29 =	vor.u32 v23, v17;
	v4 =	vor.u32 v2, v4;
	v6 =	vor.u32 v12, v6  }
0x83: {  	v25 =	vld.idx.msk [tilespmem:v25+s21+$0x0], $0xffff;
	v14 =	vor.u32 v7, v10;
	v12 =	vor.u32 s17, v4;
	v6 =	vor.u32 v0, v6  }
0x84: {  	v28 =	vor.u32 v11, v10;
	v10 =	vor.u32 v8, v17;
	v17 =	vld.idx.msk [tilespmem:v26+s21+$0x0], $0xffff;
	v27 =	vor.u32 s17, v6  }
0x85: {  	s19 =	sor.u32 $0x2000, s17;
	v8 =	vor.u32 v7, v5;
	v7 =	vor.u32 v11, v5;
	v5 =	vor.u32 s6, v16  }
0x86: {  	v23 =	vor.u32 s19, v4;
	v30 =	vor.u32 s19, v6;
	[tilespmem:v9+s31+$0x0] =	vst.idx.msk $0xffff, v24;
	v9 =	vor.u32 s6, v15;
	s6 =	sand.u32 $0x70, s2  }
0x87: {  	s4 =	sor.u32 $0x1, s25;
	[tilespmem:v22+s31+$0x0] =	vst.idx.msk $0xffff, v13;
	v13 =	vor.u32 s16, v15;
	v15 =	vor.u32 s16, v16;
	v16 =	vld.idx.msk [tilespmem:v18+s21+$0x0], $0xffff;
	v11 =	vmov s6  }
0x88: {  	v18 =	vld.idx.msk [tilespmem:v20+s21+$0x0], $0xffff;
	v20 =	vshll.u32 v11, $0x6;
	v11 =	vadd.s32 s4, v0;
	[tilespmem:v12+s31+$0x0] =	vst.idx.msk $0xffff, v25;
	v12 =	vshll.u32 v31, $0x9  }
0x89: {  	v24 =	vor.u32 v1, v20;
	v33 =	vand.u32 $0xF, v11;
	[tilespmem:v27+s31+$0x0] =	vst.idx.msk $0xffff, v17;
	v17 =	vshll.u32 v31, $0x7  }
0x8a: {  	v14 =	vld.idx.msk [tilespmem:v14+s21+$0x0], $0xffff;
	v12 =	vand.u32 $0x1000, v12;
	v22 =	vshll.u32 v11, $0x9;
	v20 =	vor.u32 v32, v24  }
0x8b: {  	v25 =	vor.u32 v24, v33;
	v27 =	vld.idx.msk [tilespmem:v28+s21+$0x0], $0xffff;
	v17 =	vand.u32 $0x380, v17;
	v22 =	vand.u32 $0x1000, v22  }
0x8c: {  	v63 =	vor.u32 $0x20, v24;
	v12 =	vor.u32 v12, v17;
	[tilespmem:v13+s31+$0x0] =	vst.idx.msk $0xffff, v16;
	v13 =	vshll.u32 v11, $0x7  }
0x8d: {  	[tilespmem:v15+s31+$0x0] =	vst.idx.msk $0xffff, v18;
	v12 =	vor.u32 v3, v12;
	v17 =	vld.idx.msk [tilespmem:v19+s21+$0x0], $0xffff;
	v19 =	vor.u32 $0x10, v24;
	v15 =	vand.u32 $0x380, v13  }
0x8e: {  	v13 =	vld.idx.msk [tilespmem:v21+s21+$0x0], $0xffff;
	v16 =	vor.u32 v2, v12;
	v18 =	vor.u32 v31, v19;
	v12 =	vor.u32 v22, v15  }
0x8f: {  	v26 =	vor.u32 $0x30, v24;
	v22 =	vor.u32 s6, v16;
	[tilespmem:v23+s31+$0x0] =	vst.idx.msk $0xffff, v14;
	v21 =	vor.u32 v11, v19;
	v20 =	vld.idx.msk [tilespmem:v20+s21+$0x0], $0xffff  }
0x90: {  	s28 =	sor.u32 $0x4000, s17;
	s29 =	sor.u32 $0x6000, s17;
	v14 =	vor.u32 v31, v26;
	v15 =	vor.u32 v0, v12;
	v23 =	vld.idx.msk [tilespmem:v25+s21+$0x0], $0xffff;
	[tilespmem:v30+s31+$0x0] =	vst.idx.msk $0xffff, v27  }
0x91: {  	s25 =	sshll.u32 s0, $0x1;
	s16 =	sor.u32 $0x2000, s6;
	s19 =	sor.u32 $0x4000, s6;
	v25 =	vor.u32 v32, v63;
	v12 =	vor.u32 v33, v63;
	v24 =	vor.u32 s6, v15;
	v19 =	vld.idx.msk [tilespmem:v29+s21+$0x0], $0xffff  }
.LBB2_3:
0x92: {  	s2 =	sadd.s32 $0x2, s2;
	v26 =	vor.u32 v11, v26;
	v27 =	vld.idx.msk [tilespmem:v10+s21+$0x0], $0xffff;
	v32 =	vor.u32 s29, v6;
	[tilespmem:v9+s31+$0x0] =	vst.idx.msk $0xffff, v17;
	v9 =	vor.u32 s29, v4  }
0x93: {  	v28 =	vor.u32 s16, v15;
	v17 =	vor.u32 s28, v4;
	v29 =	vor.u32 s28, v6;
	v4 =	vmovc v16;
	s17 =	sand.u32 $0x70, s2;
	s4 =	sand.u32 $0xE, s2;
	p0 =	slt.u32 s2, $0x7E;
	[tilespmem:v5+s31+$0x0] =	vst.idx.msk $0xffff, v13;
	v5 =	vmovc v32  }
0x94: {  	v6 =	vmovc v15;
	v10 =	vmovc v25;
	v31 =	vor.u32 s16, v4;
	v11 =	vmov s17;
	v30 =	vadd.s32 s4, v0;
	s29 =	sor.u32 $0x4000, s17;
	s4 =	sor.u32 $0x1, s4;
	s16 =	sor.u32 $0x2000, s17  }
0x95: {  	s28 =	smov.u32 s19;
	v13 =	vshll.u32 v11, $0x6;
	v25 =	vand.u32 $0xF, v30;
	v11 =	vadd.s32 s4, v0;
	[tilespmem:v22+s31+$0x0] =	vst.idx.msk $0xffff, v20;
	s19 =	smov.u32 s29  }
0x96: {  	v15 =	vshll.u32 v30, $0x9;
	v32 =	vor.u32 v1, v13;
	v33 =	vand.u32 $0xF, v11;
	v34 =	vld.idx.msk [tilespmem:v18+s21+$0x0], $0xffff;
	[tilespmem:v24+s31+$0x0] =	vst.idx.msk $0xffff, v23  }
0x97: {  	v13 =	vshll.u32 v30, $0x7;
	v20 =	vor.u32 v25, v32;
	v23 =	vor.u32 v32, v33;
	v35 =	vld.idx.msk [tilespmem:v21+s21+$0x0], $0xffff  }
0x98: {  	v15 =	vand.u32 $0x1000, v15;
	v16 =	vshll.u32 v11, $0x9;
	v13 =	vand.u32 $0x380, v13;
	[tilespmem:v17+s31+$0x0] =	vst.idx.msk $0xffff, v27  }
0x99: {  	v13 =	vor.u32 v15, v13;
	v15 =	vand.u32 $0x1000, v16;
	v16 =	vshll.u32 v11, $0x7;
	v17 =	vld.idx.msk [tilespmem:v8+s21+$0x0], $0xffff;
	[tilespmem:v29+s31+$0x0] =	vst.idx.msk $0xffff, v19  }
.Ltmp2:
0x9a: {  	v18 =	vor.u32 v3, v13;
	v19 =	vor.u32 $0x10, v32;
	v21 =	vand.u32 $0x380, v16;
	v8 =	vmovc v14;
	v13 =	vld.idx.msk [tilespmem:v7+s21+$0x0], $0xffff;
	v7 =	vmovc v26;
	(pc) =	sbr.rel @p0 .LBB2_3-.Ltmp2, $4  }
0x9b: {  	v16 =	vor.u32 v2, v18;
	v18 =	vor.u32 v30, v19;
	v14 =	vor.u32 v15, v21  }
0x9c: {  	v27 =	vor.u32 $0x20, v32;
	v22 =	vor.u32 s17, v16;
	v15 =	vor.u32 v0, v14;
	v20 =	vld.idx.msk [tilespmem:v20+s21+$0x0], $0xffff;
	[tilespmem:v31+s31+$0x0] =	vst.idx.msk $0xffff, v34  }
0x9d: {  	v26 =	vor.u32 $0x30, v32;
	v21 =	vor.u32 v11, v19;
	v24 =	vor.u32 s17, v15;
	v23 =	vld.idx.msk [tilespmem:v23+s21+$0x0], $0xffff;
	[tilespmem:v28+s31+$0x0] =	vst.idx.msk $0xffff, v35  }
0x9e: {  	s29 =	sor.u32 $0x6000, s6;
	s6 =	smov.u32 s17;
	v25 =	vor.u32 v25, v27;
	v14 =	vor.u32 v30, v26;
	v19 =	vld.idx.msk [tilespmem:v12+s21+$0x0], $0xffff;
	v12 =	vor.u32 v33, v27  }
0x9f: {  	_ =	sdelay $0x3  }
0xa0: {  	[tilespmem:v22+s31+$0x0] =	vst.idx.msk $0xffff, v20  }
0xa1: {  	v20 =	vor.u32 s16, v16;
	v18 =	vld.idx.msk [tilespmem:v18+s21+$0x0], $0xffff  }
0xa2: {  	[tilespmem:v24+s31+$0x0] =	vst.idx.msk $0xffff, v23  }
0xa3: {  	v22 =	vor.u32 s16, v15;
	v21 =	vld.idx.msk [tilespmem:v21+s21+$0x0], $0xffff  }
0xa4: {  	v24 =	vor.u32 s28, v6  }
0xa5: {  	v10 =	vld.idx.msk [tilespmem:v10+s21+$0x0], $0xffff;
	v23 =	vor.u32 s28, v4  }
0xa6: {  	[tilespmem:v20+s31+$0x0] =	vst.idx.msk $0xffff, v18  }
0xa7: {  	v20 =	vor.u32 s19, v16;
	v18 =	vld.idx.msk [tilespmem:v25+s21+$0x0], $0xffff  }
0xa8: {  	[tilespmem:v22+s31+$0x0] =	vst.idx.msk $0xffff, v21  }
0xa9: {  	[tilespmem:v24+s31+$0x0] =	vst.idx.msk $0xffff, v19;
	v21 =	vor.u32 s19, v15;
	v12 =	vld.idx.msk [tilespmem:v12+s21+$0x0], $0xffff  }
0xaa: {  	v11 =	vor.u32 v11, v26;
	v6 =	vor.u32 s29, v6;
	[tilespmem:v23+s31+$0x0] =	vst.idx.msk $0xffff, v10;
	v7 =	vld.idx.msk [tilespmem:v7+s21+$0x0], $0xffff  }
0xab: {  	[tilespmem:v9+s31+$0x0] =	vst.idx.msk $0xffff, v17;
	s4 =	simm.s32 $0x0;
	v4 =	vor.u32 s29, v4;
	v8 =	vld.idx.msk [tilespmem:v8+s21+$0x0], $0xffff  }
0xac: {  	s2 =	sor.u32 $0x6000, s6;
	s16 =	sand.u32 $0x70, s4;
	[tilespmem:v20+s31+$0x0] =	vst.idx.msk $0xffff, v18  }
0xad: {  	[tilespmem:v5+s31+$0x0] =	vst.idx.msk $0xffff, v13;
	v9 =	vor.u32 s2, v16;
	s4 =	sand.u32 $0xE, s4;
	v10 =	vld.idx.msk [tilespmem:v14+s21+$0x0], $0xffff;
	v14 =	vmov s16  }
0xae: {  	s17 =	sor.u32 $0x1, s4;
	[tilespmem:v21+s31+$0x0] =	vst.idx.msk $0xffff, v12;
	v12 =	vor.u32 s2, v15;
	v15 =	vadd.s32 s4, v0;
	v5 =	vshll.u32 v14, $0x6  }
0xaf: {  	[tilespmem:v6+s31+$0x0] =	vst.idx.msk $0xffff, v7;
	v11 =	vld.idx.msk [tilespmem:v11+s21+$0x0], $0xffff;
	v13 =	vshll.u32 v15, $0x7;
	v14 =	vadd.s32 s17, v0;
	v6 =	vshll.u32 v15, $0x9  }
0xb0: {  	[tilespmem:v4+s31+$0x0] =	vst.idx.msk $0xffff, v8;
	v7 =	vand.u32 $0xF, v15;
	v4 =	vor.u32 v1, v5;
	v5 =	vshll.u32 v14, $0x9  }
0xb1: {  	v8 =	vand.u32 $0xF, v14;
	v6 =	vand.u32 $0x1000, v6;
	v22 =	vor.u32 $0x30, v4  }
0xb2: {  	v16 =	vor.u32 v4, v8;
	v5 =	vand.u32 $0x1000, v5;
	v24 =	vor.u32 v15, v22  }
0xb3: {  	v22 =	vor.u32 v14, v22;
	[tilespmem:v9+s31+$0x0] =	vst.idx.msk $0xffff, v10;
	v9 =	vand.u32 $0x380, v13;
	v10 =	vor.u32 v7, v4  }
0xb4: {  	[tilespmem:v12+s31+$0x0] =	vst.idx.msk $0xffff, v11;
	v6 =	vor.u32 v6, v9;
	v9 =	vshll.u32 v14, $0x7;
	v11 =	vor.u32 $0x10, v4  }
0xb5: {  	[tilespmem:s21], [sflag:$0x3] =	stream.indirect.gather [hbm4b:s5+s20], $0x40, s7, s20, $0xb8;
	v6 =	vor.u32 v3, v6;
	v9 =	vand.u32 $0x380, v9;
	v12 =	vor.u32 v14, v11;
	[tilespmem:$0x18400] =	vst v63  }
0xb6: {  	s19 =	sor.u32 $0x400, s16;
	v13 =	vor.u32 v2, v6;
	v5 =	vor.u32 v5, v9;
	_ =	swait.ge [sflag:s1], $0x2000;
	v6 =	vor.u32 $0x20, v4  }
0xb7: {  	s29 =	sor.u32 $0x2400, s16;
	s2 =	sor.u32 $0x4400, s16;
	v17 =	vor.u32 s19, v13;
	v18 =	vor.u32 v0, v5;
	[sflag:s1] =	ssyncset.done $0x0;
	v5 =	vor.u32 v15, v11  }
0xb8: {  	s7 =	sor.u32 $0x6400, s16;
	v19 =	vor.u32 s2, v13;
	v20 =	vor.u32 v7, v6;
	v11 =	vor.u32 s19, v18;
	s19 =	simm.s32 $0x2;
	[sflag:s1] =	ssyncadd.s32 $0xFFFFE000  }
0xb9: {  	v21 =	vor.u32 v8, v6;
	v23 =	vor.u32 s29, v13;
	v9 =	vor.u32 s7, v18;
	s17 =	sand.u32 $0x70, s19;
	s6 =	sand.u32 $0xE, s19;
	v4 =	vld.idx.msk [tilespmem:v16+s22+$0x0], $0xffff  }
0xba: {  	v25 =	vor.u32 s29, v18;
	v7 =	vld.idx.msk [tilespmem:v10+s22+$0x0], $0xffff;
	v6 =	vmov s17;
	v16 =	vadd.s32 s6, v0;
	s6 =	sor.u32 $0x1, s6  }
0xbb: {  	v8 =	vshll.u32 v6, $0x6;
	v10 =	vshll.u32 v16, $0x7;
	v6 =	vadd.s32 s6, v0  }
0xbc: {  	v27 =	vshll.u32 v16, $0x9;
	v28 =	vand.u32 $0xF, v16;
	v26 =	vor.u32 v1, v8  }
0xbd: {  	v8 =	vshll.u32 v6, $0x9;
	v15 =	vand.u32 $0xF, v6;
	v27 =	vand.u32 $0x1000, v27  }
0xbe: {  	v10 =	vand.u32 $0x380, v10;
	v29 =	vor.u32 v26, v15;
	v30 =	vor.u32 v28, v26;
	[tilespmem:v11+s31+$0x0] =	vst.idx.msk $0xffff, v4  }
0xbf: {  	v8 =	vand.u32 $0x1000, v8;
	v4 =	vor.u32 v27, v10;
	v10 =	vshll.u32 v6, $0x7;
	[tilespmem:v17+s31+$0x0] =	vst.idx.msk $0xffff, v7;
	v11 =	vld.idx.msk [tilespmem:v12+s22+$0x0], $0xffff  }
0xc0: {  	v17 =	vor.u32 $0x10, v26;
	v4 =	vor.u32 v3, v4;
	v10 =	vand.u32 $0x380, v10;
	v27 =	vld.idx.msk [tilespmem:v5+s22+$0x0], $0xffff  }
0xc1: {  	v31 =	vor.u32 v6, v17;
	v5 =	vor.u32 $0x20, v26;
	v17 =	vor.u32 v16, v17  }
0xc2: {  	s29 =	sor.u32 $0x400, s17;
	s19 =	sor.u32 $0x4400, s17;
	v7 =	vor.u32 v2, v4;
	v4 =	vor.u32 v8, v10;
	v34 =	vor.u32 v28, v5  }
0xc3: {  	s4 =	sor.u32 $0x2400, s17;
	s6 =	sor.u32 $0x6400, s17;
	s17 =	simm.s32 $0x4;
	v15 =	vor.u32 v15, v5;
	v5 =	vor.u32 s7, v13;
	v12 =	vor.u32 v0, v4  }
0xc4: {  	s7 =	sand.u32 $0xE, s17;
	v32 =	vor.u32 s29, v7;
	v8 =	vor.u32 s19, v7;
	v33 =	vor.u32 s29, v12;
	v29 =	vld.idx.msk [tilespmem:v29+s22+$0x0], $0xffff;
	[tilespmem:v25+s31+$0x0] =	vst.idx.msk $0xffff, v11  }
0xc5: {  	v13 =	vadd.s32 s7, v0;
	v4 =	vor.u32 s6, v12;
	s29 =	sand.u32 $0x70, s17;
	v25 =	vld.idx.msk [tilespmem:v30+s22+$0x0], $0xffff;
	v11 =	vor.u32 $0x30, v26;
	[tilespmem:v23+s31+$0x0] =	vst.idx.msk $0xffff, v27  }
0xc6: {  	v62 =	vand.u32 $0xF, v13;
	v14 =	vmov s29;
	v10 =	vor.u32 v16, v11;
	v16 =	vld.idx.msk [tilespmem:v20+s22+$0x0], $0xffff  }
0xc7: {  	s16 =	sor.u32 $0x1, s7;
	v27 =	vor.u32 s4, v7;
	v23 =	vor.u32 s2, v18;
	v18 =	vshll.u32 v14, $0x6;
	v21 =	vld.idx.msk [tilespmem:v21+s22+$0x0], $0xffff  }
0xc8: {  	v26 =	vshll.u32 v13, $0x7;
	v14 =	vadd.s32 s16, v0;
	v20 =	vor.u32 s4, v12  }
0xc9: {  	v18 =	vor.u32 v1, v18;
	v28 =	vshll.u32 v14, $0x9;
	v30 =	vand.u32 $0xF, v14;
	[tilespmem:v33+s31+$0x0] =	vst.idx.msk $0xffff, v29  }
0xca: {  	v26 =	vand.u32 $0x380, v26;
	v63 =	vor.u32 v62, v18;
	v31 =	vld.idx.msk [tilespmem:v31+s22+$0x0], $0xffff;
	[tilespmem:v32+s31+$0x0] =	vst.idx.msk $0xffff, v25;
	v25 =	vshll.u32 v13, $0x9  }
0xcb: {  	v35 =	vor.u32 $0x10, v18;
	v29 =	vor.u32 v18, v30;
	v17 =	vld.idx.msk [tilespmem:v17+s22+$0x0], $0xffff;
	v25 =	vand.u32 $0x1000, v25;
	[tilespmem:v19+s31+$0x0] =	vst.idx.msk $0xffff, v16  }
0xcc: {  	v36 =	vor.u32 $0x20, v18;
	[tilespmem:v23+s31+$0x0] =	vst.idx.msk $0xffff, v21;
	v19 =	vor.u32 v25, v26;
	v26 =	vshll.u32 v14, $0x7;
	v16 =	vld.idx.msk [tilespmem:v24+s22+$0x0], $0xffff  }
0xcd: {  	v25 =	vand.u32 $0x1000, v28;
	v23 =	vld.idx.msk [tilespmem:v22+s22+$0x0], $0xffff;
	v19 =	vor.u32 v3, v19;
	v24 =	vand.u32 $0x380, v26  }
0xce: {  	v30 =	vor.u32 v30, v36;
	v21 =	vor.u32 v2, v19;
	v19 =	vor.u32 v25, v24  }
0xcf: {  	s7 =	sor.u32 $0x400, s29;
	v22 =	vor.u32 v14, v35;
	v28 =	vld.idx.msk [tilespmem:v63+s22+$0x0], $0xffff;
	[tilespmem:v20+s31+$0x0] =	vst.idx.msk $0xffff, v31;
	v25 =	vor.u32 v0, v19  }
0xd0: {  	s28 =	sor.u32 $0x6400, s29;
	s16 =	sor.u32 $0x4400, s29;
	v29 =	vld.idx.msk [tilespmem:v29+s22+$0x0], $0xffff;
	v26 =	vor.u32 v13, v35;
	v24 =	vor.u32 s7, v21;
	v31 =	vor.u32 s7, v25;
	[tilespmem:v27+s31+$0x0] =	vst.idx.msk $0xffff, v17  }
0xd1: {  	s2 =	sor.u32 $0x2400, s29;
	v20 =	vor.u32 s16, v21;
	v19 =	vor.u32 v62, v36;
	v17 =	vor.u32 s28, v25;
	v27 =	vld.idx.msk [tilespmem:v34+s22+$0x0], $0xffff  }
.LBB2_5:
0xd2: {  	s17 =	sadd.s32 $0x2, s17;
	v36 =	vor.u32 s6, v7;
	v32 =	vld.idx.msk [tilespmem:v15+s22+$0x0], $0xffff;
	v33 =	vor.u32 v6, v11;
	v11 =	vor.u32 $0x30, v18;
	[tilespmem:v9+s31+$0x0] =	vst.idx.msk $0xffff, v23;
	s6 =	smov.u32 s28  }
0xd3: {  	v34 =	vor.u32 s2, v21;
	v23 =	vor.u32 s19, v12;
	s28 =	sand.u32 $0x70, s17;
	s4 =	sand.u32 $0xE, s17;
	p0 =	slt.u32 s17, $0x7E;
	v9 =	vor.u32 v13, v11;
	[tilespmem:v5+s31+$0x0] =	vst.idx.msk $0xffff, v16;
	v5 =	vmovc v36  }
0xd4: {  	v35 =	vor.u32 s2, v25;
	v6 =	vmovc v14;
	v7 =	vmovc v21;
	s19 =	smov.u32 s16;
	v18 =	vmov s28;
	v13 =	vadd.s32 s4, v0;
	s4 =	sor.u32 $0x1, s4;
	s2 =	sor.u32 $0x2400, s28  }
0xd5: {  	v12 =	vmovc v25;
	v15 =	vmovc v30;
	v16 =	vshll.u32 v18, $0x6;
	v21 =	vshll.u32 v13, $0x7;
	v14 =	vadd.s32 s4, v0;
	[tilespmem:v31+s31+$0x0] =	vst.idx.msk $0xffff, v29  }
0xd6: {  	v18 =	vor.u32 v1, v16;
	v25 =	vshll.u32 v14, $0x9;
	v30 =	vand.u32 $0xF, v14;
	[tilespmem:v24+s31+$0x0] =	vst.idx.msk $0xffff, v28;
	v28 =	vld.idx.msk [tilespmem:v22+s22+$0x0], $0xffff  }
0xd7: {  	v36 =	vand.u32 $0xF, v13;
	v16 =	vshll.u32 v13, $0x9;
	v29 =	vor.u32 v18, v30;
	v37 =	vld.idx.msk [tilespmem:v26+s22+$0x0], $0xffff;
	[tilespmem:v8+s31+$0x0] =	vst.idx.msk $0xffff, v27  }
0xd8: {  	v21 =	vand.u32 $0x380, v21;
	v27 =	vand.u32 $0x1000, v16;
	v26 =	vor.u32 v36, v18;
	v16 =	vld.idx.msk [tilespmem:v10+s22+$0x0], $0xffff;
	[tilespmem:v23+s31+$0x0] =	vst.idx.msk $0xffff, v32  }
0xd9: {  	v24 =	vshll.u32 v14, $0x7;
	v22 =	vand.u32 $0x1000, v25;
	v8 =	vmovc v20;
	v21 =	vor.u32 v27, v21;
	v10 =	vmovc v9;
	v23 =	vld.idx.msk [tilespmem:v33+s22+$0x0], $0xffff  }
.Ltmp3:
0xda: {  	v24 =	vand.u32 $0x380, v24;
	v27 =	vor.u32 $0x10, v18;
	v9 =	vmovc v4;
	v4 =	vmovc v17;
	v20 =	vor.u32 v3, v21;
	(pc) =	sbr.rel @p0 .LBB2_5-.Ltmp3, $4  }
0xdb: {  	s4 =	sor.u32 $0x400, s28;
	v17 =	vor.u32 v22, v24;
	v22 =	vor.u32 v14, v27;
	v21 =	vor.u32 v2, v20  }
0xdc: {  	s16 =	sor.u32 $0x4400, s28;
	v32 =	vor.u32 $0x20, v18;
	v25 =	vor.u32 v0, v17;
	v24 =	vor.u32 s4, v21;
	v29 =	vld.idx.msk [tilespmem:v29+s22+$0x0], $0xffff;
	[tilespmem:v35+s31+$0x0] =	vst.idx.msk $0xffff, v28  }
0xdd: {  	s28 =	sor.u32 $0x6400, s28;
	v31 =	vor.u32 s4, v25;
	v20 =	vor.u32 s16, v21;
	v28 =	vld.idx.msk [tilespmem:v26+s22+$0x0], $0xffff;
	v26 =	vor.u32 v13, v27;
	[tilespmem:v34+s31+$0x0] =	vst.idx.msk $0xffff, v37  }
0xde: {  	v30 =	vor.u32 v30, v32;
	v17 =	vor.u32 s28, v25;
	v27 =	vld.idx.msk [tilespmem:v19+s22+$0x0], $0xffff;
	v19 =	vor.u32 v36, v32  }
0xdf: {  	_ =	sdelay $0x3  }
0xe0: {  	[tilespmem:v31+s31+$0x0] =	vst.idx.msk $0xffff, v29  }
0xe1: {  	v29 =	vor.u32 s2, v25;
	[tilespmem:v24+s31+$0x0] =	vst.idx.msk $0xffff, v28;
	v22 =	vld.idx.msk [tilespmem:v22+s22+$0x0], $0xffff  }
0xe2: {  	v24 =	vor.u32 s2, v21;
	v26 =	vld.idx.msk [tilespmem:v26+s22+$0x0], $0xffff;
	_ =	sdelay $0x1  }
0xe3: {  	v15 =	vld.idx.msk [tilespmem:v15+s22+$0x0], $0xffff;
	v12 =	vor.u32 s19, v12  }
0xe4: {  	v6 =	vor.u32 v6, v11;
	[tilespmem:v9+s31+$0x0] =	vst.idx.msk $0xffff, v23  }
0xe5: {  	[tilespmem:v29+s31+$0x0] =	vst.idx.msk $0xffff, v22  }
0xe6: {  	v11 =	vor.u32 $0x30, v18;
	v22 =	vor.u32 s16, v25;
	[tilespmem:v24+s31+$0x0] =	vst.idx.msk $0xffff, v26;
	v18 =	vld.idx.msk [tilespmem:v30+s22+$0x0], $0xffff  }
0xe7: {  	v14 =	vor.u32 v14, v11;
	[tilespmem:v8+s31+$0x0] =	vst.idx.msk $0xffff, v27;
	v19 =	vld.idx.msk [tilespmem:v19+s22+$0x0], $0xffff  }
0xe8: {  	v7 =	vor.u32 s6, v7;
	v9 =	vor.u32 v13, v11;
	[tilespmem:v12+s31+$0x0] =	vst.idx.msk $0xffff, v15;
	v8 =	vld.idx.msk [tilespmem:v10+s22+$0x0], $0xffff  }
0xe9: {  	v6 =	vld.idx.msk [tilespmem:v6+s22+$0x0], $0xffff  }
0xea: {  	s7 =	simm.s32 $0x0;
	[tilespmem:v5+s31+$0x0] =	vst.idx.msk $0xffff, v16  }
0xeb: {  	s4 =	sand.u32 $0x70, s7;
	[tilespmem:v22+s31+$0x0] =	vst.idx.msk $0xffff, v18  }
0xec: {  	s2 =	sand.u32 $0xE, s7;
	v12 =	vmov s4;
	[tilespmem:v20+s31+$0x0] =	vst.idx.msk $0xffff, v19;
	v10 =	vld.idx.msk [tilespmem:v14+s22+$0x0], $0xffff  }
0xed: {  	v11 =	vor.u32 s28, v21;
	v13 =	vadd.s32 s2, v0;
	v5 =	vshll.u32 v12, $0x6;
	[tilespmem:v7+s31+$0x0] =	vst.idx.msk $0xffff, v8;
	v9 =	vld.idx.msk [tilespmem:v9+s22+$0x0], $0xffff  }
0xee: {  	s2 =	sor.u32 $0x1, s2;
	v12 =	vshll.u32 v13, $0x7;
	v7 =	vshll.u32 v13, $0x9;
	[tilespmem:v4+s31+$0x0] =	vst.idx.msk $0xffff, v6;
	v4 =	vor.u32 v1, v5  }
0xef: {  	v8 =	vand.u32 $0xF, v13;
	v21 =	vor.u32 $0x30, v4;
	v14 =	vadd.s32 s2, v0  }
0xf0: {  	v7 =	vand.u32 $0x1000, v7;
	v23 =	vor.u32 v13, v21;
	v6 =	vand.u32 $0xF, v14  }
0xf1: {  	v5 =	vshll.u32 v14, $0x9;
	v15 =	vor.u32 v4, v6;
	[tilespmem:v17+s31+$0x0] =	vst.idx.msk $0xffff, v10;
	v10 =	vand.u32 $0x380, v12  }
0xf2: {  	v5 =	vand.u32 $0x1000, v5;
	[tilespmem:v11+s31+$0x0] =	vst.idx.msk $0xffff, v9;
	v7 =	vor.u32 v7, v10;
	v9 =	vshll.u32 v14, $0x7  }
0xf3: {  	s17 =	sor.u32 $0x800, s4;
	s16 =	simm.s32 $0x280;
	v12 =	vor.u32 v8, v4;
	v7 =	vor.u32 v3, v7;
	v9 =	vand.u32 $0x380, v9  }
0xf4: {  	v10 =	vor.u32 $0x10, v4;
	[tilespmem:s22], [sflag:$0x4] =	stream.indirect.gather [hbm4b:s5+s20], $0x40, s16, s20, $0xb8;
	v16 =	vor.u32 v2, v7;
	v5 =	vor.u32 v5, v9;
	[tilespmem:$0x18400] =	vst v63  }
0xf5: {  	s2 =	sor.u32 $0x4800, s4;
	v7 =	vor.u32 v14, v10;
	_ =	swait.ge [sflag:s23], $0x2000;
	v9 =	vor.u32 $0x20, v4;
	v11 =	vor.u32 s17, v16  }
0xf6: {  	s29 =	simm.s32 $0x2;
	s19 =	sor.u32 $0x2800, s4;
	v17 =	vor.u32 v0, v5;
	[sflag:s23] =	ssyncset.done $0x0;
	v5 =	vor.u32 v13, v10;
	v19 =	vor.u32 s2, v16  }
0xf7: {  	s4 =	sor.u32 $0x6800, s4;
	s16 =	sand.u32 $0xE, s29;
	v18 =	vor.u32 v8, v9;
	v20 =	vor.u32 v6, v9;
	v22 =	vor.u32 s19, v16;
	[sflag:s23] =	ssyncadd.s32 $0xFFFFE000  }
0xf8: {  	v13 =	vadd.s32 s16, v0;
	v10 =	vor.u32 s17, v17;
	v9 =	vor.u32 s4, v17;
	v4 =	vld.idx.msk [tilespmem:v15+s24+$0x0], $0xffff  }
0xf9: {  	s17 =	sand.u32 $0x70, s29;
	v24 =	vor.u32 s19, v17;
	v27 =	vshll.u32 v13, $0x9;
	v28 =	vand.u32 $0xF, v13;
	v8 =	vld.idx.msk [tilespmem:v12+s24+$0x0], $0xffff  }
0xfa: {  	s16 =	sor.u32 $0x1, s16;
	v17 =	vor.u32 s2, v17;
	v6 =	vmov s17;
	v15 =	vshll.u32 v13, $0x7  }
0xfb: {  	v27 =	vand.u32 $0x1000, v27;
	v12 =	vshll.u32 v6, $0x6;
	v6 =	vadd.s32 s16, v0  }
0xfc: {  	v15 =	vand.u32 $0x380, v15;
	v25 =	vor.u32 v1, v12;
	v26 =	vand.u32 $0xF, v6  }
0xfd: {  	v12 =	vshll.u32 v6, $0x9;
	v29 =	vor.u32 v25, v26;
	v30 =	vor.u32 v28, v25;
	[tilespmem:v10+s31+$0x0] =	vst.idx.msk $0xffff, v4  }
0xfe: {  	v4 =	vor.u32 v27, v15;
	v10 =	vand.u32 $0x1000, v12;
	v12 =	vshll.u32 v6, $0x7;
	[tilespmem:v11+s31+$0x0] =	vst.idx.msk $0xffff, v8;
	v11 =	vld.idx.msk [tilespmem:v7+s24+$0x0], $0xffff  }
0xff: {  	v8 =	vor.u32 $0x10, v25;
	v4 =	vor.u32 v3, v4;
	v12 =	vand.u32 $0x380, v12;
	v27 =	vld.idx.msk [tilespmem:v5+s24+$0x0], $0xffff  }
0x100: {  	v31 =	vor.u32 v6, v8;
	v5 =	vor.u32 $0x20, v25;
	v33 =	vor.u32 v13, v8  }
0x101: {  	s7 =	sor.u32 $0x800, s17;
	s19 =	sor.u32 $0x4800, s17;
	v7 =	vor.u32 v2, v4;
	v4 =	vor.u32 v10, v12;
	v35 =	vor.u32 v28, v5  }
0x102: {  	s6 =	sor.u32 $0x6800, s17;
	s29 =	sor.u32 $0x2800, s17;
	s17 =	simm.s32 $0x4;
	v15 =	vor.u32 v26, v5;
	v5 =	vor.u32 s4, v16;
	v12 =	vor.u32 v0, v4  }
0x103: {  	s4 =	sand.u32 $0x70, s17;
	v32 =	vor.u32 s7, v7;
	v8 =	vor.u32 s19, v7;
	v29 =	vld.idx.msk [tilespmem:v29+s24+$0x0], $0xffff;
	v34 =	vor.u32 s7, v12;
	[tilespmem:v24+s31+$0x0] =	vst.idx.msk $0xffff, v11  }
0x104: {  	v21 =	vor.u32 v14, v21;
	s28 =	sand.u32 $0xE, s17;
	v14 =	vmov s4;
	v4 =	vor.u32 s6, v12;
	v24 =	vld.idx.msk [tilespmem:v30+s24+$0x0], $0xffff;
	[tilespmem:v22+s31+$0x0] =	vst.idx.msk $0xffff, v27  }
0x105: {  	s7 =	sor.u32 $0x1, s28;
	v26 =	vor.u32 s29, v12;
	v11 =	vor.u32 $0x30, v25;
	v27 =	vor.u32 s29, v7;
	v16 =	vld.idx.msk [tilespmem:v18+s24+$0x0], $0xffff  }
0x106: {  	v10 =	vor.u32 v13, v11;
	v20 =	vld.idx.msk [tilespmem:v20+s24+$0x0], $0xffff;
	v18 =	vshll.u32 v14, $0x6;
	v14 =	vadd.s32 s7, v0  }
0x107: {  	v13 =	vadd.s32 s28, v0;
	v18 =	vor.u32 v1, v18;
	v30 =	vand.u32 $0xF, v14  }
0x108: {  	v22 =	vshll.u32 v13, $0x7;
	v62 =	vand.u32 $0xF, v13;
	[tilespmem:v34+s31+$0x0] =	vst.idx.msk $0xffff, v29;
	v29 =	vor.u32 v18, v30  }
0x109: {  	v63 =	vor.u32 $0x20, v18;
	v28 =	vld.idx.msk [tilespmem:v31+s24+$0x0], $0xffff;
	v31 =	vor.u32 v62, v18;
	[tilespmem:v32+s31+$0x0] =	vst.idx.msk $0xffff, v24;
	v24 =	vshll.u32 v13, $0x9  }
0x10a: {  	v22 =	vand.u32 $0x380, v22;
	v30 =	vor.u32 v30, v63;
	v33 =	vld.idx.msk [tilespmem:v33+s24+$0x0], $0xffff;
	v24 =	vand.u32 $0x1000, v24;
	[tilespmem:v19+s31+$0x0] =	vst.idx.msk $0xffff, v16  }
0x10b: {  	v25 =	vshll.u32 v14, $0x9;
	[tilespmem:v17+s31+$0x0] =	vst.idx.msk $0xffff, v20;
	v19 =	vor.u32 v24, v22;
	v24 =	vshll.u32 v14, $0x7;
	v16 =	vld.idx.msk [tilespmem:v23+s24+$0x0], $0xffff  }
0x10c: {  	v22 =	vand.u32 $0x1000, v25;
	v23 =	vld.idx.msk [tilespmem:v21+s24+$0x0], $0xffff;
	v17 =	vor.u32 v3, v19;
	v20 =	vand.u32 $0x380, v24  }
0x10d: {  	v19 =	vor.u32 $0x10, v18;
	v29 =	vld.idx.msk [tilespmem:v29+s24+$0x0], $0xffff;
	v21 =	vor.u32 v2, v17;
	v17 =	vor.u32 v22, v20  }
0x10e: {  	s29 =	sor.u32 $0x800, s4;
	v22 =	vor.u32 v14, v19;
	[tilespmem:v26+s31+$0x0] =	vst.idx.msk $0xffff, v28;
	v28 =	vld.idx.msk [tilespmem:v31+s24+$0x0], $0xffff;
	v25 =	vor.u32 v0, v17  }
0x10f: {  	s16 =	sor.u32 $0x4800, s4;
	s28 =	sor.u32 $0x6800, s4;
	v26 =	vor.u32 v13, v19;
	v19 =	vor.u32 v62, v63;
	v31 =	vor.u32 s29, v25;
	[tilespmem:v27+s31+$0x0] =	vst.idx.msk $0xffff, v33  }
0x110: {  	s2 =	sor.u32 $0x2800, s4;
	v24 =	vor.u32 s29, v21;
	v20 =	vor.u32 s16, v21;
	v17 =	vor.u32 s28, v25;
	v27 =	vld.idx.msk [tilespmem:v35+s24+$0x0], $0xffff  }
.LBB2_7:
0x111: {  	s17 =	sadd.s32 $0x2, s17;
	v36 =	vor.u32 s6, v7;
	v32 =	vld.idx.msk [tilespmem:v15+s24+$0x0], $0xffff;
	v33 =	vor.u32 v6, v11;
	v11 =	vor.u32 $0x30, v18;
	[tilespmem:v9+s31+$0x0] =	vst.idx.msk $0xffff, v23;
	s6 =	smov.u32 s28  }
0x112: {  	v34 =	vor.u32 s2, v21;
	v23 =	vor.u32 s19, v12;
	s28 =	sand.u32 $0x70, s17;
	s4 =	sand.u32 $0xE, s17;
	p0 =	slt.u32 s17, $0x7E;
	v9 =	vor.u32 v13, v11;
	[tilespmem:v5+s31+$0x0] =	vst.idx.msk $0xffff, v16;
	v5 =	vmovc v36  }
0x113: {  	v35 =	vor.u32 s2, v25;
	v6 =	vmovc v14;
	v7 =	vmovc v21;
	s19 =	smov.u32 s16;
	v18 =	vmov s28;
	v13 =	vadd.s32 s4, v0;
	s4 =	sor.u32 $0x1, s4;
	s2 =	sor.u32 $0x2800, s28  }
0x114: {  	v12 =	vmovc v25;
	v15 =	vmovc v30;
	v16 =	vshll.u32 v18, $0x6;
	v21 =	vshll.u32 v13, $0x7;
	v14 =	vadd.s32 s4, v0;
	[tilespmem:v31+s31+$0x0] =	vst.idx.msk $0xffff, v29  }
0x115: {  	v18 =	vor.u32 v1, v16;
	v25 =	vshll.u32 v14, $0x9;
	v30 =	vand.u32 $0xF, v14;
	[tilespmem:v24+s31+$0x0] =	vst.idx.msk $0xffff, v28;
	v28 =	vld.idx.msk [tilespmem:v22+s24+$0x0], $0xffff  }
0x116: {  	v36 =	vand.u32 $0xF, v13;
	v16 =	vshll.u32 v13, $0x9;
	v29 =	vor.u32 v18, v30;
	v37 =	vld.idx.msk [tilespmem:v26+s24+$0x0], $0xffff;
	[tilespmem:v8+s31+$0x0] =	vst.idx.msk $0xffff, v27  }
0x117: {  	v21 =	vand.u32 $0x380, v21;
	v27 =	vand.u32 $0x1000, v16;
	v26 =	vor.u32 v36, v18;
	v16 =	vld.idx.msk [tilespmem:v10+s24+$0x0], $0xffff;
	[tilespmem:v23+s31+$0x0] =	vst.idx.msk $0xffff, v32  }
0x118: {  	v24 =	vshll.u32 v14, $0x7;
	v22 =	vand.u32 $0x1000, v25;
	v8 =	vmovc v20;
	v21 =	vor.u32 v27, v21;
	v10 =	vmovc v9;
	v23 =	vld.idx.msk [tilespmem:v33+s24+$0x0], $0xffff  }
.Ltmp4:
0x119: {  	v24 =	vand.u32 $0x380, v24;
	v27 =	vor.u32 $0x10, v18;
	v9 =	vmovc v4;
	v4 =	vmovc v17;
	v20 =	vor.u32 v3, v21;
	(pc) =	sbr.rel @p0 .LBB2_7-.Ltmp4, $4  }
0x11a: {  	s4 =	sor.u32 $0x800, s28;
	v17 =	vor.u32 v22, v24;
	v22 =	vor.u32 v14, v27;
	v21 =	vor.u32 v2, v20  }
0x11b: {  	s16 =	sor.u32 $0x4800, s28;
	v32 =	vor.u32 $0x20, v18;
	v25 =	vor.u32 v0, v17;
	v24 =	vor.u32 s4, v21;
	v29 =	vld.idx.msk [tilespmem:v29+s24+$0x0], $0xffff;
	[tilespmem:v35+s31+$0x0] =	vst.idx.msk $0xffff, v28  }
0x11c: {  	s28 =	sor.u32 $0x6800, s28;
	v31 =	vor.u32 s4, v25;
	v20 =	vor.u32 s16, v21;
	v28 =	vld.idx.msk [tilespmem:v26+s24+$0x0], $0xffff;
	v26 =	vor.u32 v13, v27;
	[tilespmem:v34+s31+$0x0] =	vst.idx.msk $0xffff, v37  }
0x11d: {  	v30 =	vor.u32 v30, v32;
	v17 =	vor.u32 s28, v25;
	v27 =	vld.idx.msk [tilespmem:v19+s24+$0x0], $0xffff;
	v19 =	vor.u32 v36, v32  }
0x11e: {  	_ =	sdelay $0x3  }
0x11f: {  	[tilespmem:v31+s31+$0x0] =	vst.idx.msk $0xffff, v29  }
0x120: {  	v29 =	vor.u32 s2, v25;
	[tilespmem:v24+s31+$0x0] =	vst.idx.msk $0xffff, v28;
	v22 =	vld.idx.msk [tilespmem:v22+s24+$0x0], $0xffff  }
0x121: {  	v24 =	vor.u32 s2, v21;
	v26 =	vld.idx.msk [tilespmem:v26+s24+$0x0], $0xffff  }
0x122: {  	v15 =	vld.idx.msk [tilespmem:v15+s24+$0x0], $0xffff;
	v12 =	vor.u32 s19, v12  }
0x123: {  	v6 =	vor.u32 v6, v11  }
0x124: {  	[tilespmem:v9+s31+$0x0] =	vst.idx.msk $0xffff, v23  }
0x125: {  	[tilespmem:v29+s31+$0x0] =	vst.idx.msk $0xffff, v22  }
0x126: {  	v11 =	vor.u32 $0x30, v18;
	v22 =	vor.u32 s16, v25;
	[tilespmem:v24+s31+$0x0] =	vst.idx.msk $0xffff, v26;
	v18 =	vld.idx.msk [tilespmem:v30+s24+$0x0], $0xffff  }
0x127: {  	v14 =	vor.u32 v14, v11;
	[tilespmem:v12+s31+$0x0] =	vst.idx.msk $0xffff, v15;
	v19 =	vld.idx.msk [tilespmem:v19+s24+$0x0], $0xffff  }
0x128: {  	v9 =	vor.u32 v13, v11;
	[tilespmem:v8+s31+$0x0] =	vst.idx.msk $0xffff, v27;
	v6 =	vld.idx.msk [tilespmem:v6+s24+$0x0], $0xffff  }
0x129: {  	v7 =	vor.u32 s6, v7;
	s6 =	simm.s32 $0x0;
	v8 =	vld.idx.msk [tilespmem:v10+s24+$0x0], $0xffff  }
0x12a: {  	[tilespmem:v5+s31+$0x0] =	vst.idx.msk $0xffff, v16;
	s4 =	sand.u32 $0x70, s6  }
0x12b: {  	s2 =	sand.u32 $0xE, s6;
	v12 =	vmov s4;
	[tilespmem:v22+s31+$0x0] =	vst.idx.msk $0xffff, v18  }
0x12c: {  	v13 =	vadd.s32 s2, v0;
	v5 =	vshll.u32 v12, $0x6;
	[tilespmem:v20+s31+$0x0] =	vst.idx.msk $0xffff, v19;
	v10 =	vld.idx.msk [tilespmem:v14+s24+$0x0], $0xffff  }
0x12d: {  	v11 =	vor.u32 s28, v21;
	v12 =	vshll.u32 v13, $0x7;
	[tilespmem:v4+s31+$0x0] =	vst.idx.msk $0xffff, v6;
	v4 =	vor.u32 v1, v5;
	v9 =	vld.idx.msk [tilespmem:v9+s24+$0x0], $0xffff  }
0x12e: {  	s2 =	sor.u32 $0x1, s2;
	[tilespmem:v7+s31+$0x0] =	vst.idx.msk $0xffff, v8;
	v7 =	vshll.u32 v13, $0x9;
	v8 =	vand.u32 $0xF, v13;
	v22 =	vor.u32 $0x30, v4  }
0x12f: {  	v7 =	vand.u32 $0x1000, v7;
	v14 =	vadd.s32 s2, v0;
	v24 =	vor.u32 v13, v22  }
0x130: {  	v5 =	vshll.u32 v14, $0x9;
	v6 =	vand.u32 $0xF, v14;
	v22 =	vor.u32 v14, v22  }
0x131: {  	v15 =	vor.u32 v4, v6;
	v5 =	vand.u32 $0x1000, v5;
	[tilespmem:v17+s31+$0x0] =	vst.idx.msk $0xffff, v10;
	v10 =	vand.u32 $0x380, v12  }
0x132: {  	s7 =	simm.s32 $0x300;
	v12 =	vor.u32 v8, v4;
	[tilespmem:v11+s31+$0x0] =	vst.idx.msk $0xffff, v9;
	v7 =	vor.u32 v7, v10;
	v9 =	vshll.u32 v14, $0x7  }
0x133: {  	v10 =	vor.u32 $0x10, v4;
	[tilespmem:s24], [sflag:$0x5] =	stream.indirect.gather [hbm4b:s5+s20], $0x40, s7, s20, $0xb8;
	v7 =	vor.u32 v3, v7;
	v9 =	vand.u32 $0x380, v9;
	[tilespmem:$0x18400] =	vst v63  }
0x134: {  	s16 =	sor.u32 $0xC00, s4;
	v16 =	vor.u32 v2, v7;
	v5 =	vor.u32 v5, v9;
	v9 =	vor.u32 v14, v10;
	_ =	swait.ge [sflag:s8], $0x2000  }
0x135: {  	s2 =	sor.u32 $0x4C00, s4;
	v7 =	vor.u32 $0x20, v4;
	v10 =	vor.u32 v13, v10;
	v11 =	vor.u32 s16, v16;
	[sflag:s8] =	ssyncset.done $0x0  }
0x136: {  	s19 =	simm.s32 $0x2;
	s17 =	sor.u32 $0x2C00, s4;
	v17 =	vor.u32 v0, v5;
	v18 =	vor.u32 s2, v16;
	v20 =	vor.u32 v8, v7;
	[sflag:s8] =	ssyncadd.s32 $0xFFFFE000  }
0x137: {  	s29 =	sand.u32 $0x70, s19;
	s4 =	sor.u32 $0x6C00, s4;
	v21 =	vor.u32 v6, v7;
	v23 =	vor.u32 s17, v16;
	v19 =	vor.u32 s16, v17;
	s16 =	sand.u32 $0xE, s19;
	v4 =	vld.idx.msk [tilespmem:v15+s26+$0x0], $0xffff  }
0x138: {  	v5 =	vmov s29;
	v7 =	vor.u32 s4, v17;
	v13 =	vadd.s32 s16, v0;
	v8 =	vld.idx.msk [tilespmem:v12+s26+$0x0], $0xffff  }
0x139: {  	v6 =	vor.u32 s17, v17;
	s16 =	sor.u32 $0x1, s16;
	v12 =	vshll.u32 v5, $0x6;
	v15 =	vshll.u32 v13, $0x7  }
0x13a: {  	v5 =	vadd.s32 s16, v0;
	v25 =	vor.u32 v1, v12;
	v27 =	vshll.u32 v13, $0x9  }
0x13b: {  	v28 =	vand.u32 $0xF, v13;
	v26 =	vand.u32 $0xF, v5;
	v27 =	vand.u32 $0x1000, v27  }
0x13c: {  	v15 =	vand.u32 $0x380, v15;
	v30 =	vor.u32 v28, v25;
	v29 =	vor.u32 v25, v26;
	[tilespmem:v19+s31+$0x0] =	vst.idx.msk $0xffff, v4  }
0x13d: {  	v12 =	vshll.u32 v5, $0x9;
	v4 =	vor.u32 v27, v15;
	v15 =	vshll.u32 v5, $0x7;
	[tilespmem:v11+s31+$0x0] =	vst.idx.msk $0xffff, v8;
	v11 =	vld.idx.msk [tilespmem:v9+s26+$0x0], $0xffff  }
0x13e: {  	v12 =	vand.u32 $0x1000, v12;
	v4 =	vor.u32 v3, v4;
	v15 =	vand.u32 $0x380, v15;
	v10 =	vld.idx.msk [tilespmem:v10+s26+$0x0], $0xffff  }
0x13f: {  	v9 =	vor.u32 $0x10, v25;
	v8 =	vor.u32 v2, v4;
	v4 =	vor.u32 v12, v15  }
0x140: {  	s7 =	sor.u32 $0xC00, s29;
	v19 =	vor.u32 v5, v9;
	v15 =	vor.u32 $0x20, v25;
	v31 =	vor.u32 v13, v9  }
0x141: {  	s6 =	sor.u32 $0x6C00, s29;
	s17 =	sor.u32 $0x4C00, s29;
	s29 =	sor.u32 $0x2C00, s29;
	v27 =	vor.u32 s7, v8;
	v12 =	vor.u32 v0, v4;
	v33 =	vor.u32 v28, v15  }
0x142: {  	v9 =	vor.u32 s17, v8;
	v15 =	vor.u32 v26, v15;
	v26 =	vld.idx.msk [tilespmem:v30+s26+$0x0], $0xffff;
	v30 =	vor.u32 s29, v8;
	[tilespmem:v6+s31+$0x0] =	vst.idx.msk $0xffff, v11  }
0x143: {  	s19 =	simm.s32 $0x4;
	v29 =	vld.idx.msk [tilespmem:v29+s26+$0x0], $0xffff;
	v32 =	vor.u32 s7, v12;
	v4 =	vor.u32 s6, v12;
	v11 =	vor.u32 $0x30, v25;
	[tilespmem:v23+s31+$0x0] =	vst.idx.msk $0xffff, v10  }
0x144: {  	s28 =	sand.u32 $0xE, s19;
	v6 =	vor.u32 s4, v16;
	s4 =	sand.u32 $0x70, s19;
	v23 =	vor.u32 s2, v17;
	v10 =	vor.u32 v13, v11;
	v17 =	vld.idx.msk [tilespmem:v20+s26+$0x0], $0xffff  }
0x145: {  	s7 =	sor.u32 $0x1, s28;
	v14 =	vmov s4;
	v13 =	vadd.s32 s28, v0;
	v20 =	vor.u32 s29, v12;
	v21 =	vld.idx.msk [tilespmem:v21+s26+$0x0], $0xffff  }
0x146: {  	v16 =	vshll.u32 v14, $0x6;
	v25 =	vshll.u32 v13, $0x7;
	v14 =	vadd.s32 s7, v0  }
0x147: {  	[tilespmem:v27+s31+$0x0] =	vst.idx.msk $0xffff, v26;
	v26 =	vshll.u32 v13, $0x9;
	v16 =	vor.u32 v1, v16;
	v63 =	vand.u32 $0xF, v14  }
0x148: {  	v27 =	vand.u32 $0xF, v13;
	[tilespmem:v32+s31+$0x0] =	vst.idx.msk $0xffff, v29;
	v28 =	vshll.u32 v14, $0x9;
	v29 =	vor.u32 v16, v63  }
0x149: {  	v34 =	vld.idx.msk [tilespmem:v31+s26+$0x0], $0xffff;
	v26 =	vand.u32 $0x1000, v26;
	v25 =	vand.u32 $0x380, v25;
	v31 =	vor.u32 v27, v16;
	[tilespmem:v18+s31+$0x0] =	vst.idx.msk $0xffff, v17  }
0x14a: {  	v19 =	vld.idx.msk [tilespmem:v19+s26+$0x0], $0xffff;
	v35 =	vor.u32 $0x10, v16;
	v18 =	vor.u32 v26, v25;
	v26 =	vshll.u32 v14, $0x7;
	[tilespmem:v23+s31+$0x0] =	vst.idx.msk $0xffff, v21  }
0x14b: {  	v25 =	vand.u32 $0x1000, v28;
	v18 =	vor.u32 v3, v18;
	v23 =	vand.u32 $0x380, v26;
	v22 =	vld.idx.msk [tilespmem:v22+s26+$0x0], $0xffff  }
0x14c: {  	v36 =	vor.u32 $0x20, v16;
	v17 =	vld.idx.msk [tilespmem:v24+s26+$0x0], $0xffff;
	v21 =	vor.u32 v2, v18;
	v18 =	vor.u32 v25, v23  }
0x14d: {  	s29 =	sor.u32 $0xC00, s4;
	v26 =	vor.u32 v13, v35;
	v23 =	vor.u32 v14, v35;
	v29 =	vld.idx.msk [tilespmem:v29+s26+$0x0], $0xffff;
	v25 =	vor.u32 v0, v18  }
0x14e: {  	s28 =	sor.u32 $0x4C00, s4;
	s16 =	sor.u32 $0x6C00, s4;
	[tilespmem:v30+s31+$0x0] =	vst.idx.msk $0xffff, v34;
	v30 =	vor.u32 v63, v36;
	v24 =	vor.u32 s29, v21;
	v28 =	vld.idx.msk [tilespmem:v31+s26+$0x0], $0xffff;
	v31 =	vor.u32 s29, v25  }
0x14f: {  	s2 =	sor.u32 $0x2C00, s4;
	[tilespmem:v20+s31+$0x0] =	vst.idx.msk $0xffff, v19;
	v20 =	vor.u32 s28, v21;
	v18 =	vor.u32 v27, v36;
	v27 =	vld.idx.msk [tilespmem:v33+s26+$0x0], $0xffff;
	v19 =	vor.u32 s16, v25  }
.LBB2_9:
0x150: {  	s19 =	sadd.s32 $0x2, s19;
	v36 =	vor.u32 s6, v8;
	v32 =	vld.idx.msk [tilespmem:v15+s26+$0x0], $0xffff;
	v33 =	vor.u32 v5, v11;
	v11 =	vor.u32 $0x30, v16;
	[tilespmem:v7+s31+$0x0] =	vst.idx.msk $0xffff, v22;
	s6 =	smov.u32 s16  }
0x151: {  	v34 =	vor.u32 s2, v21;
	v22 =	vor.u32 s17, v12;
	s16 =	sand.u32 $0x70, s19;
	s4 =	sand.u32 $0xE, s19;
	p0 =	slt.u32 s19, $0x7E;
	v7 =	vor.u32 v13, v11;
	[tilespmem:v6+s31+$0x0] =	vst.idx.msk $0xffff, v17;
	v6 =	vmovc v36  }
0x152: {  	v35 =	vor.u32 s2, v25;
	v5 =	vmovc v14;
	v8 =	vmovc v21;
	s17 =	smov.u32 s28;
	v36 =	vmov s16;
	v13 =	vadd.s32 s4, v0;
	s4 =	sor.u32 $0x1, s4;
	s2 =	sor.u32 $0x2C00, s16  }
0x153: {  	v12 =	vmovc v25;
	v15 =	vmovc v30;
	v16 =	vshll.u32 v36, $0x6;
	v17 =	vshll.u32 v13, $0x7;
	v14 =	vadd.s32 s4, v0;
	[tilespmem:v31+s31+$0x0] =	vst.idx.msk $0xffff, v29  }
0x154: {  	v16 =	vor.u32 v1, v16;
	v21 =	vshll.u32 v14, $0x9;
	v30 =	vand.u32 $0xF, v14;
	[tilespmem:v24+s31+$0x0] =	vst.idx.msk $0xffff, v28;
	v28 =	vld.idx.msk [tilespmem:v23+s26+$0x0], $0xffff  }
0x155: {  	v36 =	vand.u32 $0xF, v13;
	v23 =	vshll.u32 v13, $0x9;
	v25 =	vor.u32 v16, v30;
	v37 =	vld.idx.msk [tilespmem:v26+s26+$0x0], $0xffff;
	[tilespmem:v9+s31+$0x0] =	vst.idx.msk $0xffff, v27  }
0x156: {  	v27 =	vand.u32 $0x1000, v23;
	v23 =	vand.u32 $0x380, v17;
	v26 =	vor.u32 v36, v16;
	v17 =	vld.idx.msk [tilespmem:v10+s26+$0x0], $0xffff;
	[tilespmem:v22+s31+$0x0] =	vst.idx.msk $0xffff, v32  }
0x157: {  	v24 =	vand.u32 $0x1000, v21;
	v21 =	vshll.u32 v14, $0x7;
	v9 =	vmovc v20;
	v23 =	vor.u32 v27, v23;
	v10 =	vmovc v7;
	v22 =	vld.idx.msk [tilespmem:v33+s26+$0x0], $0xffff  }
.Ltmp5:
0x158: {  	v27 =	vor.u32 $0x10, v16;
	v7 =	vmovc v4;
	v4 =	vmovc v19;
	v20 =	vor.u32 v3, v23;
	v23 =	vand.u32 $0x380, v21;
	(pc) =	sbr.rel @p0 .LBB2_9-.Ltmp5, $4  }
0x159: {  	s4 =	sor.u32 $0xC00, s16;
	v21 =	vor.u32 v2, v20;
	v19 =	vor.u32 v24, v23;
	v23 =	vor.u32 v14, v27  }
0x15a: {  	s28 =	sor.u32 $0x4C00, s16;
	v32 =	vor.u32 $0x20, v16;
	v24 =	vor.u32 s4, v21;
	v29 =	vld.idx.msk [tilespmem:v25+s26+$0x0], $0xffff;
	v25 =	vor.u32 v0, v19;
	[tilespmem:v35+s31+$0x0] =	vst.idx.msk $0xffff, v28  }
0x15b: {  	s16 =	sor.u32 $0x6C00, s16;
	v20 =	vor.u32 s28, v21;
	v28 =	vld.idx.msk [tilespmem:v26+s26+$0x0], $0xffff;
	v26 =	vor.u32 v13, v27;
	v31 =	vor.u32 s4, v25;
	[tilespmem:v34+s31+$0x0] =	vst.idx.msk $0xffff, v37  }
0x15c: {  	v30 =	vor.u32 v30, v32;
	v19 =	vor.u32 s16, v25;
	v27 =	vld.idx.msk [tilespmem:v18+s26+$0x0], $0xffff;
	v18 =	vor.u32 v36, v32  }
0x15d: {  	_ =	sdelay $0x3  }
0x15e: {  	[tilespmem:v31+s31+$0x0] =	vst.idx.msk $0xffff, v29  }
0x15f: {  	v58 =	vor.u32 s2, v25;
	[tilespmem:v24+s31+$0x0] =	vst.idx.msk $0xffff, v28;
	v23 =	vld.idx.msk [tilespmem:v23+s26+$0x0], $0xffff  }
0x160: {  	v24 =	vor.u32 s2, v21;
	v26 =	vld.idx.msk [tilespmem:v26+s26+$0x0], $0xffff;
	_ =	sdelay $0x3  }
0x161: {  	v12 =	vor.u32 s17, v12;
	v15 =	vld.idx.msk [tilespmem:v15+s26+$0x0], $0xffff;
	[tilespmem:v58+s31+$0x0] =	vst.idx.msk $0xffff, v23  }
0x162: {  	v5 =	vor.u32 v5, v11;
	v11 =	vor.u32 s28, v25;
	v16 =	vor.u32 $0x30, v16;
	[tilespmem:v24+s31+$0x0] =	vst.idx.msk $0xffff, v26;
	v23 =	vld.idx.msk [tilespmem:v30+s26+$0x0], $0xffff  }
0x163: {  	v14 =	vor.u32 v14, v16;
	v18 =	vld.idx.msk [tilespmem:v18+s26+$0x0], $0xffff  }
0x164: {  	v13 =	vor.u32 v13, v16  }
0x165: {  	[tilespmem:v9+s31+$0x0] =	vst.idx.msk $0xffff, v27  }
0x166: {  	v8 =	vor.u32 s6, v8;
	[tilespmem:v12+s31+$0x0] =	vst.idx.msk $0xffff, v15;
	v9 =	vld.idx.msk [tilespmem:v10+s26+$0x0], $0xffff  }
0x167: {  	v5 =	vld.idx.msk [tilespmem:v5+s26+$0x0], $0xffff;
	[tilespmem:v11+s31+$0x0] =	vst.idx.msk $0xffff, v23  }
0x168: {  	[tilespmem:v20+s31+$0x0] =	vst.idx.msk $0xffff, v18;
	v10 =	vld.idx.msk [tilespmem:v14+s26+$0x0], $0xffff  }
0x169: {  	[tilespmem:v7+s31+$0x0] =	vst.idx.msk $0xffff, v22;
	v7 =	vor.u32 s16, v21;
	v11 =	vld.idx.msk [tilespmem:v13+s26+$0x0], $0xffff  }
0x16a: {  	[tilespmem:v6+s31+$0x0] =	vst.idx.msk $0xffff, v17  }
0x16b: {  	s7 =	sadd.s32 s10, s25;
	[tilespmem:v8+s31+$0x0] =	vst.idx.msk $0xffff, v9  }
0x16c: {  	s4 =	sshll.u32 s7, $0x9;
	s2 =	sshll.u32 s7, $0xC;
	[tilespmem:v4+s31+$0x0] =	vst.idx.msk $0xffff, v5  }
0x16d: {  	s4 =	sand.u32 $0x3C00, s4;
	s2 =	sand.u32 $0x7FFE0000, s2;
	[tilespmem:v19+s31+$0x0] =	vst.idx.msk $0xffff, v10  }
0x16e: {  	s6 =	simm.s32 $0x380;
	s2 =	sor.u32 s4, s2;
	[tilespmem:v7+s31+$0x0] =	vst.idx.msk $0xffff, v11  }
0x16f: {  	[tilespmem:s26], [sflag:$0x6] =	stream.indirect.gather [hbm4b:s5+s20], $0x40, s6, s20, $0xb8;
	[tilespmem:$0x18400] =	vst v63  }
0x170: {  	s7 =	smov.u32 s9;
	s4 =	sadd.s32 s9, s2;
	s9 =	rddreg [dreg:$0x6]  }
0x171: {  	[hbm4b:s4+s3] =	stream.linear.scatter [tilespmem:s31], [sflag:$0x7], $0x1000, $0x38;
	[tilespmem:$0x18400] =	vst v63  }
0x172: {  	s16 =	simm.s32 $0x9400;
	s17 =	rddreg [dreg:$0x7];
	s4 =	sadd.s32 s2, s9  }
0x173: {  	[hbm4b:s4+s3] =	stream.linear.scatter [tilespmem:s16], [sflag:$0x7], $0x1000, $0x38;
	[tilespmem:$0x18400] =	vst v63  }
0x174: {  	s19 =	simm.s32 $0xA400;
	s4 =	sadd.s32 s2, s17  }
0x175: {  	[hbm4b:s4+s3] =	stream.linear.scatter [tilespmem:s19], [sflag:$0x7], $0x1000, $0x38;
	[tilespmem:$0x18400] =	vst v63  }
0x176: {  	s9 =	sadd.s32 s2, s11;
	s16 =	simm.s32 $0xB400  }
0x177: {  	[hbm4b:s9+s3] =	stream.linear.scatter [tilespmem:s16], [sflag:$0x7], $0x1000, $0x38;
	[tilespmem:$0x18400] =	vst v63  }
0x178: {  	s17 =	sadd.s32 s2, s12;
	s19 =	simm.s32 $0xC400  }
0x179: {  	[hbm4b:s17+s3] =	stream.linear.scatter [tilespmem:s19], [sflag:$0x7], $0x1000, $0x38;
	[tilespmem:$0x18400] =	vst v63  }
0x17a: {  	s6 =	sadd.s32 s2, s13;
	s9 =	simm.s32 $0xD400  }
0x17b: {  	[hbm4b:s6+s3] =	stream.linear.scatter [tilespmem:s9], [sflag:$0x7], $0x1000, $0x38;
	[tilespmem:$0x18400] =	vst v63  }
0x17c: {  	s16 =	sadd.s32 s2, s14;
	s17 =	simm.s32 $0xE400  }
0x17d: {  	[hbm4b:s16+s3] =	stream.linear.scatter [tilespmem:s17], [sflag:$0x7], $0x1000, $0x38;
	[tilespmem:$0x18400] =	vst v63  }
0x17e: {  	s2 =	sadd.s32 s2, s15;
	s19 =	simm.s32 $0xF400  }
0x17f: {  	[hbm4b:s2+s3] =	stream.linear.scatter [tilespmem:s19], [sflag:$0x7], $0x1000, $0x38;
	[tilespmem:$0x18400] =	vst v63  }
0x180: {  	p0 =	seq.s32 s0, $0x18;
	s2 =	rddreg [dreg:$0x8]  }
0x181: {  	s2 =	sadd.s32 @!p0 s25, s2  }
0x182: {  	s2 =	sshll.u32 @!p0 s2, $0x6  }
0x183: {  	p1 =	seq.s32 @!p0 s0, $0x0;
	s4 =	rddreg [dreg:$0x3];
	s2 =	sand.u32 @!p0 $0xFFFFF80, s2  }
0x184: {  	p1 =	por p0, !p1;
	s2 =	sadd.s32 @!p0 s4, s2;
	s4 =	simm.s32 @!p0 $0x0  }
0x185: {  	[tilespmem:s4], [sflag:$0x1] =	stream.linear.gather @!p0 [hbm4b:s2+s4], $0x200, $0x38;
	[tilespmem:$0x18400] =	vst v63  }
0x186: {  	s2 =	simm.s32 @p1 $0x8  }
0x187: {  	_ =	swait.ge @p1 [sflag:s2], $0x1000  }
0x188: {  	[sflag:s2] =	ssyncset.done @p1 $0x0  }
0x189: {  	[sflag:s2] =	ssyncadd.s32 @p1 $0xFFFFF000  }
0x18a: {  	_ =	swait.ge @p1 [sflag:s2], $0x1000  }
0x18b: {  	[sflag:s2] =	ssyncset.done @p1 $0x0  }
0x18c: {  	[sflag:s2] =	ssyncadd.s32 @p1 $0xFFFFF000  }
0x18d: {  	_ =	swait.ge @p1 [sflag:s2], $0x1000  }
0x18e: {  	[sflag:s2] =	ssyncset.done @p1 $0x0  }
0x18f: {  	[sflag:s2] =	ssyncadd.s32 @p1 $0xFFFFF000  }
0x190: {  	_ =	swait.ge @p1 [sflag:s2], $0x1000  }
0x191: {  	[sflag:s2] =	ssyncset.done @p1 $0x0  }
0x192: {  	[sflag:s2] =	ssyncadd.s32 @p1 $0xFFFFF000  }
0x193: {  	_ =	swait.ge @p1 [sflag:s2], $0x1000  }
0x194: {  	[sflag:s2] =	ssyncset.done @p1 $0x0  }
0x195: {  	[sflag:s2] =	ssyncadd.s32 @p1 $0xFFFFF000  }
0x196: {  	_ =	swait.ge @p1 [sflag:s2], $0x1000  }
0x197: {  	[sflag:s2] =	ssyncset.done @p1 $0x0  }
0x198: {  	[sflag:s2] =	ssyncadd.s32 @p1 $0xFFFFF000  }
0x199: {  	_ =	swait.ge @p1 [sflag:s2], $0x1000  }
0x19a: {  	[sflag:s2] =	ssyncset.done @p1 $0x0  }
0x19b: {  	s6 =	simm.s32 $0x0;
	[sflag:s2] =	ssyncadd.s32 @p1 $0xFFFFF000  }
0x19c: {  	p2 =	seq.s32 @p1 s0, $0x18;
	s4 =	sand.u32 $0xE, s6;
	_ =	swait.ge @p1 [sflag:s2], $0x1000  }
0x19d: {  	p2 =	por !p1, !p2;
	v5 =	vadd.s32 s4, v0;
	[sflag:s2] =	ssyncset.done @p1 $0x0  }
0x19e: {  	s4 =	sor.u32 $0x1, s4;
	v6 =	vand.u32 $0xF, v5;
	[sflag:s2] =	ssyncadd.s32 @p1 $0xFFFFF000;
	s2 =	simm.s32 @p2 $0x1  }
0x19f: {  	v7 =	vadd.s32 s4, v0;
	v8 =	vshll.u32 v5, $0x9;
	v10 =	vshll.u32 v5, $0x7;
	_ =	swait.ge @p2 [sflag:s2], $0x200  }
0x1a0: {  	v8 =	vand.u32 $0x1000, v8;
	v10 =	vand.u32 $0x380, v10;
	v13 =	vshll.u32 v7, $0x9;
	[sflag:s2] =	ssyncset.done @p2 $0x0  }
0x1a1: {  	v8 =	vor.u32 v8, v10;
	v10 =	vshll.u32 v7, $0x7;
	v13 =	vand.u32 $0x1000, v13;
	[sflag:s2] =	ssyncadd.s32 @p2 $0xFFFFFE00;
	s2 =	sand.u32 $0x70, s6  }
0x1a2: {  	v8 =	vor.u32 v3, v8;
	v10 =	vand.u32 $0x380, v10;
	v4 =	vmov s2  }
0x1a3: {  	v15 =	vor.u32 v2, v8;
	v8 =	vor.u32 v13, v10;
	v4 =	vshll.u32 v4, $0x6  }
0x1a4: {  	v9 =	vand.u32 $0xF, v7;
	v16 =	vor.u32 v0, v8;
	v4 =	vor.u32 v1, v4  }
0x1a5: {  	v13 =	vor.u32 s2, v15;
	v17 =	vor.u32 s2, v16;
	s9 =	sor.u32 $0x2000, s2;
	v11 =	vor.u32 v6, v4  }
0x1a6: {  	v22 =	vor.u32 s9, v16;
	v12 =	vor.u32 v4, v9;
	v14 =	vor.u32 $0x10, v4  }
0x1a7: {  	s16 =	simm.s32 $0x2;
	_ =	swait.ge [sflag:s30], $0x2000;
	v8 =	vor.u32 $0x20, v4;
	v4 =	vor.u32 $0x30, v4;
	v10 =	vor.u32 v5, v14  }
0x1a8: {  	s17 =	sand.u32 $0x70, s16;
	[sflag:s30] =	ssyncset.done $0x0;
	v14 =	vor.u32 v7, v14;
	v18 =	vor.u32 v6, v8;
	v19 =	vor.u32 v5, v4  }
0x1a9: {  	s6 =	sand.u32 $0xE, s16;
	[sflag:s30] =	ssyncadd.s32 $0xFFFFE000;
	v20 =	vor.u32 v9, v8;
	v21 =	vor.u32 v7, v4;
	v5 =	vmov s17  }
0x1aa: {  	v7 =	vadd.s32 s6, v0;
	v9 =	vor.u32 s9, v15;
	v5 =	vshll.u32 v5, $0x6;
	v4 =	vld.idx.msk [tilespmem:v11+s21+$0x0], $0xffff  }
0x1ab: {  	s6 =	sor.u32 $0x1, s6;
	v8 =	vand.u32 $0xF, v7;
	v24 =	vshll.u32 v7, $0x7;
	v5 =	vor.u32 v1, v5;
	v6 =	vld.idx.msk [tilespmem:v12+s21+$0x0], $0xffff  }
0x1ac: {  	s19 =	sor.u32 $0x6000, s2;
	v24 =	vand.u32 $0x380, v24;
	v11 =	vadd.s32 s6, v0;
	v12 =	vshll.u32 v7, $0x9;
	s6 =	sor.u32 $0x4000, s2;
	s2 =	simm.s32 $0x4  }
0x1ad: {  	v25 =	vor.u32 v8, v5;
	v23 =	vand.u32 $0xF, v11;
	v12 =	vand.u32 $0x1000, v12;
	s9 =	sand.u32 $0xE, s2  }
0x1ae: {  	v27 =	vshll.u32 v11, $0x9;
	v26 =	vor.u32 v5, v23;
	v62 =	vadd.s32 s9, v0  }
0x1af: {  	v32 =	vand.u32 $0xF, v62;
	[tilespmem:v13+s18+$0x0] =	vst.idx.msk $0xffff, v4;
	v4 =	vor.u32 v12, v24;
	v12 =	vand.u32 $0x1000, v27  }
0x1b0: {  	v13 =	vshll.u32 v11, $0x7;
	[tilespmem:v17+s18+$0x0] =	vst.idx.msk $0xffff, v6;
	v17 =	vor.u32 $0x20, v5;
	v4 =	vor.u32 v3, v4  }
0x1b1: {  	v24 =	vld.idx.msk [tilespmem:v10+s21+$0x0], $0xffff;
	v10 =	vor.u32 $0x10, v5;
	v6 =	vand.u32 $0x380, v13;
	v5 =	vor.u32 $0x30, v5  }
0x1b2: {  	v13 =	vld.idx.msk [tilespmem:v14+s21+$0x0], $0xffff;
	v60 =	vor.u32 v23, v17;
	v4 =	vor.u32 v2, v4;
	v6 =	vor.u32 v12, v6  }
0x1b3: {  	v25 =	vld.idx.msk [tilespmem:v25+s21+$0x0], $0xffff;
	v14 =	vor.u32 v7, v10;
	v12 =	vor.u32 s17, v4;
	v6 =	vor.u32 v0, v6  }
0x1b4: {  	v59 =	vor.u32 v11, v10;
	v10 =	vor.u32 v8, v17;
	v17 =	vld.idx.msk [tilespmem:v26+s21+$0x0], $0xffff;
	v27 =	vor.u32 s17, v6  }
0x1b5: {  	s16 =	sor.u32 $0x2000, s17;
	v8 =	vor.u32 v7, v5;
	v7 =	vor.u32 v11, v5;
	v5 =	vor.u32 s19, v16  }
0x1b6: {  	v23 =	vor.u32 s16, v4;
	v61 =	vor.u32 s16, v6;
	[tilespmem:v9+s18+$0x0] =	vst.idx.msk $0xffff, v24;
	v9 =	vor.u32 s19, v15;
	s19 =	sand.u32 $0x70, s2  }
0x1b7: {  	s4 =	sor.u32 $0x1, s9;
	[tilespmem:v22+s18+$0x0] =	vst.idx.msk $0xffff, v13;
	v13 =	vor.u32 s6, v15;
	v15 =	vor.u32 s6, v16;
	v16 =	vld.idx.msk [tilespmem:v18+s21+$0x0], $0xffff;
	v11 =	vmov s19  }
0x1b8: {  	v18 =	vld.idx.msk [tilespmem:v20+s21+$0x0], $0xffff;
	v20 =	vshll.u32 v11, $0x6;
	v11 =	vadd.s32 s4, v0;
	[tilespmem:v12+s18+$0x0] =	vst.idx.msk $0xffff, v25;
	v12 =	vshll.u32 v62, $0x9  }
0x1b9: {  	v24 =	vor.u32 v1, v20;
	v33 =	vand.u32 $0xF, v11;
	[tilespmem:v27+s18+$0x0] =	vst.idx.msk $0xffff, v17;
	v17 =	vshll.u32 v62, $0x7  }
0x1ba: {  	v14 =	vld.idx.msk [tilespmem:v14+s21+$0x0], $0xffff;
	v12 =	vand.u32 $0x1000, v12;
	v22 =	vshll.u32 v11, $0x9;
	v20 =	vor.u32 v32, v24  }
0x1bb: {  	v25 =	vor.u32 v24, v33;
	v27 =	vld.idx.msk [tilespmem:v59+s21+$0x0], $0xffff;
	v17 =	vand.u32 $0x380, v17;
	v22 =	vand.u32 $0x1000, v22  }
0x1bc: {  	v63 =	vor.u32 $0x20, v24;
	v12 =	vor.u32 v12, v17;
	[tilespmem:v13+s18+$0x0] =	vst.idx.msk $0xffff, v16;
	v13 =	vshll.u32 v11, $0x7  }
0x1bd: {  	[tilespmem:v15+s18+$0x0] =	vst.idx.msk $0xffff, v18;
	v12 =	vor.u32 v3, v12;
	v17 =	vld.idx.msk [tilespmem:v19+s21+$0x0], $0xffff;
	v19 =	vor.u32 $0x10, v24;
	v15 =	vand.u32 $0x380, v13  }
0x1be: {  	v13 =	vld.idx.msk [tilespmem:v21+s21+$0x0], $0xffff;
	v16 =	vor.u32 v2, v12;
	v18 =	vor.u32 v62, v19;
	v12 =	vor.u32 v22, v15  }
0x1bf: {  	v26 =	vor.u32 $0x30, v24;
	v22 =	vor.u32 s19, v16;
	[tilespmem:v23+s18+$0x0] =	vst.idx.msk $0xffff, v14;
	v21 =	vor.u32 v11, v19;
	v20 =	vld.idx.msk [tilespmem:v20+s21+$0x0], $0xffff  }
0x1c0: {  	s29 =	sor.u32 $0x4000, s17;
	s6 =	sor.u32 $0x1, s25;
	v14 =	vor.u32 v62, v26;
	v15 =	vor.u32 v0, v12;
	v23 =	vld.idx.msk [tilespmem:v25+s21+$0x0], $0xffff;
	[tilespmem:v61+s18+$0x0] =	vst.idx.msk $0xffff, v27  }
0x1c1: {  	s28 =	sor.u32 $0x2000, s19;
	s16 =	sor.u32 $0x4000, s19;
	s4 =	sor.u32 $0x6000, s17;
	v25 =	vor.u32 v32, v63;
	v12 =	vor.u32 v33, v63;
	v24 =	vor.u32 s19, v15;
	v19 =	vld.idx.msk [tilespmem:v60+s21+$0x0], $0xffff  }
.LBB2_11:
0x1c2: {  	s2 =	sadd.s32 $0x2, s2;
	v26 =	vor.u32 v11, v26;
	v27 =	vld.idx.msk [tilespmem:v10+s21+$0x0], $0xffff;
	v32 =	vor.u32 s4, v6;
	[tilespmem:v9+s18+$0x0] =	vst.idx.msk $0xffff, v17;
	v9 =	vor.u32 s4, v4  }
0x1c3: {  	v28 =	vor.u32 s28, v15;
	v17 =	vor.u32 s29, v4;
	v29 =	vor.u32 s29, v6;
	v4 =	vmovc v16;
	s17 =	sand.u32 $0x70, s2;
	s4 =	sand.u32 $0xE, s2;
	p1 =	slt.u32 s2, $0x7E;
	[tilespmem:v5+s18+$0x0] =	vst.idx.msk $0xffff, v13;
	v5 =	vmovc v32  }
0x1c4: {  	v6 =	vmovc v15;
	v10 =	vmovc v25;
	v31 =	vor.u32 s28, v4;
	v11 =	vmov s17;
	v30 =	vadd.s32 s4, v0;
	s9 =	sor.u32 $0x4000, s17;
	s4 =	sor.u32 $0x1, s4;
	s28 =	sor.u32 $0x2000, s17  }
0x1c5: {  	s29 =	smov.u32 s16;
	v13 =	vshll.u32 v11, $0x6;
	v25 =	vand.u32 $0xF, v30;
	v11 =	vadd.s32 s4, v0;
	[tilespmem:v22+s18+$0x0] =	vst.idx.msk $0xffff, v20;
	s16 =	smov.u32 s9  }
0x1c6: {  	v15 =	vshll.u32 v30, $0x9;
	v32 =	vor.u32 v1, v13;
	v33 =	vand.u32 $0xF, v11;
	v34 =	vld.idx.msk [tilespmem:v18+s21+$0x0], $0xffff;
	[tilespmem:v24+s18+$0x0] =	vst.idx.msk $0xffff, v23  }
0x1c7: {  	v13 =	vshll.u32 v30, $0x7;
	v20 =	vor.u32 v25, v32;
	v23 =	vor.u32 v32, v33;
	v35 =	vld.idx.msk [tilespmem:v21+s21+$0x0], $0xffff  }
0x1c8: {  	v15 =	vand.u32 $0x1000, v15;
	v16 =	vshll.u32 v11, $0x9;
	v13 =	vand.u32 $0x380, v13;
	[tilespmem:v17+s18+$0x0] =	vst.idx.msk $0xffff, v27  }
0x1c9: {  	v13 =	vor.u32 v15, v13;
	v15 =	vand.u32 $0x1000, v16;
	v16 =	vshll.u32 v11, $0x7;
	v17 =	vld.idx.msk [tilespmem:v8+s21+$0x0], $0xffff;
	[tilespmem:v29+s18+$0x0] =	vst.idx.msk $0xffff, v19  }
.Ltmp6:
0x1ca: {  	v18 =	vor.u32 v3, v13;
	v19 =	vor.u32 $0x10, v32;
	v21 =	vand.u32 $0x380, v16;
	v8 =	vmovc v14;
	v13 =	vld.idx.msk [tilespmem:v7+s21+$0x0], $0xffff;
	v7 =	vmovc v26;
	(pc) =	sbr.rel @p1 .LBB2_11-.Ltmp6, $4  }
0x1cb: {  	v16 =	vor.u32 v2, v18;
	v18 =	vor.u32 v30, v19;
	v14 =	vor.u32 v15, v21  }
0x1cc: {  	v27 =	vor.u32 $0x20, v32;
	v22 =	vor.u32 s17, v16;
	v15 =	vor.u32 v0, v14;
	v20 =	vld.idx.msk [tilespmem:v20+s21+$0x0], $0xffff;
	[tilespmem:v31+s18+$0x0] =	vst.idx.msk $0xffff, v34  }
0x1cd: {  	v26 =	vor.u32 $0x30, v32;
	v21 =	vor.u32 v11, v19;
	v24 =	vor.u32 s17, v15;
	v23 =	vld.idx.msk [tilespmem:v23+s21+$0x0], $0xffff;
	[tilespmem:v28+s18+$0x0] =	vst.idx.msk $0xffff, v35  }
0x1ce: {  	s4 =	sor.u32 $0x6000, s19;
	s19 =	smov.u32 s17;
	v25 =	vor.u32 v25, v27;
	v14 =	vor.u32 v30, v26;
	v19 =	vld.idx.msk [tilespmem:v12+s21+$0x0], $0xffff;
	v12 =	vor.u32 v33, v27  }
0x1cf: {  	_ =	sdelay $0x3  }
0x1d0: {  	[tilespmem:v22+s18+$0x0] =	vst.idx.msk $0xffff, v20  }
0x1d1: {  	v20 =	vor.u32 s28, v16;
	v18 =	vld.idx.msk [tilespmem:v18+s21+$0x0], $0xffff  }
0x1d2: {  	[tilespmem:v24+s18+$0x0] =	vst.idx.msk $0xffff, v23  }
0x1d3: {  	v22 =	vor.u32 s28, v15;
	v21 =	vld.idx.msk [tilespmem:v21+s21+$0x0], $0xffff  }
0x1d4: {  	v24 =	vor.u32 s29, v6  }
0x1d5: {  	v10 =	vld.idx.msk [tilespmem:v10+s21+$0x0], $0xffff;
	v23 =	vor.u32 s29, v4  }
0x1d6: {  	[tilespmem:v20+s18+$0x0] =	vst.idx.msk $0xffff, v18  }
0x1d7: {  	v20 =	vor.u32 s16, v16;
	v18 =	vld.idx.msk [tilespmem:v25+s21+$0x0], $0xffff  }
0x1d8: {  	[tilespmem:v22+s18+$0x0] =	vst.idx.msk $0xffff, v21  }
0x1d9: {  	[tilespmem:v24+s18+$0x0] =	vst.idx.msk $0xffff, v19;
	v21 =	vor.u32 s16, v15;
	v12 =	vld.idx.msk [tilespmem:v12+s21+$0x0], $0xffff  }
0x1da: {  	v11 =	vor.u32 v11, v26;
	v6 =	vor.u32 s4, v6;
	[tilespmem:v23+s18+$0x0] =	vst.idx.msk $0xffff, v10;
	v7 =	vld.idx.msk [tilespmem:v7+s21+$0x0], $0xffff  }
0x1db: {  	[tilespmem:v9+s18+$0x0] =	vst.idx.msk $0xffff, v17;
	s17 =	simm.s32 $0x0;
	v4 =	vor.u32 s4, v4;
	v8 =	vld.idx.msk [tilespmem:v8+s21+$0x0], $0xffff  }
0x1dc: {  	s2 =	sor.u32 $0x6000, s19;
	s9 =	sand.u32 $0x70, s17;
	[tilespmem:v20+s18+$0x0] =	vst.idx.msk $0xffff, v18  }
0x1dd: {  	[tilespmem:v5+s18+$0x0] =	vst.idx.msk $0xffff, v13;
	v9 =	vor.u32 s2, v16;
	s4 =	sand.u32 $0xE, s17;
	v10 =	vld.idx.msk [tilespmem:v14+s21+$0x0], $0xffff;
	v14 =	vmov s9  }
0x1de: {  	s19 =	sor.u32 $0x1, s4;
	[tilespmem:v21+s18+$0x0] =	vst.idx.msk $0xffff, v12;
	v12 =	vor.u32 s2, v15;
	v15 =	vadd.s32 s4, v0;
	v5 =	vshll.u32 v14, $0x6  }
0x1df: {  	[tilespmem:v6+s18+$0x0] =	vst.idx.msk $0xffff, v7;
	v11 =	vld.idx.msk [tilespmem:v11+s21+$0x0], $0xffff;
	v13 =	vshll.u32 v15, $0x7;
	v14 =	vadd.s32 s19, v0;
	v6 =	vshll.u32 v15, $0x9  }
0x1e0: {  	[tilespmem:v4+s18+$0x0] =	vst.idx.msk $0xffff, v8;
	v7 =	vand.u32 $0xF, v15;
	v4 =	vor.u32 v1, v5;
	v5 =	vshll.u32 v14, $0x9  }
0x1e1: {  	v8 =	vand.u32 $0xF, v14;
	v6 =	vand.u32 $0x1000, v6;
	v22 =	vor.u32 $0x30, v4  }
0x1e2: {  	v16 =	vor.u32 v4, v8;
	v5 =	vand.u32 $0x1000, v5;
	v24 =	vor.u32 v15, v22  }
0x1e3: {  	v22 =	vor.u32 v14, v22;
	[tilespmem:v9+s18+$0x0] =	vst.idx.msk $0xffff, v10;
	v9 =	vand.u32 $0x380, v13;
	v10 =	vor.u32 v7, v4  }
0x1e4: {  	s16 =	simm.s32 @!p0 $0x400;
	s2 =	simm.s32 @!p0 $0x80;
	s4 =	simm.s32 @!p0 $0x0;
	[tilespmem:v12+s18+$0x0] =	vst.idx.msk $0xffff, v11;
	v6 =	vor.u32 v6, v9;
	v9 =	vshll.u32 v14, $0x7;
	v11 =	vor.u32 $0x10, v4  }
0x1e5: {  	[tilespmem:s16], [sflag:$0x3] =	stream.indirect.gather @!p0 [hbm4b:s5+s2], $0x40, s4, s2, $0xb8;
	v6 =	vor.u32 v3, v6;
	v9 =	vand.u32 $0x380, v9;
	v12 =	vor.u32 v14, v11;
	[tilespmem:$0x18400] =	vst v63  }
0x1e6: {  	s4 =	sor.u32 $0x400, s9;
	v13 =	vor.u32 v2, v6;
	v5 =	vor.u32 v5, v9;
	_ =	swait.ge [sflag:s1], $0x2000;
	v6 =	vor.u32 $0x20, v4  }
0x1e7: {  	s19 =	simm.s32 $0x2;
	s16 =	sor.u32 $0x4400, s9;
	v17 =	vor.u32 s4, v13;
	v18 =	vor.u32 v0, v5;
	[sflag:s1] =	ssyncset.done $0x0;
	v5 =	vor.u32 v15, v11  }
0x1e8: {  	s17 =	sor.u32 $0x2400, s9;
	s28 =	sand.u32 $0x70, s19;
	v19 =	vor.u32 s16, v13;
	v20 =	vor.u32 v7, v6;
	v21 =	vor.u32 v8, v6;
	[sflag:s1] =	ssyncadd.s32 $0xFFFFE000  }
0x1e9: {  	v23 =	vor.u32 s17, v13;
	v6 =	vmov s28;
	v11 =	vor.u32 s4, v18;
	s4 =	sor.u32 $0x6400, s9;
	s9 =	sand.u32 $0xE, s19;
	v4 =	vld.idx.msk [tilespmem:v16+s22+$0x0], $0xffff  }
0x1ea: {  	v25 =	vor.u32 s17, v18;
	v8 =	vshll.u32 v6, $0x6;
	v16 =	vadd.s32 s9, v0;
	v7 =	vld.idx.msk [tilespmem:v10+s22+$0x0], $0xffff  }
0x1eb: {  	v9 =	vor.u32 s4, v18;
	s9 =	sor.u32 $0x1, s9;
	v26 =	vor.u32 v1, v8;
	v10 =	vshll.u32 v16, $0x7  }
0x1ec: {  	v6 =	vadd.s32 s9, v0;
	v27 =	vshll.u32 v16, $0x9;
	v28 =	vand.u32 $0xF, v16  }
0x1ed: {  	v8 =	vshll.u32 v6, $0x9;
	v15 =	vand.u32 $0xF, v6;
	v27 =	vand.u32 $0x1000, v27  }
0x1ee: {  	v10 =	vand.u32 $0x380, v10;
	v30 =	vor.u32 v28, v26;
	v29 =	vor.u32 v26, v15;
	[tilespmem:v11+s18+$0x0] =	vst.idx.msk $0xffff, v4  }
0x1ef: {  	v8 =	vand.u32 $0x1000, v8;
	v4 =	vor.u32 v27, v10;
	v10 =	vshll.u32 v6, $0x7;
	[tilespmem:v17+s18+$0x0] =	vst.idx.msk $0xffff, v7;
	v11 =	vld.idx.msk [tilespmem:v12+s22+$0x0], $0xffff  }
0x1f0: {  	v17 =	vor.u32 $0x10, v26;
	v4 =	vor.u32 v3, v4;
	v10 =	vand.u32 $0x380, v10;
	v27 =	vld.idx.msk [tilespmem:v5+s22+$0x0], $0xffff  }
0x1f1: {  	v31 =	vor.u32 v6, v17;
	v5 =	vor.u32 $0x20, v26;
	v17 =	vor.u32 v16, v17  }
0x1f2: {  	v7 =	vor.u32 v2, v4;
	v4 =	vor.u32 v8, v10;
	v34 =	vor.u32 v28, v5  }
0x1f3: {  	s2 =	simm.s32 $0x4;
	s17 =	sor.u32 $0x4400, s28;
	s9 =	sor.u32 $0x400, s28;
	v15 =	vor.u32 v15, v5;
	v5 =	vor.u32 s4, v13;
	v12 =	vor.u32 v0, v4  }
0x1f4: {  	s19 =	sor.u32 $0x6400, s28;
	s4 =	sand.u32 $0x70, s2;
	v32 =	vor.u32 s9, v7;
	v8 =	vor.u32 s17, v7;
	v29 =	vld.idx.msk [tilespmem:v29+s22+$0x0], $0xffff;
	v33 =	vor.u32 s9, v12;
	[tilespmem:v25+s18+$0x0] =	vst.idx.msk $0xffff, v11  }
0x1f5: {  	v14 =	vmov s4;
	v4 =	vor.u32 s19, v12;
	s9 =	sor.u32 $0x2400, s28;
	s28 =	sand.u32 $0xE, s2;
	v25 =	vld.idx.msk [tilespmem:v30+s22+$0x0], $0xffff;
	v11 =	vor.u32 $0x30, v26;
	[tilespmem:v23+s18+$0x0] =	vst.idx.msk $0xffff, v27  }
0x1f6: {  	v13 =	vadd.s32 s28, v0;
	v27 =	vor.u32 s9, v7;
	v10 =	vor.u32 v16, v11;
	v16 =	vld.idx.msk [tilespmem:v20+s22+$0x0], $0xffff  }
0x1f7: {  	v23 =	vor.u32 s16, v18;
	s16 =	sor.u32 $0x1, s28;
	v18 =	vshll.u32 v14, $0x6;
	v26 =	vshll.u32 v13, $0x7;
	v21 =	vld.idx.msk [tilespmem:v21+s22+$0x0], $0xffff  }
0x1f8: {  	v62 =	vand.u32 $0xF, v13;
	v20 =	vor.u32 s9, v12;
	v14 =	vadd.s32 s16, v0  }
0x1f9: {  	v18 =	vor.u32 v1, v18;
	v26 =	vand.u32 $0x380, v26;
	v28 =	vshll.u32 v14, $0x9;
	[tilespmem:v33+s18+$0x0] =	vst.idx.msk $0xffff, v29  }
0x1fa: {  	v30 =	vand.u32 $0xF, v14;
	v63 =	vor.u32 v62, v18;
	v31 =	vld.idx.msk [tilespmem:v31+s22+$0x0], $0xffff;
	[tilespmem:v32+s18+$0x0] =	vst.idx.msk $0xffff, v25;
	v25 =	vshll.u32 v13, $0x9  }
0x1fb: {  	v35 =	vor.u32 $0x10, v18;
	v29 =	vor.u32 v18, v30;
	v17 =	vld.idx.msk [tilespmem:v17+s22+$0x0], $0xffff;
	v25 =	vand.u32 $0x1000, v25;
	[tilespmem:v19+s18+$0x0] =	vst.idx.msk $0xffff, v16  }
0x1fc: {  	v36 =	vor.u32 $0x20, v18;
	[tilespmem:v23+s18+$0x0] =	vst.idx.msk $0xffff, v21;
	v19 =	vor.u32 v25, v26;
	v26 =	vshll.u32 v14, $0x7;
	v16 =	vld.idx.msk [tilespmem:v24+s22+$0x0], $0xffff  }
0x1fd: {  	v25 =	vand.u32 $0x1000, v28;
	v23 =	vld.idx.msk [tilespmem:v22+s22+$0x0], $0xffff;
	v19 =	vor.u32 v3, v19;
	v24 =	vand.u32 $0x380, v26  }
0x1fe: {  	v30 =	vor.u32 v30, v36;
	v21 =	vor.u32 v2, v19;
	v19 =	vor.u32 v25, v24  }
0x1ff: {  	s16 =	sor.u32 $0x400, s4;
	v22 =	vor.u32 v14, v35;
	v28 =	vld.idx.msk [tilespmem:v63+s22+$0x0], $0xffff;
	[tilespmem:v20+s18+$0x0] =	vst.idx.msk $0xffff, v31;
	v25 =	vor.u32 v0, v19  }
0x200: {  	s29 =	sor.u32 $0x6400, s4;
	s28 =	sor.u32 $0x4400, s4;
	v29 =	vld.idx.msk [tilespmem:v29+s22+$0x0], $0xffff;
	v26 =	vor.u32 v13, v35;
	v24 =	vor.u32 s16, v21;
	v31 =	vor.u32 s16, v25;
	[tilespmem:v27+s18+$0x0] =	vst.idx.msk $0xffff, v17  }
0x201: {  	v20 =	vor.u32 s28, v21;
	v19 =	vor.u32 v62, v36;
	s16 =	sor.u32 $0x2400, s4;
	v17 =	vor.u32 s29, v25;
	v27 =	vld.idx.msk [tilespmem:v34+s22+$0x0], $0xffff  }
.LBB2_13:
0x202: {  	s2 =	sadd.s32 $0x2, s2;
	v36 =	vor.u32 s19, v7;
	v32 =	vld.idx.msk [tilespmem:v15+s22+$0x0], $0xffff;
	v33 =	vor.u32 v6, v11;
	v11 =	vor.u32 $0x30, v18;
	[tilespmem:v9+s18+$0x0] =	vst.idx.msk $0xffff, v23;
	s19 =	smov.u32 s29  }
0x203: {  	v34 =	vor.u32 s16, v21;
	v23 =	vor.u32 s17, v12;
	s29 =	sand.u32 $0x70, s2;
	s4 =	sand.u32 $0xE, s2;
	p1 =	slt.u32 s2, $0x7E;
	v9 =	vor.u32 v13, v11;
	[tilespmem:v5+s18+$0x0] =	vst.idx.msk $0xffff, v16;
	v5 =	vmovc v36  }
0x204: {  	v35 =	vor.u32 s16, v25;
	v6 =	vmovc v14;
	v7 =	vmovc v21;
	s17 =	smov.u32 s28;
	v18 =	vmov s29;
	v13 =	vadd.s32 s4, v0;
	s4 =	sor.u32 $0x1, s4;
	s16 =	sor.u32 $0x2400, s29  }
0x205: {  	v12 =	vmovc v25;
	v15 =	vmovc v30;
	v16 =	vshll.u32 v18, $0x6;
	v21 =	vshll.u32 v13, $0x7;
	v14 =	vadd.s32 s4, v0;
	[tilespmem:v31+s18+$0x0] =	vst.idx.msk $0xffff, v29  }
0x206: {  	v18 =	vor.u32 v1, v16;
	v25 =	vshll.u32 v14, $0x9;
	v30 =	vand.u32 $0xF, v14;
	[tilespmem:v24+s18+$0x0] =	vst.idx.msk $0xffff, v28;
	v28 =	vld.idx.msk [tilespmem:v22+s22+$0x0], $0xffff  }
0x207: {  	v36 =	vand.u32 $0xF, v13;
	v16 =	vshll.u32 v13, $0x9;
	v29 =	vor.u32 v18, v30;
	v37 =	vld.idx.msk [tilespmem:v26+s22+$0x0], $0xffff;
	[tilespmem:v8+s18+$0x0] =	vst.idx.msk $0xffff, v27  }
0x208: {  	v21 =	vand.u32 $0x380, v21;
	v27 =	vand.u32 $0x1000, v16;
	v26 =	vor.u32 v36, v18;
	v16 =	vld.idx.msk [tilespmem:v10+s22+$0x0], $0xffff;
	[tilespmem:v23+s18+$0x0] =	vst.idx.msk $0xffff, v32  }
0x209: {  	v24 =	vshll.u32 v14, $0x7;
	v22 =	vand.u32 $0x1000, v25;
	v8 =	vmovc v20;
	v21 =	vor.u32 v27, v21;
	v10 =	vmovc v9;
	v23 =	vld.idx.msk [tilespmem:v33+s22+$0x0], $0xffff  }
.Ltmp7:
0x20a: {  	v24 =	vand.u32 $0x380, v24;
	v27 =	vor.u32 $0x10, v18;
	v9 =	vmovc v4;
	v4 =	vmovc v17;
	v20 =	vor.u32 v3, v21;
	(pc) =	sbr.rel @p1 .LBB2_13-.Ltmp7, $4  }
0x20b: {  	s4 =	sor.u32 $0x400, s29;
	v17 =	vor.u32 v22, v24;
	v22 =	vor.u32 v14, v27;
	v21 =	vor.u32 v2, v20  }
0x20c: {  	s28 =	sor.u32 $0x4400, s29;
	v32 =	vor.u32 $0x20, v18;
	v25 =	vor.u32 v0, v17;
	v24 =	vor.u32 s4, v21;
	v29 =	vld.idx.msk [tilespmem:v29+s22+$0x0], $0xffff;
	[tilespmem:v35+s18+$0x0] =	vst.idx.msk $0xffff, v28  }
0x20d: {  	s29 =	sor.u32 $0x6400, s29;
	v31 =	vor.u32 s4, v25;
	v20 =	vor.u32 s28, v21;
	v28 =	vld.idx.msk [tilespmem:v26+s22+$0x0], $0xffff;
	v26 =	vor.u32 v13, v27;
	[tilespmem:v34+s18+$0x0] =	vst.idx.msk $0xffff, v37  }
0x20e: {  	v30 =	vor.u32 v30, v32;
	v17 =	vor.u32 s29, v25;
	v27 =	vld.idx.msk [tilespmem:v19+s22+$0x0], $0xffff;
	v19 =	vor.u32 v36, v32  }
0x20f: {  	_ =	sdelay $0x3  }
0x210: {  	[tilespmem:v31+s18+$0x0] =	vst.idx.msk $0xffff, v29  }
0x211: {  	v29 =	vor.u32 s16, v25;
	[tilespmem:v24+s18+$0x0] =	vst.idx.msk $0xffff, v28;
	v22 =	vld.idx.msk [tilespmem:v22+s22+$0x0], $0xffff  }
0x212: {  	v24 =	vor.u32 s16, v21;
	v26 =	vld.idx.msk [tilespmem:v26+s22+$0x0], $0xffff;
	_ =	sdelay $0x1  }
0x213: {  	v15 =	vld.idx.msk [tilespmem:v15+s22+$0x0], $0xffff;
	v12 =	vor.u32 s17, v12  }
0x214: {  	v6 =	vor.u32 v6, v11;
	[tilespmem:v9+s18+$0x0] =	vst.idx.msk $0xffff, v23  }
0x215: {  	[tilespmem:v29+s18+$0x0] =	vst.idx.msk $0xffff, v22  }
0x216: {  	v11 =	vor.u32 $0x30, v18;
	v22 =	vor.u32 s28, v25;
	[tilespmem:v24+s18+$0x0] =	vst.idx.msk $0xffff, v26;
	v18 =	vld.idx.msk [tilespmem:v30+s22+$0x0], $0xffff  }
0x217: {  	v14 =	vor.u32 v14, v11;
	[tilespmem:v8+s18+$0x0] =	vst.idx.msk $0xffff, v27;
	v19 =	vld.idx.msk [tilespmem:v19+s22+$0x0], $0xffff  }
0x218: {  	v7 =	vor.u32 s19, v7;
	v9 =	vor.u32 v13, v11;
	[tilespmem:v12+s18+$0x0] =	vst.idx.msk $0xffff, v15;
	v8 =	vld.idx.msk [tilespmem:v10+s22+$0x0], $0xffff  }
0x219: {  	v6 =	vld.idx.msk [tilespmem:v6+s22+$0x0], $0xffff  }
0x21a: {  	s2 =	simm.s32 $0x0;
	[tilespmem:v5+s18+$0x0] =	vst.idx.msk $0xffff, v16  }
0x21b: {  	s4 =	sand.u32 $0x70, s2;
	[tilespmem:v22+s18+$0x0] =	vst.idx.msk $0xffff, v18  }
0x21c: {  	s2 =	sand.u32 $0xE, s2;
	v12 =	vmov s4;
	[tilespmem:v20+s18+$0x0] =	vst.idx.msk $0xffff, v19;
	v10 =	vld.idx.msk [tilespmem:v14+s22+$0x0], $0xffff  }
0x21d: {  	v11 =	vor.u32 s29, v21;
	v13 =	vadd.s32 s2, v0;
	v5 =	vshll.u32 v12, $0x6;
	[tilespmem:v7+s18+$0x0] =	vst.idx.msk $0xffff, v8;
	v9 =	vld.idx.msk [tilespmem:v9+s22+$0x0], $0xffff  }
0x21e: {  	s2 =	sor.u32 $0x1, s2;
	v12 =	vshll.u32 v13, $0x7;
	v7 =	vshll.u32 v13, $0x9;
	[tilespmem:v4+s18+$0x0] =	vst.idx.msk $0xffff, v6;
	v4 =	vor.u32 v1, v5  }
0x21f: {  	v8 =	vand.u32 $0xF, v13;
	v21 =	vor.u32 $0x30, v4;
	v14 =	vadd.s32 s2, v0  }
0x220: {  	v7 =	vand.u32 $0x1000, v7;
	v23 =	vor.u32 v13, v21;
	v6 =	vand.u32 $0xF, v14  }
0x221: {  	v5 =	vshll.u32 v14, $0x9;
	v15 =	vor.u32 v4, v6;
	[tilespmem:v17+s18+$0x0] =	vst.idx.msk $0xffff, v10;
	v10 =	vand.u32 $0x380, v12  }
0x222: {  	s9 =	simm.s32 @!p0 $0x2400;
	s2 =	simm.s32 @!p0 $0x80;
	v5 =	vand.u32 $0x1000, v5;
	[tilespmem:v11+s18+$0x0] =	vst.idx.msk $0xffff, v9;
	v7 =	vor.u32 v7, v10;
	v9 =	vshll.u32 v14, $0x7  }
0x223: {  	v12 =	vor.u32 v8, v4;
	[tilespmem:s9], [sflag:$0x4] =	stream.indirect.gather @!p0 [hbm4b:s5+s2], $0x40, s2, s2, $0xb8;
	v7 =	vor.u32 v3, v7;
	v9 =	vand.u32 $0x380, v9;
	[tilespmem:$0x18400] =	vst v63  }
0x224: {  	v10 =	vor.u32 $0x10, v4;
	s9 =	sor.u32 $0x800, s4;
	v16 =	vor.u32 v2, v7;
	v5 =	vor.u32 v5, v9  }
0x225: {  	s16 =	sor.u32 $0x4800, s4;
	v7 =	vor.u32 v14, v10;
	_ =	swait.ge [sflag:s23], $0x2000;
	v9 =	vor.u32 $0x20, v4;
	v11 =	vor.u32 s9, v16  }
0x226: {  	s19 =	simm.s32 $0x2;
	s17 =	sor.u32 $0x2800, s4;
	v17 =	vor.u32 v0, v5;
	[sflag:s23] =	ssyncset.done $0x0;
	v5 =	vor.u32 v13, v10;
	v19 =	vor.u32 s16, v16  }
0x227: {  	s28 =	sand.u32 $0x70, s19;
	s4 =	sor.u32 $0x6800, s4;
	v18 =	vor.u32 v8, v9;
	v20 =	vor.u32 v6, v9;
	v22 =	vor.u32 s17, v16;
	[sflag:s23] =	ssyncadd.s32 $0xFFFFE000  }
0x228: {  	v6 =	vmov s28;
	v10 =	vor.u32 s9, v17;
	v9 =	vor.u32 s4, v17;
	s9 =	sand.u32 $0xE, s19;
	v4 =	vld.idx.msk [tilespmem:v15+s24+$0x0], $0xffff  }
0x229: {  	v24 =	vor.u32 s17, v17;
	v17 =	vor.u32 s16, v17;
	v13 =	vadd.s32 s9, v0;
	s9 =	sor.u32 $0x1, s9;
	v8 =	vld.idx.msk [tilespmem:v12+s24+$0x0], $0xffff  }
0x22a: {  	v12 =	vshll.u32 v6, $0x6;
	v15 =	vshll.u32 v13, $0x7;
	v6 =	vadd.s32 s9, v0  }
0x22b: {  	v25 =	vor.u32 v1, v12;
	v27 =	vshll.u32 v13, $0x9;
	v28 =	vand.u32 $0xF, v13  }
0x22c: {  	v12 =	vshll.u32 v6, $0x9;
	v26 =	vand.u32 $0xF, v6;
	v27 =	vand.u32 $0x1000, v27  }
0x22d: {  	v15 =	vand.u32 $0x380, v15;
	v30 =	vor.u32 v28, v25;
	v29 =	vor.u32 v25, v26;
	[tilespmem:v10+s18+$0x0] =	vst.idx.msk $0xffff, v4  }
0x22e: {  	v4 =	vor.u32 v27, v15;
	v10 =	vand.u32 $0x1000, v12;
	v12 =	vshll.u32 v6, $0x7;
	[tilespmem:v11+s18+$0x0] =	vst.idx.msk $0xffff, v8;
	v11 =	vld.idx.msk [tilespmem:v7+s24+$0x0], $0xffff  }
0x22f: {  	v8 =	vor.u32 $0x10, v25;
	v4 =	vor.u32 v3, v4;
	v12 =	vand.u32 $0x380, v12;
	v27 =	vld.idx.msk [tilespmem:v5+s24+$0x0], $0xffff  }
0x230: {  	v31 =	vor.u32 v6, v8;
	v5 =	vor.u32 $0x20, v25;
	v33 =	vor.u32 v13, v8  }
0x231: {  	v7 =	vor.u32 v2, v4;
	v4 =	vor.u32 v10, v12;
	v35 =	vor.u32 v28, v5  }
0x232: {  	s2 =	simm.s32 $0x4;
	s17 =	sor.u32 $0x4800, s28;
	s9 =	sor.u32 $0x800, s28;
	v15 =	vor.u32 v26, v5;
	v5 =	vor.u32 s4, v16;
	v12 =	vor.u32 v0, v4  }
0x233: {  	s19 =	sor.u32 $0x6800, s28;
	s4 =	sand.u32 $0x70, s2;
	v32 =	vor.u32 s9, v7;
	v8 =	vor.u32 s17, v7;
	v29 =	vld.idx.msk [tilespmem:v29+s24+$0x0], $0xffff;
	v34 =	vor.u32 s9, v12;
	[tilespmem:v24+s18+$0x0] =	vst.idx.msk $0xffff, v11  }
0x234: {  	v21 =	vor.u32 v14, v21;
	v14 =	vmov s4;
	v4 =	vor.u32 s19, v12;
	s9 =	sor.u32 $0x2800, s28;
	s28 =	sand.u32 $0xE, s2;
	v24 =	vld.idx.msk [tilespmem:v30+s24+$0x0], $0xffff;
	[tilespmem:v22+s18+$0x0] =	vst.idx.msk $0xffff, v27  }
0x235: {  	s16 =	sor.u32 $0x1, s28;
	v26 =	vor.u32 s9, v12;
	v11 =	vor.u32 $0x30, v25;
	v27 =	vor.u32 s9, v7;
	v16 =	vld.idx.msk [tilespmem:v18+s24+$0x0], $0xffff  }
0x236: {  	v10 =	vor.u32 v13, v11;
	v20 =	vld.idx.msk [tilespmem:v20+s24+$0x0], $0xffff;
	v18 =	vshll.u32 v14, $0x6;
	v14 =	vadd.s32 s16, v0  }
0x237: {  	v13 =	vadd.s32 s28, v0;
	v18 =	vor.u32 v1, v18;
	v30 =	vand.u32 $0xF, v14  }
0x238: {  	v22 =	vshll.u32 v13, $0x7;
	v62 =	vand.u32 $0xF, v13;
	[tilespmem:v34+s18+$0x0] =	vst.idx.msk $0xffff, v29;
	v29 =	vor.u32 v18, v30  }
0x239: {  	v63 =	vor.u32 $0x20, v18;
	v28 =	vld.idx.msk [tilespmem:v31+s24+$0x0], $0xffff;
	v31 =	vor.u32 v62, v18;
	[tilespmem:v32+s18+$0x0] =	vst.idx.msk $0xffff, v24;
	v24 =	vshll.u32 v13, $0x9  }
0x23a: {  	v22 =	vand.u32 $0x380, v22;
	v30 =	vor.u32 v30, v63;
	v33 =	vld.idx.msk [tilespmem:v33+s24+$0x0], $0xffff;
	v24 =	vand.u32 $0x1000, v24;
	[tilespmem:v19+s18+$0x0] =	vst.idx.msk $0xffff, v16  }
0x23b: {  	v25 =	vshll.u32 v14, $0x9;
	[tilespmem:v17+s18+$0x0] =	vst.idx.msk $0xffff, v20;
	v19 =	vor.u32 v24, v22;
	v24 =	vshll.u32 v14, $0x7;
	v16 =	vld.idx.msk [tilespmem:v23+s24+$0x0], $0xffff  }
0x23c: {  	v22 =	vand.u32 $0x1000, v25;
	v23 =	vld.idx.msk [tilespmem:v21+s24+$0x0], $0xffff;
	v17 =	vor.u32 v3, v19;
	v20 =	vand.u32 $0x380, v24  }
0x23d: {  	v19 =	vor.u32 $0x10, v18;
	v29 =	vld.idx.msk [tilespmem:v29+s24+$0x0], $0xffff;
	v21 =	vor.u32 v2, v17;
	v17 =	vor.u32 v22, v20  }
0x23e: {  	s16 =	sor.u32 $0x800, s4;
	v22 =	vor.u32 v14, v19;
	[tilespmem:v26+s18+$0x0] =	vst.idx.msk $0xffff, v28;
	v28 =	vld.idx.msk [tilespmem:v31+s24+$0x0], $0xffff;
	v25 =	vor.u32 v0, v17  }
0x23f: {  	s29 =	sor.u32 $0x6800, s4;
	s28 =	sor.u32 $0x4800, s4;
	v26 =	vor.u32 v13, v19;
	v19 =	vor.u32 v62, v63;
	v31 =	vor.u32 s16, v25;
	[tilespmem:v27+s18+$0x0] =	vst.idx.msk $0xffff, v33  }
0x240: {  	v24 =	vor.u32 s16, v21;
	v20 =	vor.u32 s28, v21;
	s16 =	sor.u32 $0x2800, s4;
	v17 =	vor.u32 s29, v25;
	v27 =	vld.idx.msk [tilespmem:v35+s24+$0x0], $0xffff  }
.LBB2_15:
0x241: {  	s2 =	sadd.s32 $0x2, s2;
	v36 =	vor.u32 s19, v7;
	v32 =	vld.idx.msk [tilespmem:v15+s24+$0x0], $0xffff;
	v33 =	vor.u32 v6, v11;
	v11 =	vor.u32 $0x30, v18;
	[tilespmem:v9+s18+$0x0] =	vst.idx.msk $0xffff, v23;
	s19 =	smov.u32 s29  }
0x242: {  	v34 =	vor.u32 s16, v21;
	v23 =	vor.u32 s17, v12;
	s29 =	sand.u32 $0x70, s2;
	s4 =	sand.u32 $0xE, s2;
	p1 =	slt.u32 s2, $0x7E;
	v9 =	vor.u32 v13, v11;
	[tilespmem:v5+s18+$0x0] =	vst.idx.msk $0xffff, v16;
	v5 =	vmovc v36  }
0x243: {  	v35 =	vor.u32 s16, v25;
	v6 =	vmovc v14;
	v7 =	vmovc v21;
	s17 =	smov.u32 s28;
	v18 =	vmov s29;
	v13 =	vadd.s32 s4, v0;
	s4 =	sor.u32 $0x1, s4;
	s16 =	sor.u32 $0x2800, s29  }
0x244: {  	v12 =	vmovc v25;
	v15 =	vmovc v30;
	v16 =	vshll.u32 v18, $0x6;
	v21 =	vshll.u32 v13, $0x7;
	v14 =	vadd.s32 s4, v0;
	[tilespmem:v31+s18+$0x0] =	vst.idx.msk $0xffff, v29  }
0x245: {  	v18 =	vor.u32 v1, v16;
	v25 =	vshll.u32 v14, $0x9;
	v30 =	vand.u32 $0xF, v14;
	[tilespmem:v24+s18+$0x0] =	vst.idx.msk $0xffff, v28;
	v28 =	vld.idx.msk [tilespmem:v22+s24+$0x0], $0xffff  }
0x246: {  	v36 =	vand.u32 $0xF, v13;
	v16 =	vshll.u32 v13, $0x9;
	v29 =	vor.u32 v18, v30;
	v37 =	vld.idx.msk [tilespmem:v26+s24+$0x0], $0xffff;
	[tilespmem:v8+s18+$0x0] =	vst.idx.msk $0xffff, v27  }
0x247: {  	v21 =	vand.u32 $0x380, v21;
	v27 =	vand.u32 $0x1000, v16;
	v26 =	vor.u32 v36, v18;
	v16 =	vld.idx.msk [tilespmem:v10+s24+$0x0], $0xffff;
	[tilespmem:v23+s18+$0x0] =	vst.idx.msk $0xffff, v32  }
0x248: {  	v24 =	vshll.u32 v14, $0x7;
	v22 =	vand.u32 $0x1000, v25;
	v8 =	vmovc v20;
	v21 =	vor.u32 v27, v21;
	v10 =	vmovc v9;
	v23 =	vld.idx.msk [tilespmem:v33+s24+$0x0], $0xffff  }
.Ltmp8:
0x249: {  	v24 =	vand.u32 $0x380, v24;
	v27 =	vor.u32 $0x10, v18;
	v9 =	vmovc v4;
	v4 =	vmovc v17;
	v20 =	vor.u32 v3, v21;
	(pc) =	sbr.rel @p1 .LBB2_15-.Ltmp8, $4  }
0x24a: {  	s4 =	sor.u32 $0x800, s29;
	v17 =	vor.u32 v22, v24;
	v22 =	vor.u32 v14, v27;
	v21 =	vor.u32 v2, v20  }
0x24b: {  	s28 =	sor.u32 $0x4800, s29;
	v32 =	vor.u32 $0x20, v18;
	v25 =	vor.u32 v0, v17;
	v24 =	vor.u32 s4, v21;
	v29 =	vld.idx.msk [tilespmem:v29+s24+$0x0], $0xffff;
	[tilespmem:v35+s18+$0x0] =	vst.idx.msk $0xffff, v28  }
0x24c: {  	s29 =	sor.u32 $0x6800, s29;
	v31 =	vor.u32 s4, v25;
	v20 =	vor.u32 s28, v21;
	v28 =	vld.idx.msk [tilespmem:v26+s24+$0x0], $0xffff;
	v26 =	vor.u32 v13, v27;
	[tilespmem:v34+s18+$0x0] =	vst.idx.msk $0xffff, v37  }
0x24d: {  	v30 =	vor.u32 v30, v32;
	v17 =	vor.u32 s29, v25;
	v27 =	vld.idx.msk [tilespmem:v19+s24+$0x0], $0xffff;
	v19 =	vor.u32 v36, v32  }
0x24e: {  	_ =	sdelay $0x3  }
0x24f: {  	[tilespmem:v31+s18+$0x0] =	vst.idx.msk $0xffff, v29  }
0x250: {  	v29 =	vor.u32 s16, v25;
	[tilespmem:v24+s18+$0x0] =	vst.idx.msk $0xffff, v28;
	v22 =	vld.idx.msk [tilespmem:v22+s24+$0x0], $0xffff  }
0x251: {  	v24 =	vor.u32 s16, v21;
	v26 =	vld.idx.msk [tilespmem:v26+s24+$0x0], $0xffff  }
0x252: {  	v15 =	vld.idx.msk [tilespmem:v15+s24+$0x0], $0xffff;
	v12 =	vor.u32 s17, v12  }
0x253: {  	v6 =	vor.u32 v6, v11  }
0x254: {  	[tilespmem:v9+s18+$0x0] =	vst.idx.msk $0xffff, v23  }
0x255: {  	[tilespmem:v29+s18+$0x0] =	vst.idx.msk $0xffff, v22  }
0x256: {  	v11 =	vor.u32 $0x30, v18;
	v22 =	vor.u32 s28, v25;
	[tilespmem:v24+s18+$0x0] =	vst.idx.msk $0xffff, v26;
	v18 =	vld.idx.msk [tilespmem:v30+s24+$0x0], $0xffff  }
0x257: {  	v14 =	vor.u32 v14, v11;
	[tilespmem:v12+s18+$0x0] =	vst.idx.msk $0xffff, v15;
	v19 =	vld.idx.msk [tilespmem:v19+s24+$0x0], $0xffff  }
0x258: {  	v9 =	vor.u32 v13, v11;
	[tilespmem:v8+s18+$0x0] =	vst.idx.msk $0xffff, v27;
	v6 =	vld.idx.msk [tilespmem:v6+s24+$0x0], $0xffff  }
0x259: {  	v7 =	vor.u32 s19, v7;
	s2 =	simm.s32 $0x0;
	v8 =	vld.idx.msk [tilespmem:v10+s24+$0x0], $0xffff  }
0x25a: {  	[tilespmem:v5+s18+$0x0] =	vst.idx.msk $0xffff, v16;
	s4 =	sand.u32 $0x70, s2  }
0x25b: {  	s2 =	sand.u32 $0xE, s2;
	v12 =	vmov s4;
	[tilespmem:v22+s18+$0x0] =	vst.idx.msk $0xffff, v18  }
0x25c: {  	v13 =	vadd.s32 s2, v0;
	v5 =	vshll.u32 v12, $0x6;
	[tilespmem:v20+s18+$0x0] =	vst.idx.msk $0xffff, v19;
	v10 =	vld.idx.msk [tilespmem:v14+s24+$0x0], $0xffff  }
0x25d: {  	v11 =	vor.u32 s29, v21;
	v12 =	vshll.u32 v13, $0x7;
	[tilespmem:v4+s18+$0x0] =	vst.idx.msk $0xffff, v6;
	v4 =	vor.u32 v1, v5;
	v9 =	vld.idx.msk [tilespmem:v9+s24+$0x0], $0xffff  }
0x25e: {  	s2 =	sor.u32 $0x1, s2;
	[tilespmem:v7+s18+$0x0] =	vst.idx.msk $0xffff, v8;
	v7 =	vshll.u32 v13, $0x9;
	v8 =	vand.u32 $0xF, v13;
	v22 =	vor.u32 $0x30, v4  }
0x25f: {  	v7 =	vand.u32 $0x1000, v7;
	v14 =	vadd.s32 s2, v0;
	v24 =	vor.u32 v13, v22  }
0x260: {  	v5 =	vshll.u32 v14, $0x9;
	v6 =	vand.u32 $0xF, v14;
	v22 =	vor.u32 v14, v22  }
0x261: {  	v15 =	vor.u32 v4, v6;
	v5 =	vand.u32 $0x1000, v5;
	[tilespmem:v17+s18+$0x0] =	vst.idx.msk $0xffff, v10;
	v10 =	vand.u32 $0x380, v12  }
0x262: {  	s9 =	simm.s32 @!p0 $0x100;
	s16 =	simm.s32 @!p0 $0x4400;
	s2 =	simm.s32 @!p0 $0x80;
	v12 =	vor.u32 v8, v4;
	[tilespmem:v11+s18+$0x0] =	vst.idx.msk $0xffff, v9;
	v7 =	vor.u32 v7, v10;
	v9 =	vshll.u32 v14, $0x7  }
0x263: {  	v10 =	vor.u32 $0x10, v4;
	[tilespmem:s16], [sflag:$0x5] =	stream.indirect.gather @!p0 [hbm4b:s5+s2], $0x40, s9, s2, $0xb8;
	v7 =	vor.u32 v3, v7;
	v9 =	vand.u32 $0x380, v9;
	[tilespmem:$0x18400] =	vst v63  }
0x264: {  	s9 =	sor.u32 $0xC00, s4;
	v16 =	vor.u32 v2, v7;
	v5 =	vor.u32 v5, v9;
	v9 =	vor.u32 v14, v10;
	_ =	swait.ge [sflag:s8], $0x2000  }
0x265: {  	s16 =	sor.u32 $0x4C00, s4;
	v7 =	vor.u32 $0x20, v4;
	v10 =	vor.u32 v13, v10;
	v11 =	vor.u32 s9, v16;
	[sflag:s8] =	ssyncset.done $0x0  }
0x266: {  	s19 =	simm.s32 $0x2;
	s17 =	sor.u32 $0x2C00, s4;
	v17 =	vor.u32 v0, v5;
	v18 =	vor.u32 s16, v16;
	v20 =	vor.u32 v8, v7;
	[sflag:s8] =	ssyncadd.s32 $0xFFFFE000  }
0x267: {  	s28 =	sand.u32 $0x70, s19;
	s4 =	sor.u32 $0x6C00, s4;
	v21 =	vor.u32 v6, v7;
	v23 =	vor.u32 s17, v16;
	v19 =	vor.u32 s9, v17;
	s9 =	sand.u32 $0xE, s19;
	v4 =	vld.idx.msk [tilespmem:v15+s26+$0x0], $0xffff  }
0x268: {  	v5 =	vmov s28;
	v7 =	vor.u32 s4, v17;
	v13 =	vadd.s32 s9, v0;
	v8 =	vld.idx.msk [tilespmem:v12+s26+$0x0], $0xffff  }
0x269: {  	v6 =	vor.u32 s17, v17;
	s9 =	sor.u32 $0x1, s9;
	v12 =	vshll.u32 v5, $0x6;
	v15 =	vshll.u32 v13, $0x7  }
0x26a: {  	v5 =	vadd.s32 s9, v0;
	v25 =	vor.u32 v1, v12;
	v27 =	vshll.u32 v13, $0x9  }
0x26b: {  	v28 =	vand.u32 $0xF, v13;
	v26 =	vand.u32 $0xF, v5;
	v27 =	vand.u32 $0x1000, v27  }
0x26c: {  	v15 =	vand.u32 $0x380, v15;
	v30 =	vor.u32 v28, v25;
	v29 =	vor.u32 v25, v26;
	[tilespmem:v19+s18+$0x0] =	vst.idx.msk $0xffff, v4  }
0x26d: {  	v12 =	vshll.u32 v5, $0x9;
	v4 =	vor.u32 v27, v15;
	v15 =	vshll.u32 v5, $0x7;
	[tilespmem:v11+s18+$0x0] =	vst.idx.msk $0xffff, v8;
	v11 =	vld.idx.msk [tilespmem:v9+s26+$0x0], $0xffff  }
0x26e: {  	v12 =	vand.u32 $0x1000, v12;
	v4 =	vor.u32 v3, v4;
	v15 =	vand.u32 $0x380, v15;
	v10 =	vld.idx.msk [tilespmem:v10+s26+$0x0], $0xffff  }
0x26f: {  	v9 =	vor.u32 $0x10, v25;
	v8 =	vor.u32 v2, v4;
	v4 =	vor.u32 v12, v15  }
0x270: {  	s9 =	sor.u32 $0xC00, s28;
	v19 =	vor.u32 v5, v9;
	v15 =	vor.u32 $0x20, v25;
	v31 =	vor.u32 v13, v9  }
0x271: {  	s17 =	sor.u32 $0x4C00, s28;
	v27 =	vor.u32 s9, v8;
	v12 =	vor.u32 v0, v4;
	v33 =	vor.u32 v28, v15  }
0x272: {  	s19 =	sor.u32 $0x6C00, s28;
	v9 =	vor.u32 s17, v8;
	v15 =	vor.u32 v26, v15;
	v26 =	vld.idx.msk [tilespmem:v30+s26+$0x0], $0xffff;
	v32 =	vor.u32 s9, v12;
	s9 =	sor.u32 $0x2C00, s28;
	[tilespmem:v6+s18+$0x0] =	vst.idx.msk $0xffff, v11  }
0x273: {  	s2 =	simm.s32 $0x4;
	v29 =	vld.idx.msk [tilespmem:v29+s26+$0x0], $0xffff;
	v4 =	vor.u32 s19, v12;
	v30 =	vor.u32 s9, v8;
	v11 =	vor.u32 $0x30, v25;
	[tilespmem:v23+s18+$0x0] =	vst.idx.msk $0xffff, v10  }
0x274: {  	s28 =	sand.u32 $0xE, s2;
	v6 =	vor.u32 s4, v16;
	s4 =	sand.u32 $0x70, s2;
	v23 =	vor.u32 s16, v17;
	v10 =	vor.u32 v13, v11;
	v17 =	vld.idx.msk [tilespmem:v20+s26+$0x0], $0xffff  }
0x275: {  	s16 =	sor.u32 $0x1, s28;
	v14 =	vmov s4;
	v13 =	vadd.s32 s28, v0;
	v20 =	vor.u32 s9, v12;
	v21 =	vld.idx.msk [tilespmem:v21+s26+$0x0], $0xffff  }
0x276: {  	v16 =	vshll.u32 v14, $0x6;
	v25 =	vshll.u32 v13, $0x7;
	v14 =	vadd.s32 s16, v0  }
0x277: {  	[tilespmem:v27+s18+$0x0] =	vst.idx.msk $0xffff, v26;
	v26 =	vshll.u32 v13, $0x9;
	v16 =	vor.u32 v1, v16;
	v63 =	vand.u32 $0xF, v14  }
0x278: {  	v27 =	vand.u32 $0xF, v13;
	[tilespmem:v32+s18+$0x0] =	vst.idx.msk $0xffff, v29;
	v28 =	vshll.u32 v14, $0x9;
	v29 =	vor.u32 v16, v63  }
0x279: {  	v34 =	vld.idx.msk [tilespmem:v31+s26+$0x0], $0xffff;
	v26 =	vand.u32 $0x1000, v26;
	v25 =	vand.u32 $0x380, v25;
	v31 =	vor.u32 v27, v16;
	[tilespmem:v18+s18+$0x0] =	vst.idx.msk $0xffff, v17  }
0x27a: {  	v19 =	vld.idx.msk [tilespmem:v19+s26+$0x0], $0xffff;
	v35 =	vor.u32 $0x10, v16;
	v18 =	vor.u32 v26, v25;
	v26 =	vshll.u32 v14, $0x7;
	[tilespmem:v23+s18+$0x0] =	vst.idx.msk $0xffff, v21  }
0x27b: {  	v25 =	vand.u32 $0x1000, v28;
	v18 =	vor.u32 v3, v18;
	v23 =	vand.u32 $0x380, v26;
	v22 =	vld.idx.msk [tilespmem:v22+s26+$0x0], $0xffff  }
0x27c: {  	v36 =	vor.u32 $0x20, v16;
	v17 =	vld.idx.msk [tilespmem:v24+s26+$0x0], $0xffff;
	v21 =	vor.u32 v2, v18;
	v18 =	vor.u32 v25, v23  }
0x27d: {  	s16 =	sor.u32 $0xC00, s4;
	v26 =	vor.u32 v13, v35;
	v23 =	vor.u32 v14, v35;
	v29 =	vld.idx.msk [tilespmem:v29+s26+$0x0], $0xffff;
	v25 =	vor.u32 v0, v18  }
0x27e: {  	s28 =	sor.u32 $0x4C00, s4;
	s29 =	sor.u32 $0x6C00, s4;
	[tilespmem:v30+s18+$0x0] =	vst.idx.msk $0xffff, v34;
	v30 =	vor.u32 v63, v36;
	v24 =	vor.u32 s16, v21;
	v28 =	vld.idx.msk [tilespmem:v31+s26+$0x0], $0xffff;
	v31 =	vor.u32 s16, v25  }
0x27f: {  	[tilespmem:v20+s18+$0x0] =	vst.idx.msk $0xffff, v19;
	v20 =	vor.u32 s28, v21;
	v18 =	vor.u32 v27, v36;
	v27 =	vld.idx.msk [tilespmem:v33+s26+$0x0], $0xffff;
	s16 =	sor.u32 $0x2C00, s4;
	v19 =	vor.u32 s29, v25  }
.LBB2_17:
0x280: {  	s2 =	sadd.s32 $0x2, s2;
	v36 =	vor.u32 s19, v8;
	v32 =	vld.idx.msk [tilespmem:v15+s26+$0x0], $0xffff;
	v33 =	vor.u32 v5, v11;
	v11 =	vor.u32 $0x30, v16;
	[tilespmem:v7+s18+$0x0] =	vst.idx.msk $0xffff, v22;
	s19 =	smov.u32 s29  }
0x281: {  	v34 =	vor.u32 s16, v21;
	v22 =	vor.u32 s17, v12;
	s29 =	sand.u32 $0x70, s2;
	s4 =	sand.u32 $0xE, s2;
	p1 =	slt.u32 s2, $0x7E;
	v7 =	vor.u32 v13, v11;
	[tilespmem:v6+s18+$0x0] =	vst.idx.msk $0xffff, v17;
	v6 =	vmovc v36  }
0x282: {  	v35 =	vor.u32 s16, v25;
	v5 =	vmovc v14;
	v8 =	vmovc v21;
	s17 =	smov.u32 s28;
	v36 =	vmov s29;
	v13 =	vadd.s32 s4, v0;
	s4 =	sor.u32 $0x1, s4;
	s16 =	sor.u32 $0x2C00, s29  }
0x283: {  	v12 =	vmovc v25;
	v15 =	vmovc v30;
	v16 =	vshll.u32 v36, $0x6;
	v17 =	vshll.u32 v13, $0x7;
	v14 =	vadd.s32 s4, v0;
	[tilespmem:v31+s18+$0x0] =	vst.idx.msk $0xffff, v29  }
0x284: {  	v16 =	vor.u32 v1, v16;
	v21 =	vshll.u32 v14, $0x9;
	v30 =	vand.u32 $0xF, v14;
	[tilespmem:v24+s18+$0x0] =	vst.idx.msk $0xffff, v28;
	v28 =	vld.idx.msk [tilespmem:v23+s26+$0x0], $0xffff  }
0x285: {  	v36 =	vand.u32 $0xF, v13;
	v23 =	vshll.u32 v13, $0x9;
	v25 =	vor.u32 v16, v30;
	v37 =	vld.idx.msk [tilespmem:v26+s26+$0x0], $0xffff;
	[tilespmem:v9+s18+$0x0] =	vst.idx.msk $0xffff, v27  }
0x286: {  	v27 =	vand.u32 $0x1000, v23;
	v23 =	vand.u32 $0x380, v17;
	v26 =	vor.u32 v36, v16;
	v17 =	vld.idx.msk [tilespmem:v10+s26+$0x0], $0xffff;
	[tilespmem:v22+s18+$0x0] =	vst.idx.msk $0xffff, v32  }
0x287: {  	v24 =	vand.u32 $0x1000, v21;
	v21 =	vshll.u32 v14, $0x7;
	v9 =	vmovc v20;
	v23 =	vor.u32 v27, v23;
	v10 =	vmovc v7;
	v22 =	vld.idx.msk [tilespmem:v33+s26+$0x0], $0xffff  }
.Ltmp9:
0x288: {  	v27 =	vor.u32 $0x10, v16;
	v7 =	vmovc v4;
	v4 =	vmovc v19;
	v20 =	vor.u32 v3, v23;
	v23 =	vand.u32 $0x380, v21;
	(pc) =	sbr.rel @p1 .LBB2_17-.Ltmp9, $4  }
0x289: {  	s4 =	sor.u32 $0xC00, s29;
	v21 =	vor.u32 v2, v20;
	v19 =	vor.u32 v24, v23;
	v23 =	vor.u32 v14, v27  }
0x28a: {  	s28 =	sor.u32 $0x4C00, s29;
	v32 =	vor.u32 $0x20, v16;
	v24 =	vor.u32 s4, v21;
	v29 =	vld.idx.msk [tilespmem:v25+s26+$0x0], $0xffff;
	v25 =	vor.u32 v0, v19;
	[tilespmem:v35+s18+$0x0] =	vst.idx.msk $0xffff, v28  }
0x28b: {  	s29 =	sor.u32 $0x6C00, s29;
	v20 =	vor.u32 s28, v21;
	v28 =	vld.idx.msk [tilespmem:v26+s26+$0x0], $0xffff;
	v26 =	vor.u32 v13, v27;
	v31 =	vor.u32 s4, v25;
	[tilespmem:v34+s18+$0x0] =	vst.idx.msk $0xffff, v37  }
0x28c: {  	v30 =	vor.u32 v30, v32;
	v19 =	vor.u32 s29, v25;
	v27 =	vld.idx.msk [tilespmem:v18+s26+$0x0], $0xffff;
	v18 =	vor.u32 v36, v32  }
0x28d: {  	_ =	sdelay $0x3  }
0x28e: {  	[tilespmem:v31+s18+$0x0] =	vst.idx.msk $0xffff, v29  }
0x28f: {  	v57 =	vor.u32 s16, v25;
	[tilespmem:v24+s18+$0x0] =	vst.idx.msk $0xffff, v28;
	v23 =	vld.idx.msk [tilespmem:v23+s26+$0x0], $0xffff  }
0x290: {  	v58 =	vor.u32 s16, v21;
	v26 =	vld.idx.msk [tilespmem:v26+s26+$0x0], $0xffff;
	_ =	sdelay $0x3  }
0x291: {  	v15 =	vld.idx.msk [tilespmem:v15+s26+$0x0], $0xffff;
	v12 =	vor.u32 s17, v12;
	[tilespmem:v57+s18+$0x0] =	vst.idx.msk $0xffff, v23  }
0x292: {  	v5 =	vor.u32 v5, v11;
	v59 =	vor.u32 $0x30, v16;
	v61 =	vor.u32 s28, v25;
	[tilespmem:v58+s18+$0x0] =	vst.idx.msk $0xffff, v26;
	v60 =	vld.idx.msk [tilespmem:v30+s26+$0x0], $0xffff  }
0x293: {  	v14 =	vor.u32 v14, v59;
	v18 =	vld.idx.msk [tilespmem:v18+s26+$0x0], $0xffff  }
0x294: {  	v11 =	vor.u32 v13, v59  }
0x295: {  	[tilespmem:v9+s18+$0x0] =	vst.idx.msk $0xffff, v27  }
0x296: {  	v8 =	vor.u32 s19, v8;
	[tilespmem:v12+s18+$0x0] =	vst.idx.msk $0xffff, v15;
	v9 =	vld.idx.msk [tilespmem:v10+s26+$0x0], $0xffff  }
0x297: {  	v5 =	vld.idx.msk [tilespmem:v5+s26+$0x0], $0xffff;
	[tilespmem:v61+s18+$0x0] =	vst.idx.msk $0xffff, v60  }
0x298: {  	[tilespmem:v20+s18+$0x0] =	vst.idx.msk $0xffff, v18;
	v62 =	vld.idx.msk [tilespmem:v14+s26+$0x0], $0xffff  }
0x299: {  	[tilespmem:v7+s18+$0x0] =	vst.idx.msk $0xffff, v22;
	v63 =	vor.u32 s29, v21;
	v11 =	vld.idx.msk [tilespmem:v11+s26+$0x0], $0xffff  }
0x29a: {  	[tilespmem:v6+s18+$0x0] =	vst.idx.msk $0xffff, v17  }
0x29b: {  	[tilespmem:v8+s18+$0x0] =	vst.idx.msk $0xffff, v9  }
0x29c: {  	[tilespmem:v4+s18+$0x0] =	vst.idx.msk $0xffff, v5  }
0x29d: {  	[tilespmem:v19+s18+$0x0] =	vst.idx.msk $0xffff, v62  }
0x29e: {  	s2 =	simm.s32 @!p0 $0x80;
	s4 =	simm.s32 @!p0 $0x180;
	s9 =	simm.s32 @!p0 $0x6400;
	[tilespmem:v63+s18+$0x0] =	vst.idx.msk $0xffff, v11  }
0x29f: {  	[tilespmem:s9], [sflag:$0x6] =	stream.indirect.gather @!p0 [hbm4b:s5+s2], $0x40, s4, s2, $0xb8;
	[tilespmem:$0x18400] =	vst v63  }
0x2a0: {  	s4 =	sadd.s32 s10, s6  }
0x2a1: {  	s6 =	sshll.u32 s4, $0x9;
	s2 =	sshll.u32 s4, $0xC  }
0x2a2: {  	s4 =	sand.u32 $0x3E00, s6;
	s2 =	sand.u32 $0x7FFE0000, s2  }
0x2a3: {  	s2 =	sor.u32 s4, s2  }
0x2a4: {  	s9 =	smov.u32 s7;
	s4 =	sadd.s32 s7, s2;
	s7 =	rddreg [dreg:$0x6]  }
0x2a5: {  	[hbm4b:s4+s3] =	stream.linear.scatter [tilespmem:s18], [sflag:$0x8], $0x1000, $0x38;
	[tilespmem:$0x18400] =	vst v63  }
0x2a6: {  	s16 =	simm.s32 $0x11400;
	s17 =	rddreg [dreg:$0x7];
	s4 =	sadd.s32 s2, s7  }
0x2a7: {  	[hbm4b:s4+s3] =	stream.linear.scatter [tilespmem:s16], [sflag:$0x8], $0x1000, $0x38;
	[tilespmem:$0x18400] =	vst v63  }
0x2a8: {  	s19 =	simm.s32 $0x12400;
	s4 =	sadd.s32 s2, s17  }
0x2a9: {  	[hbm4b:s4+s3] =	stream.linear.scatter [tilespmem:s19], [sflag:$0x8], $0x1000, $0x38;
	[tilespmem:$0x18400] =	vst v63  }
0x2aa: {  	s29 =	simm.s32 $0x13400;
	s28 =	sadd.s32 s2, s11  }
0x2ab: {  	[hbm4b:s28+s3] =	stream.linear.scatter [tilespmem:s29], [sflag:$0x8], $0x1000, $0x38;
	[tilespmem:$0x18400] =	vst v63  }
0x2ac: {  	s6 =	sadd.s32 s2, s12;
	s7 =	simm.s32 $0x14400  }
0x2ad: {  	[hbm4b:s6+s3] =	stream.linear.scatter [tilespmem:s7], [sflag:$0x8], $0x1000, $0x38;
	[tilespmem:$0x18400] =	vst v63  }
0x2ae: {  	s16 =	sadd.s32 s2, s13;
	s17 =	simm.s32 $0x15400  }
0x2af: {  	[hbm4b:s16+s3] =	stream.linear.scatter [tilespmem:s17], [sflag:$0x8], $0x1000, $0x38;
	[tilespmem:$0x18400] =	vst v63  }
.Ltmp10:
0x2b0: {  	_ = 	snop;
	(pc) =	sbr.rel @p0 .LBB2_20-.Ltmp10, $4  }
0x2b1: {  	s19 =	sadd.s32 s2, s14;
	s28 =	simm.s32 $0x16400  }
0x2b2: {  	[hbm4b:s19+s3] =	stream.linear.scatter [tilespmem:s28], [sflag:$0x8], $0x1000, $0x38;
	[tilespmem:$0x18400] =	vst v63  }
0x2b3: {  	s2 =	sadd.s32 s2, s15;
	s29 =	simm.s32 $0x17400  }
0x2b4: {  	[hbm4b:s2+s3] =	stream.linear.scatter [tilespmem:s29], [sflag:$0x8], $0x1000, $0x38;
	[tilespmem:$0x18400] =	vst v63  }
0x2b5: {  	s2 =	rddreg [dreg:$0x9]  }
.Ltmp11:
0x2b6: {  	s2 =	sadd.s32 s25, s2;
	(pc) =	sbr.rel .LBB2_2-.Ltmp11, $4  }
0x2b7: {  	s2 =	sshll.u32 s2, $0x6  }
0x2b8: {  	s4 =	rddreg [dreg:$0x3];
	s2 =	sand.u32 $0xFFFFFC0, s2  }
0x2b9: {  	s7 =	simm.s32 $0x200;
	s0 =	sadd.s32 $0x1, s0;
	s2 =	sadd.s32 s4, s2  }
0x2ba: {  	[tilespmem:s7], [sflag:$0x2] =	stream.linear.gather [hbm4b:s2+s3], $0x200, $0x38;
	[tilespmem:$0x18400] =	vst v63  }
.LBB2_21:
0x2bb: {  	_ =	sfence.sel $0x180000  }
0x2bc: {  	[bflag:$0x0] =	sbarrier.arrive $0xFFFF  }
0x2bd: {  	_ =	strace $0x90000047  }
0x2be: {  	s0 =	stileid.u32;
	[bflag:$0x2] =	sbarrier.arrive $0xFFFF  }
0x2bf: {  	p0 =	sne.s32 s0, $0x0;
	s0 =	rddreg [dreg:$0x2]  }
0x2c0: {  	s0 =	sadd.s32 @!p0 $0x100000, s0  }
0x2c1: {  	[sflag:s0] =	ssyncadd.tile.s32 @!p0 $0x1;
	_ =	shalt  }
.Lfunc_end2:
_tile_overlayer_lowered:
.L_overlay_start_2:
0x2c2: {  	(tag) =	ssettag $0x2  }
0x2c3: {  	s0 =	rddreg [dreg:$0x0];
	s2 =	stileid.u32  }
0x2c4: {  	s1 =	rddreg [dreg:$0x1];
	p0 =	sne.s32 s2, $0x0  }
0x2c5: {  	s3 =	rddreg [dreg:$0x2];
	[bflag:$0x3] =	sbarrier.arrive $0xFFFF;
	s2 =	simm.s32 @!p0 $0x1C09  }
0x2c6: {  	[timem:s3], [sflag:s2] =	dma.local @!p0 [hbm:s0], s1  }
0x2c7: {  	s0 =	simm.s32 @!p0 $0x9  }
0x2c8: {  	_ =	swait.ge @!p0 [sflag:s0], s1  }
0x2c9: {  	s1 =	ssub.s32 @!p0 $0x0, s1;
	[sflag:s0] =	ssyncset.done @!p0 $0x0  }
0x2ca: {  	[sflag:s0] =	ssyncadd.s32 @!p0 s1  }
0x2cb: {  	[bflag:$0x3] =	sbarrier.arrive $0xFFFF  }
0x2cc: {  	_ =	shalt  }

</sc_bundles>
